<compile_context>
chip_gen: v7x
topology: tpu7x:2x2x1
jax: 0.10.2.dev20260603
libtpu: 0.0.44.dev20260713+nightly
codegen_flags: <defaults>
</compile_context>

<pallas_src>
import functools
import math

import jax
import jax.numpy as jnp
from jax import lax
from jax.experimental import pallas as pl
from jax.experimental.pallas import tpu as pltpu
from jax.experimental.pallas import tpu_sc as plsc

N = 10000
E = 160000
ETOT = 320000
EPAD = 323584
D = 128
L = 3
B = 64
BINS_INF = 64
RBF_MIN = -4.0
RBF_MAX = 4.0
POTS = (0.5, 0.3, 0.2)

EBLK = 2048
NBLK = 2000
NTEC = 32
CHUNK = 128
NCHUNK = EPAD // (NTEC * CHUNK)

def _dot(a, b):
    return jnp.dot(a, b, precision=lax.Precision.HIGHEST,
                   preferred_element_type=jnp.float32)


def _silu(x):
    return x * jax.nn.sigmoid(x)


def _merge_stats(acc, i, xm, m, n_b):
    s = jnp.sum(xm, axis=0, keepdims=True)
    mean_b = s / jnp.maximum(n_b, 1.0)
    d = (xm - mean_b) * m
    m2_b = jnp.sum(d * d, axis=0, keepdims=True)

    @pl.when(i == 0)
    def _():
        acc[:, :] = jnp.zeros_like(acc)

    n_a = acc[0:1, :]
    mean_a = acc[1:2, :]
    m2_a = acc[2:3, :]
    n = n_a + n_b
    w = n_b / jnp.maximum(n, 1.0)
    delta = mean_b - mean_a
    acc[0:1, :] = n
    acc[1:2, :] = mean_a + delta * w
    acc[2:3, :] = m2_a + m2_b + delta * delta * n_a * w


def _ea_kernel(dist_ref, edge_W_ref, edge_b_ref, inf_W_ref, inf_b_ref,
               t_ref, stats_ref, acc):
    i = pl.program_id(0)
    row0 = i * EBLK
    rows = row0 + lax.broadcasted_iota(jnp.int32, (EBLK, 1), 0)
    d = dist_ref[:, :]

    gam_g = (D - 1) / (RBF_MAX - RBF_MIN)
    cent_g = RBF_MIN + lax.broadcasted_iota(jnp.int32, (1, D), 1).astype(
        jnp.float32) * ((RBF_MAX - RBF_MIN) / (D - 1))
    base_g = gam_g * (d - cent_g)
    feat_g = jnp.exp(-base_g * base_g)
    yg = _dot(feat_g, edge_W_ref[:, :]) + edge_b_ref[:, :]
    ef = _silu(yg)

    gam_m = (BINS_INF - 1) / (RBF_MAX - RBF_MIN)
    cent_m = RBF_MIN + lax.broadcasted_iota(jnp.int32, (1, BINS_INF), 1).astype(
        jnp.float32) * ((RBF_MAX - RBF_MIN) / (BINS_INF - 1))
    base_m = gam_m * (d - cent_m)
    feat_m = jnp.sqrt(1.0 + base_m * base_m)
    ym = _dot(feat_m, inf_W_ref[:, :]) + inf_b_ref[:, :]
    ief = jax.nn.softplus(ym)

    is_ef = rows < E
    is_ief = jnp.logical_and(rows >= E, rows < ETOT)
    t = jnp.where(is_ef, ef, jnp.where(is_ief, ief, 0.0))
    t_ref[:, :] = t

    m = is_ief.astype(jnp.float32)
    _merge_stats(acc, i, ief * m, m, jnp.sum(m))

    @pl.when(i == pl.num_programs(0) - 1)
    def _():
        stats_ref[0:1, :] = acc[1:2, :]
        stats_ref[1:2, :] = acc[2:3, :] / E


def _edge_feats(dist, edge_W, edge_b, inf_W, inf_b):
    return pl.pallas_call(
        _ea_kernel,
        grid=(EPAD // EBLK,),
        in_specs=[
            pl.BlockSpec((EBLK, 1), lambda i: (i, 0)),
            pl.BlockSpec((D, D), lambda i: (0, 0)),
            pl.BlockSpec((1, D), lambda i: (0, 0)),
            pl.BlockSpec((BINS_INF, D), lambda i: (0, 0)),
            pl.BlockSpec((1, D), lambda i: (0, 0)),
        ],
        out_specs=[
            pl.BlockSpec((EBLK, D), lambda i: (i, 0)),
            pl.BlockSpec((2, D), lambda i: (0, 0)),
        ],
        out_shape=[
            jax.ShapeDtypeStruct((EPAD, D), jnp.float32),
            jax.ShapeDtypeStruct((2, D), jnp.float32),
        ],
        scratch_shapes=[pltpu.VMEM((3, D), jnp.float32)],
    )(dist, edge_W, edge_b.reshape(1, D), inf_W, inf_b.reshape(1, D))


def _h0_kernel(x_ref, emb_ref, aw_ref, ab_ref, h_ref):
    xi = x_ref[:, :]
    lanes = lax.broadcasted_iota(jnp.int32, (1, D), 1)
    onehot = (xi == lanes).astype(jnp.float32)
    emb = _dot(onehot, emb_ref[:, :])
    h_ref[:, :] = _dot(emb, aw_ref[:, :]) + ab_ref[:, :]


def _atom_embed(x, emb_pad, aw_pad, atom_b):
    return pl.pallas_call(
        _h0_kernel,
        grid=(N // NBLK,),
        in_specs=[
            pl.BlockSpec((NBLK, 1), lambda i: (i, 0)),
            pl.BlockSpec((D, D), lambda i: (0, 0)),
            pl.BlockSpec((D, D), lambda i: (0, 0)),
            pl.BlockSpec((1, D), lambda i: (0, 0)),
        ],
        out_specs=pl.BlockSpec((NBLK, D), lambda i: (i, 0)),
        out_shape=jax.ShapeDtypeStruct((N, D), jnp.float32),
    )(x.reshape(N, 1), emb_pad, aw_pad, atom_b.reshape(1, D))


def _aggstats_kernel(p0_ref, p1_ref, stats_ref, acc):
    i = pl.program_id(0)
    agg = p0_ref[:, :] + p1_ref[:, :]
    ones = jnp.ones((NBLK, 1), jnp.float32)
    _merge_stats(acc, i, agg, ones, float(NBLK))

    @pl.when(i == pl.num_programs(0) - 1)
    def _():
        stats_ref[0:1, :] = acc[1:2, :]
        stats_ref[1:2, :] = acc[2:3, :] / N


def _agg_stats(p0, p1):
    return pl.pallas_call(
        _aggstats_kernel,
        grid=(N // NBLK,),
        in_specs=[pl.BlockSpec((NBLK, D), lambda i: (i, 0))] * 2,
        out_specs=pl.BlockSpec((2, D), lambda i: (0, 0)),
        out_shape=jax.ShapeDtypeStruct((2, D), jnp.float32),
        scratch_shapes=[pltpu.VMEM((3, D), jnp.float32)],
    )(p0, p1)


def _update_kernel(h_ref, p0_ref, p1_ref, stats_ref, g_ref, b_ref, hn_ref):
    agg = p0_ref[:, :] + p1_ref[:, :]
    mean = stats_ref[0:1, :]
    inv = 1.0 / jnp.sqrt(stats_ref[1:2, :] + 1e-5)
    hn_ref[:, :] = jnp.maximum(
        h_ref[:, :] + g_ref[:, :] * (agg - mean) * inv + b_ref[:, :], 0.0)


def _update_nodes(h, p0, p1, stats, g, b):
    return pl.pallas_call(
        _update_kernel,
        grid=(N // NBLK,),
        in_specs=[pl.BlockSpec((NBLK, D), lambda i: (i, 0))] * 3 +
                 [pl.BlockSpec((2, D), lambda i: (0, 0)),
                  pl.BlockSpec((1, D), lambda i: (0, 0)),
                  pl.BlockSpec((1, D), lambda i: (0, 0))],
        out_specs=pl.BlockSpec((NBLK, D), lambda i: (i, 0)),
        out_shape=jax.ShapeDtypeStruct((N, D), jnp.float32),
    )(h, p0, p1, stats, g.reshape(1, D), b.reshape(1, D))


def _make_gather():
    mesh = plsc.VectorSubcoreMesh(core_axis_name="c", subcore_axis_name="s")

    @functools.partial(
        pl.kernel, mesh=mesh,
        out_type=[jax.ShapeDtypeStruct((EPAD, D), jnp.float32),
                  jax.ShapeDtypeStruct((EPAD, D), jnp.float32)],
        scratch_types=[
            pltpu.VMEM((NCHUNK, CHUNK), jnp.int32),
            pltpu.VMEM((NCHUNK, CHUNK), jnp.int32),
            pltpu.VMEM((CHUNK, D), jnp.float32),
            pltpu.VMEM((CHUNK, D), jnp.float32),
            pltpu.SemaphoreType.DMA,
            pltpu.SemaphoreType.DMA,
        ],
    )
    def gather(h_hbm, idxd_hbm, idxs_hbm, gd_hbm, gs_hbm,
               idxd_v, idxs_v, rowd_v, rows_v, semd, sems):
        wid = lax.axis_index("s") * 2 + lax.axis_index("c")
        pltpu.sync_copy(idxd_hbm.at[wid], idxd_v)
        pltpu.sync_copy(idxs_hbm.at[wid], idxs_v)
        base = wid * (NCHUNK * CHUNK)

        def body(j, carry):
            off = base + j * CHUNK
            cd = pltpu.async_copy(h_hbm.at[idxd_v.at[j]], rowd_v, semd)
            cs = pltpu.async_copy(h_hbm.at[idxs_v.at[j]], rows_v, sems)
            cd.wait()
            pltpu.sync_copy(rowd_v, gd_hbm.at[pl.ds(off, CHUNK)])
            cs.wait()
            pltpu.sync_copy(rows_v, gs_hbm.at[pl.ds(off, CHUNK)])
            return carry

        lax.fori_loop(0, NCHUNK, body, 0)

    return gather


def _make_scatter():
    mesh = plsc.VectorSubcoreMesh(core_axis_name="c", subcore_axis_name="s")

    @functools.partial(
        pl.kernel, mesh=mesh,
        out_type=jax.ShapeDtypeStruct((2, N, D), jnp.float32),
        scratch_types=[
            pltpu.VMEM((NCHUNK, CHUNK), jnp.int32),
            pltpu.VMEM((CHUNK, D), jnp.float32),
            pltpu.VMEM_SHARED((N, D), jnp.float32),
            pltpu.SemaphoreType.DMA,
        ],
    )
    def scatter(msg_hbm, idxd_hbm, zeros_hbm, out_hbm, idx_v, rows_v, agg_sh, sem):
        cid = lax.axis_index("c")
        sid = lax.axis_index("s")
        wid = sid * 2 + cid

        @pl.when(sid == 0)
        def _():
            pltpu.sync_copy(zeros_hbm, agg_sh)

        plsc.subcore_barrier()

        pltpu.sync_copy(idxd_hbm.at[wid], idx_v)
        base = wid * (NCHUNK * CHUNK)

        def body(j, carry):
            off = base + j * CHUNK
            pltpu.sync_copy(msg_hbm.at[pl.ds(off, CHUNK)], rows_v)
            pltpu.sync_copy(rows_v, agg_sh.at[idx_v.at[j]], add=True)
            return carry

        lax.fori_loop(0, NCHUNK, body, 0)
        plsc.subcore_barrier()

        off = sid * 624

        @pl.when(sid < 15)
        def _():
            pltpu.sync_copy(agg_sh.at[pl.ds(off, 624)],
                            out_hbm.at[cid, pl.ds(off, 624)])

        @pl.when(sid == 15)
        def _():
            pltpu.sync_copy(agg_sh.at[pl.ds(15 * 624, 640)],
                            out_hbm.at[cid, pl.ds(15 * 624, 640)])

    return scatter


def _ea_norm(t, rows, istats_ref, ig_ref, ib_ref):
    imean = istats_ref[0:1, :]
    iinv = 1.0 / jnp.sqrt(istats_ref[1:2, :] + 1e-5)
    normed = ig_ref[:, :] * (t - imean) * iinv + ib_ref[:, :]
    return jnp.where(rows < E, t, normed)


def _passA_kernel(gd_ref, gs_ref, t_ref, istats_ref, ig_ref, ib_ref,
                  wfd_ref, wfs_ref, wfe_ref, bf1_ref, wf2_ref, bf2_ref,
                  stats_ref, acc):
    i = pl.program_id(0)
    rows = i * EBLK + lax.broadcasted_iota(jnp.int32, (EBLK, 1), 0)
    ea = _ea_norm(t_ref[:, :], rows, istats_ref, ig_ref, ib_ref)
    pre = (_dot(gd_ref[:, :], wfd_ref[:, :]) + _dot(gs_ref[:, :], wfs_ref[:, :])
           + _dot(ea, wfe_ref[:, :]) + bf1_ref[:, :])
    f_pre = _dot(_silu(pre), wf2_ref[:, :]) + bf2_ref[:, :]
    valid = (rows < ETOT).astype(jnp.float32)
    _merge_stats(acc, i, f_pre * valid, valid, jnp.sum(valid))

    @pl.when(i == pl.num_programs(0) - 1)
    def _():
        stats_ref[0:1, :] = acc[1:2, :]
        stats_ref[1:2, :] = acc[2:3, :] / ETOT


def _pass_a(gd, gs, t, istats, ig, ib, wfd, wfs, wfe, bf1l, wf2, bf2l):
    return pl.pallas_call(
        _passA_kernel,
        grid=(EPAD // EBLK,),
        in_specs=[
            pl.BlockSpec((EBLK, D), lambda i: (i, 0)),
            pl.BlockSpec((EBLK, D), lambda i: (i, 0)),
            pl.BlockSpec((EBLK, D), lambda i: (i, 0)),
            pl.BlockSpec((2, D), lambda i: (0, 0)),
            pl.BlockSpec((1, D), lambda i: (0, 0)),
            pl.BlockSpec((1, D), lambda i: (0, 0)),
            pl.BlockSpec((D, D), lambda i: (0, 0)),
            pl.BlockSpec((D, D), lambda i: (0, 0)),
            pl.BlockSpec((D, D), lambda i: (0, 0)),
            pl.BlockSpec((1, D), lambda i: (0, 0)),
            pl.BlockSpec((D, D), lambda i: (0, 0)),
            pl.BlockSpec((1, D), lambda i: (0, 0)),
        ],
        out_specs=pl.BlockSpec((2, D), lambda i: (0, 0)),
        out_shape=jax.ShapeDtypeStruct((2, D), jnp.float32),
        scratch_shapes=[pltpu.VMEM((3, D), jnp.float32)],
    )(gd, gs, t, istats, ig.reshape(1, D), ib.reshape(1, D),
      wfd, wfs, wfe, bf1l.reshape(1, D), wf2, bf2l.reshape(1, D))


def _passB_kernel(gd_ref, gs_ref, t_ref, istats_ref, ig_ref, ib_ref,
                  wfd_ref, wfs_ref, wfe_ref, bf1_ref, wf2_ref, bf2_ref,
                  wmd_ref, wms_ref, wme_ref, bm1_ref, wm2_ref, bm2_ref,
                  fstats_ref, ng_ref, nb_ref, msg_ref):
    i = pl.program_id(0)
    rows = i * EBLK + lax.broadcasted_iota(jnp.int32, (EBLK, 1), 0)
    ea = _ea_norm(t_ref[:, :], rows, istats_ref, ig_ref, ib_ref)

    gd = gd_ref[:, :]
    gs = gs_ref[:, :]
    pre_f = (_dot(gd, wfd_ref[:, :]) + _dot(gs, wfs_ref[:, :])
             + _dot(ea, wfe_ref[:, :]) + bf1_ref[:, :])
    f_pre = _dot(_silu(pre_f), wf2_ref[:, :]) + bf2_ref[:, :]
    mean = fstats_ref[0:1, :]
    inv = 1.0 / jnp.sqrt(fstats_ref[1:2, :] + 1e-5)
    score = jax.nn.sigmoid(ng_ref[:, :] * (f_pre - mean) * inv + nb_ref[:, :])

    pre_m = (_dot(gd, wmd_ref[:, :]) + _dot(gs, wms_ref[:, :])
             + _dot(ea, wme_ref[:, :]) + bm1_ref[:, :])
    m_out = _dot(_silu(pre_m), wm2_ref[:, :]) + bm2_ref[:, :]

    valid = (rows < ETOT).astype(jnp.float32)
    msg_ref[:, :] = score * m_out * valid


def _pass_b(gd, gs, t, istats, ig, ib, wfd, wfs, wfe, bf1l, wf2, bf2l,
            wmd, wms, wme, bm1l, wm2, bm2l, fstats, ng, nb):
    return pl.pallas_call(
        _passB_kernel,
        grid=(EPAD // EBLK,),
        in_specs=[
            pl.BlockSpec((EBLK, D), lambda i: (i, 0)),
            pl.BlockSpec((EBLK, D), lambda i: (i, 0)),
            pl.BlockSpec((EBLK, D), lambda i: (i, 0)),
            pl.BlockSpec((2, D), lambda i: (0, 0)),
            pl.BlockSpec((1, D), lambda i: (0, 0)),
            pl.BlockSpec((1, D), lambda i: (0, 0)),
            pl.BlockSpec((D, D), lambda i: (0, 0)),
            pl.BlockSpec((D, D), lambda i: (0, 0)),
            pl.BlockSpec((D, D), lambda i: (0, 0)),
            pl.BlockSpec((1, D), lambda i: (0, 0)),
            pl.BlockSpec((D, D), lambda i: (0, 0)),
            pl.BlockSpec((1, D), lambda i: (0, 0)),
            pl.BlockSpec((D, D), lambda i: (0, 0)),
            pl.BlockSpec((D, D), lambda i: (0, 0)),
            pl.BlockSpec((D, D), lambda i: (0, 0)),
            pl.BlockSpec((1, D), lambda i: (0, 0)),
            pl.BlockSpec((D, D), lambda i: (0, 0)),
            pl.BlockSpec((1, D), lambda i: (0, 0)),
            pl.BlockSpec((2, D), lambda i: (0, 0)),
            pl.BlockSpec((1, D), lambda i: (0, 0)),
            pl.BlockSpec((1, D), lambda i: (0, 0)),
        ],
        out_specs=pl.BlockSpec((EBLK, D), lambda i: (i, 0)),
        out_shape=jax.ShapeDtypeStruct((EPAD, D), jnp.float32),
    )(gd, gs, t, istats, ig.reshape(1, D), ib.reshape(1, D),
      wfd, wfs, wfe, bf1l.reshape(1, D), wf2, bf2l.reshape(1, D),
      wmd, wms, wme, bm1l.reshape(1, D), wm2, bm2l.reshape(1, D),
      fstats, ng.reshape(1, D), nb.reshape(1, D))


def _head_kernel(h_ref, batch_ref, fcw_ref, fcb_ref, outw_ref, out_ref,
                 sums, cnts):
    i = pl.program_id(0)
    bi = batch_ref[:, :]
    lanes = lax.broadcasted_iota(jnp.int32, (1, B), 1)
    onehot = (bi == lanes).astype(jnp.float32)
    h = h_ref[:, :]
    psum = lax.dot_general(onehot, h, (((0,), (0,)), ((), ())),
                           precision=lax.Precision.HIGHEST,
                           preferred_element_type=jnp.float32)
    ones = jnp.ones((NBLK, 1), jnp.float32)
    pcnt = lax.dot_general(onehot, ones, (((0,), (0,)), ((), ())),
                           precision=lax.Precision.HIGHEST,
                           preferred_element_type=jnp.float32)

    @pl.when(i == 0)
    def _():
        sums[:, :] = jnp.zeros_like(sums)
        cnts[:, :] = jnp.zeros_like(cnts)
    sums[:, :] += psum
    cnts[:, :] += pcnt

    @pl.when(i == pl.num_programs(0) - 1)
    def _():
        feats = sums[:, :] / jnp.maximum(cnts[:, :], 1.0)
        feats = jax.nn.softplus(_dot(feats, fcw_ref[:, :]) + fcb_ref[:, :]) \
            - math.log(2.0)
        ow = outw_ref[:, :]
        out_ref[:, :] = jnp.sum(feats * ow, axis=1, keepdims=True)


def _head(h, batch, fc_W, fc_b, out_W):
    return pl.pallas_call(
        _head_kernel,
        grid=(N // NBLK,),
        in_specs=[
            pl.BlockSpec((NBLK, D), lambda i: (i, 0)),
            pl.BlockSpec((NBLK, 1), lambda i: (i, 0)),
            pl.BlockSpec((D, D), lambda i: (0, 0)),
            pl.BlockSpec((1, D), lambda i: (0, 0)),
            pl.BlockSpec((1, D), lambda i: (0, 0)),
        ],
        out_specs=pl.BlockSpec((B, 1), lambda i: (0, 0)),
        out_shape=jax.ShapeDtypeStruct((B, 1), jnp.float32),
        scratch_shapes=[pltpu.VMEM((B, D), jnp.float32),
                        pltpu.VMEM((B, 1), jnp.float32)],
    )(h, batch.reshape(N, 1), fc_W, fc_b.reshape(1, D), out_W.reshape(1, D))


def kernel(x, edge_index, edge_attr, inf_edge_attr_index, inf_edge_attr, batch,
           cgcnn_emb, atom_W, atom_b, edge_W, edge_b, inf_W, inf_b,
           inf_bn_g, inf_bn_b, Wf1, bf1, Wf2, bf2, Wm1, bm1, Wm2, bm2,
           bni_g, bni_b, bn_g, bn_b, fc_W, fc_b, out_W, out_b):
    inf_edge_index = inf_edge_attr_index
    pots = jnp.array(POTS, dtype=jnp.float32)
    inf_feat = jnp.sum(inf_edge_attr * pots[None, :], axis=1)

    dist = jnp.concatenate([
        -0.75 / edge_attr, inf_feat,
        jnp.zeros((EPAD - ETOT,), jnp.float32)])[:, None]

    t_ea, istats = _edge_feats(dist, edge_W, edge_b, inf_W, inf_b)

    emb_pad = jnp.zeros((D, D), jnp.float32).at[:108, :92].set(cgcnn_emb)
    aw_pad = jnp.zeros((D, D), jnp.float32).at[:92, :].set(atom_W)
    h = _atom_embed(x, emb_pad, aw_pad, atom_b)

    pad_i = jnp.zeros((EPAD - ETOT,), jnp.int32)
    srcs = jnp.concatenate([edge_index[0], inf_edge_index[0], pad_i])
    dsts = jnp.concatenate([edge_index[1], inf_edge_index[1], pad_i])
    idx_dst = dsts.reshape(NTEC, NCHUNK, CHUNK)
    idx_src = srcs.reshape(NTEC, NCHUNK, CHUNK)

    zeros_nd = jnp.zeros((N, D), jnp.float32)
    gather = _make_gather()
    scatter = _make_scatter()

    for l in range(L):
        wfd, wfs, wfe = Wf1[l, 0:D], Wf1[l, D:2 * D], Wf1[l, 2 * D:3 * D]
        wmd, wms, wme = Wm1[l, 0:D], Wm1[l, D:2 * D], Wm1[l, 2 * D:3 * D]

        gd, gs = gather(h, idx_dst, idx_src)
        fstats = _pass_a(gd, gs, t_ea, istats, inf_bn_g, inf_bn_b,
                         wfd, wfs, wfe, bf1[l], Wf2[l], bf2[l])
        msg = _pass_b(gd, gs, t_ea, istats, inf_bn_g, inf_bn_b,
                      wfd, wfs, wfe, bf1[l], Wf2[l], bf2[l],
                      wmd, wms, wme, bm1[l], Wm2[l], bm2[l],
                      fstats, bni_g[l], bni_b[l])
        parts = scatter(msg, idx_dst, zeros_nd)
        astats = _agg_stats(parts[0], parts[1])
        h = _update_nodes(h, parts[0], parts[1], astats, bn_g[l], bn_b[l])

    out = _head(h, batch, fc_W, fc_b, out_W)
    return out.reshape(B) + out_b[0]

# --- scband reference (transcript-rebuilt; emitter-appended) ---
"""Pipeline reference for scband-pot-net-16784732193214 (READ-ONLY COPY).

The authoritative reference and input builder live on the scoring server;
editing this copy changes nothing except your own understanding.
"""

import math
import jax, jax.numpy as jnp
import numpy as np

N=10000;E=160000;EINF=160000;D=128;L=3;B=64;BINS_INF=64;NPOT=3
RBF_MIN=-4.0;RBF_MAX=4.0
POTS=jnp.array([0.5,0.3,0.2],dtype=jnp.float32)

def rbf(d,bins,typ):
    centers=jnp.linspace(RBF_MIN,RBF_MAX,bins)
    gamma=(bins-1)/(RBF_MAX-RBF_MIN)
    base=gamma*(d[:,None]-centers[None,:])
    if typ=='gaussian':
        return jnp.exp(-base**2)
    return jnp.sqrt(1.0+base**2)

def bn(x,g,b):
    m=jnp.mean(x,axis=0);v=jnp.var(x,axis=0)
    return g*(x-m)/jnp.sqrt(v+1e-5)+b

def setup_inputs(seed=0):
    key=jax.random.key(seed)
    ks=jax.random.split(key,20)
    def gl(k,shape,fan_in):
        return jax.random.normal(k,shape,dtype=jnp.float32)*(1.0/np.sqrt(fan_in))
    inp={}
    inp['x']=jax.random.randint(ks[0],(N,),0,108,dtype=jnp.int32)
    inp['edge_index']=jax.random.randint(ks[1],(2,E),0,N,dtype=jnp.int32)
    inp['edge_attr']=jax.random.uniform(ks[2],(E,),dtype=jnp.float32,minval=0.5,maxval=4.0)
    inp['inf_edge_index']=jax.random.randint(ks[3],(2,EINF),0,N,dtype=jnp.int32)
    inp['inf_edge_attr']=jax.random.uniform(ks[4],(EINF,NPOT),dtype=jnp.float32,minval=0.5,maxval=4.0)
    inp['batch']=jnp.sort(jax.random.randint(ks[5],(N,),0,B,dtype=jnp.int32))
    inp['cgcnn_emb']=jax.random.normal(ks[6],(108,92),dtype=jnp.float32)
    inp['atom_W']=gl(ks[7],(92,D),92);inp['atom_b']=jnp.zeros((D,),jnp.float32)
    inp['edge_W']=gl(ks[8],(D,D),D);inp['edge_b']=jnp.zeros((D,),jnp.float32)
    inp['inf_W']=gl(ks[9],(BINS_INF,D),BINS_INF);inp['inf_b']=jnp.zeros((D,),jnp.float32)
    inp['inf_bn_g']=jnp.ones((D,),jnp.float32);inp['inf_bn_b']=jnp.zeros((D,),jnp.float32)
    inp['Wf1']=gl(ks[10],(L,3*D,D),3*D);inp['bf1']=jnp.zeros((L,D),jnp.float32)
    inp['Wf2']=gl(ks[11],(L,D,D),D);inp['bf2']=jnp.zeros((L,D),jnp.float32)
    inp['Wm1']=gl(ks[12],(L,3*D,D),3*D);inp['bm1']=jnp.zeros((L,D),jnp.float32)
    inp['Wm2']=gl(ks[13],(L,D,D),D);inp['bm2']=jnp.zeros((L,D),jnp.float32)
    inp['bni_g']=jnp.ones((L,D),jnp.float32);inp['bni_b']=jnp.zeros((L,D),jnp.float32)
    inp['bn_g']=jnp.ones((L,D),jnp.float32);inp['bn_b']=jnp.zeros((L,D),jnp.float32)
    inp['fc_W']=gl(ks[14],(D,D),D);inp['fc_b']=jnp.zeros((D,),jnp.float32)
    inp['out_W']=gl(ks[15],(D,1),D);inp['out_b']=jnp.zeros((1,),jnp.float32)
    return inp

def reference(x,edge_index,edge_attr,inf_edge_index,inf_edge_attr,batch,cgcnn_emb,atom_W,atom_b,edge_W,edge_b,inf_W,inf_b,inf_bn_g,inf_bn_b,Wf1,bf1,Wf2,bf2,Wm1,bm1,Wm2,bm2,bni_g,bni_b,bn_g,bn_b,fc_W,fc_b,out_W,out_b):
    ef=jax.nn.silu(jnp.dot(rbf(-0.75/edge_attr,D,'gaussian'),edge_W)+edge_b)
    inf_feat=jnp.sum(inf_edge_attr*POTS[None,:],axis=1)
    ief=bn(jax.nn.softplus(jnp.dot(rbf(inf_feat,BINS_INF,'multiquadric'),inf_W)+inf_b),inf_bn_g,inf_bn_b)
    h=jnp.dot(cgcnn_emb[x],atom_W)+atom_b
    ei=jnp.concatenate([edge_index,inf_edge_index],axis=1)
    ea=jnp.concatenate([ef,ief],axis=0)
    src=ei[0];dst=ei[1]
    for l in range(L):
        z=jnp.concatenate([h[dst],h[src],ea],axis=1)
        score=jax.nn.sigmoid(bn(jnp.dot(jax.nn.silu(jnp.dot(z,Wf1[l])+bf1[l]),Wf2[l])+bf2[l],bni_g[l],bni_b[l]))
        msg=score*(jnp.dot(jax.nn.silu(jnp.dot(z,Wm1[l])+bm1[l]),Wm2[l])+bm2[l])
        agg=jax.ops.segment_sum(msg,dst,num_segments=N)
        h=jax.nn.relu(h+bn(agg,bn_g[l],bn_b[l]))
    sums=jax.ops.segment_sum(h,batch,num_segments=B)
    cnt=jax.ops.segment_sum(jnp.ones((N,),jnp.float32),batch,num_segments=B)
    feats=sums/jnp.maximum(cnt,1.0)[:,None]
    feats=jax.nn.softplus(jnp.dot(feats,fc_W)+fc_b)-math.log(2.0)
    return jnp.squeeze(jnp.dot(feats,out_W)+out_b)

if __name__ == "__main__":
    import jax
    _d = setup_inputs()
    print(jax.jit(kernel)(*tuple(_d.values())))

</pallas_src>

<mosaic_0001>
#map = affine_map<(d0, d1) -> (0, 0)>
#map1 = affine_map<(d0, d1) -> (0, 0, 0)>
module attributes {stable_mosaic.version = 14 : i64} {
  func.func @gather(%arg0: i32, %arg1: i32, %arg2: memref<10000x128xf32, #tpu.memory_space<hbm>>, %arg3: memref<32x79x128xi32, #tpu.memory_space<hbm>>, %arg4: memref<32x79x128xi32, #tpu.memory_space<hbm>>, %arg5: memref<323584x128xf32, #tpu.memory_space<hbm>>, %arg6: memref<323584x128xf32, #tpu.memory_space<hbm>>, %arg7: memref<79x128xi32, #tpu.memory_space<vmem>>, %arg8: memref<79x128xi32, #tpu.memory_space<vmem>>, %arg9: memref<128x128xf32, #tpu.memory_space<vmem>>, %arg10: memref<128x128xf32, #tpu.memory_space<vmem>>, %arg11: memref<!tpu.dma_semaphore, #tpu.memory_space<semaphore_mem>>, %arg12: memref<!tpu.dma_semaphore, #tpu.memory_space<semaphore_mem>>) attributes {dimension_semantics = [#tpu.dimension_semantics<core_parallel>, #tpu.dimension_semantics<subcore_parallel>], iteration_bounds = array<i64: 2, 16>, scalar_prefetch = 0 : i64, scratch_operands = 6 : i64, tpu.core_type = #tpu.core_type<sc_vector_subcore>, window_params = [{transform_indices = #map}, {transform_indices = #map1}, {transform_indices = #map1}, {transform_indices = #map}, {transform_indices = #map}]} {
    %mul3A = arith.constant 2 : i32
    %mul3A_0 = arith.muli %arg1, %mul3A : i32
    %add3A = arith.addi %mul3A_0, %arg0 : i32
    "tpu.region"() ({
      %run_scoped3A = tpu.sem_alloc : memref<!tpu.dma_semaphore, #tpu.memory_space<semaphore_mem>>
      %dma_start3A = arith.constant 0 : i32
      %dma_start3A_8 = arith.constant 0 : i32
      %dma_start3A_9 = tpu.memref_slice %arg3[%add3A, %dma_start3A, %dma_start3A_8] : memref<32x79x128xi32, #tpu.memory_space<hbm>> -> memref<1x79x128xi32, #tpu.memory_space<hbm>>
      %dma_start3A_10 = tpu.memref_squeeze %dma_start3A_9 : memref<1x79x128xi32, #tpu.memory_space<hbm>> -> memref<79x128xi32, #tpu.memory_space<hbm>>
      %dma_start3A_11 = arith.constant 0 : i32
      %dma_start3A_12 = arith.constant 0 : i32
      %dma_start3A_13 = tpu.memref_slice %arg3[%add3A, %dma_start3A_11, %dma_start3A_12] : memref<32x79x128xi32, #tpu.memory_space<hbm>> -> memref<1x79x128xi32, #tpu.memory_space<hbm>>
      %dma_start3A_14 = tpu.memref_squeeze %dma_start3A_13 : memref<1x79x128xi32, #tpu.memory_space<hbm>> -> memref<79x128xi32, #tpu.memory_space<hbm>>
      tpu.enqueue_dma source(%dma_start3A_14 : memref<79x128xi32, #tpu.memory_space<hbm>>) target(%arg7 : memref<79x128xi32, #tpu.memory_space<vmem>>) target_semaphore(%run_scoped3A : memref<!tpu.dma_semaphore, #tpu.memory_space<semaphore_mem>>)
      %dma_wait3A = arith.constant 0 : i32
      %dma_wait3A_15 = arith.constant 0 : i32
      %dma_wait3A_16 = tpu.memref_slice %arg3[%add3A, %dma_wait3A, %dma_wait3A_15] : memref<32x79x128xi32, #tpu.memory_space<hbm>> -> memref<1x79x128xi32, #tpu.memory_space<hbm>>
      %dma_wait3A_17 = tpu.memref_squeeze %dma_wait3A_16 : memref<1x79x128xi32, #tpu.memory_space<hbm>> -> memref<79x128xi32, #tpu.memory_space<hbm>>
      %dma_wait3A_18 = arith.constant 0 : i32
      %dma_wait3A_19 = arith.constant 0 : i32
      %dma_wait3A_20 = tpu.memref_slice %arg3[%add3A, %dma_wait3A_18, %dma_wait3A_19] : memref<32x79x128xi32, #tpu.memory_space<hbm>> -> memref<1x79x128xi32, #tpu.memory_space<hbm>>
      %dma_wait3A_21 = tpu.memref_squeeze %dma_wait3A_20 : memref<1x79x128xi32, #tpu.memory_space<hbm>> -> memref<79x128xi32, #tpu.memory_space<hbm>>
      tpu.wait_dma2 semaphore(%run_scoped3A : memref<!tpu.dma_semaphore, #tpu.memory_space<semaphore_mem>>) src(%dma_wait3A_21 : memref<79x128xi32, #tpu.memory_space<hbm>>) dst(%arg7 : memref<79x128xi32, #tpu.memory_space<vmem>>)
      tpu.yield
    }) : () -> ()
    "tpu.region"() ({
      %run_scoped3A = tpu.sem_alloc : memref<!tpu.dma_semaphore, #tpu.memory_space<semaphore_mem>>
      %dma_start3A = arith.constant 0 : i32
      %dma_start3A_8 = arith.constant 0 : i32
      %dma_start3A_9 = tpu.memref_slice %arg4[%add3A, %dma_start3A, %dma_start3A_8] : memref<32x79x128xi32, #tpu.memory_space<hbm>> -> memref<1x79x128xi32, #tpu.memory_space<hbm>>
      %dma_start3A_10 = tpu.memref_squeeze %dma_start3A_9 : memref<1x79x128xi32, #tpu.memory_space<hbm>> -> memref<79x128xi32, #tpu.memory_space<hbm>>
      %dma_start3A_11 = arith.constant 0 : i32
      %dma_start3A_12 = arith.constant 0 : i32
      %dma_start3A_13 = tpu.memref_slice %arg4[%add3A, %dma_start3A_11, %dma_start3A_12] : memref<32x79x128xi32, #tpu.memory_space<hbm>> -> memref<1x79x128xi32, #tpu.memory_space<hbm>>
      %dma_start3A_14 = tpu.memref_squeeze %dma_start3A_13 : memref<1x79x128xi32, #tpu.memory_space<hbm>> -> memref<79x128xi32, #tpu.memory_space<hbm>>
      tpu.enqueue_dma source(%dma_start3A_14 : memref<79x128xi32, #tpu.memory_space<hbm>>) target(%arg8 : memref<79x128xi32, #tpu.memory_space<vmem>>) target_semaphore(%run_scoped3A : memref<!tpu.dma_semaphore, #tpu.memory_space<semaphore_mem>>)
      %dma_wait3A = arith.constant 0 : i32
      %dma_wait3A_15 = arith.constant 0 : i32
      %dma_wait3A_16 = tpu.memref_slice %arg4[%add3A, %dma_wait3A, %dma_wait3A_15] : memref<32x79x128xi32, #tpu.memory_space<hbm>> -> memref<1x79x128xi32, #tpu.memory_space<hbm>>
      %dma_wait3A_17 = tpu.memref_squeeze %dma_wait3A_16 : memref<1x79x128xi32, #tpu.memory_space<hbm>> -> memref<79x128xi32, #tpu.memory_space<hbm>>
      %dma_wait3A_18 = arith.constant 0 : i32
      %dma_wait3A_19 = arith.constant 0 : i32
      %dma_wait3A_20 = tpu.memref_slice %arg4[%add3A, %dma_wait3A_18, %dma_wait3A_19] : memref<32x79x128xi32, #tpu.memory_space<hbm>> -> memref<1x79x128xi32, #tpu.memory_space<hbm>>
      %dma_wait3A_21 = tpu.memref_squeeze %dma_wait3A_20 : memref<1x79x128xi32, #tpu.memory_space<hbm>> -> memref<79x128xi32, #tpu.memory_space<hbm>>
      tpu.wait_dma2 semaphore(%run_scoped3A : memref<!tpu.dma_semaphore, #tpu.memory_space<semaphore_mem>>) src(%dma_wait3A_21 : memref<79x128xi32, #tpu.memory_space<hbm>>) dst(%arg8 : memref<79x128xi32, #tpu.memory_space<vmem>>)
      tpu.yield
    }) : () -> ()
    %mul3A_1 = arith.constant 10112 : i32
    %mul3A_2 = arith.muli %add3A, %mul3A_1 : i32
    %scan3A = arith.constant 0 : i32
    %scan3A_3 = arith.constant 0 : i32
    %scan3A_4 = arith.constant 79 : i32
    %scan3A_5 = arith.addi %scan3A_3, %scan3A_4 : i32
    %scan3A_6 = arith.constant 1 : i32
    scf.for %scan3A_8 = %scan3A_3 to %scan3A_5 step %scan3A_6  : i32 {
      %mul3A_9 = arith.constant 128 : i32
      %mul3A_10 = arith.muli %scan3A_8, %mul3A_9 : i32
      %add3A_11 = arith.addi %mul3A_2, %mul3A_10 : i32
      %dma_start3A = arith.constant 0 : i32
      %dma_start3A_12 = tpu.memref_slice %arg7[%scan3A_8, %dma_start3A] : memref<79x128xi32, #tpu.memory_space<vmem>> -> memref<1x128xi32, #tpu.memory_space<vmem>>
      %dma_start3A_13 = tpu.memref_squeeze %dma_start3A_12 : memref<1x128xi32, #tpu.memory_space<vmem>> -> memref<128xi32, #tpu.memory_space<vmem>>
      %dma_start3A_14 = arith.constant 0 : i32
      %dma_start3A_15 = arith.constant 0 : i32
      %dma_start3A_16 = tpu.memref_slice %arg2[%dma_start3A_14, %dma_start3A_15] : memref<10000x128xf32, #tpu.memory_space<hbm>> -> memref<10000x128xf32, #tpu.memory_space<hbm>>
      tpu.enqueue_indirect_dma source(%dma_start3A_16 : memref<10000x128xf32, #tpu.memory_space<hbm>>) target(%arg9 : memref<128x128xf32, #tpu.memory_space<vmem>>) offsets(%dma_start3A_13 : memref<128xi32, #tpu.memory_space<vmem>>) semaphore(%arg11 : memref<!tpu.dma_semaphore, #tpu.memory_space<semaphore_mem>>)
      %dma_start3A_17 = arith.constant 0 : i32
      %dma_start3A_18 = tpu.memref_slice %arg8[%scan3A_8, %dma_start3A_17] : memref<79x128xi32, #tpu.memory_space<vmem>> -> memref<1x128xi32, #tpu.memory_space<vmem>>
      %dma_start3A_19 = tpu.memref_squeeze %dma_start3A_18 : memref<1x128xi32, #tpu.memory_space<vmem>> -> memref<128xi32, #tpu.memory_space<vmem>>
      %dma_start3A_20 = arith.constant 0 : i32
      %dma_start3A_21 = arith.constant 0 : i32
      %dma_start3A_22 = tpu.memref_slice %arg2[%dma_start3A_20, %dma_start3A_21] : memref<10000x128xf32, #tpu.memory_space<hbm>> -> memref<10000x128xf32, #tpu.memory_space<hbm>>
      tpu.enqueue_indirect_dma source(%dma_start3A_22 : memref<10000x128xf32, #tpu.memory_space<hbm>>) target(%arg10 : memref<128x128xf32, #tpu.memory_space<vmem>>) offsets(%dma_start3A_19 : memref<128xi32, #tpu.memory_space<vmem>>) semaphore(%arg12 : memref<!tpu.dma_semaphore, #tpu.memory_space<semaphore_mem>>)
      %dma_wait3A = arith.constant 0 : i32
      %dma_wait3A_23 = tpu.memref_slice %arg7[%scan3A_8, %dma_wait3A] : memref<79x128xi32, #tpu.memory_space<vmem>> -> memref<1x128xi32, #tpu.memory_space<vmem>>
      %dma_wait3A_24 = tpu.memref_squeeze %dma_wait3A_23 : memref<1x128xi32, #tpu.memory_space<vmem>> -> memref<128xi32, #tpu.memory_space<vmem>>
      %dma_wait3A_25 = arith.constant 0 : i32
      %dma_wait3A_26 = arith.constant 0 : i32
      %dma_wait3A_27 = tpu.memref_slice %arg2[%dma_wait3A_25, %dma_wait3A_26] : memref<10000x128xf32, #tpu.memory_space<hbm>> -> memref<10000x128xf32, #tpu.memory_space<hbm>>
      tpu.wait_indirect_dma semaphore(%arg11 : memref<!tpu.dma_semaphore, #tpu.memory_space<semaphore_mem>>) src(%dma_wait3A_27 : memref<10000x128xf32, #tpu.memory_space<hbm>>) dst(%arg9 : memref<128x128xf32, #tpu.memory_space<vmem>>)
      "tpu.region"() ({
        %run_scoped3A = tpu.sem_alloc : memref<!tpu.dma_semaphore, #tpu.memory_space<semaphore_mem>>
        %dma_start3A_34 = arith.constant 0 : i32
        %dma_start3A_35 = tpu.memref_slice %arg5[%add3A_11, %dma_start3A_34] : memref<323584x128xf32, #tpu.memory_space<hbm>> -> memref<128x128xf32, #tpu.memory_space<hbm>>
        %dma_start3A_36 = arith.constant 0 : i32
        %dma_start3A_37 = tpu.memref_slice %arg5[%add3A_11, %dma_start3A_36] : memref<323584x128xf32, #tpu.memory_space<hbm>> -> memref<128x128xf32, #tpu.memory_space<hbm>>
        tpu.enqueue_dma source(%arg9 : memref<128x128xf32, #tpu.memory_space<vmem>>) target(%dma_start3A_37 : memref<128x128xf32, #tpu.memory_space<hbm>>) target_semaphore(%run_scoped3A : memref<!tpu.dma_semaphore, #tpu.memory_space<semaphore_mem>>)
        %dma_wait3A_38 = arith.constant 0 : i32
        %dma_wait3A_39 = tpu.memref_slice %arg5[%add3A_11, %dma_wait3A_38] : memref<323584x128xf32, #tpu.memory_space<hbm>> -> memref<128x128xf32, #tpu.memory_space<hbm>>
        %dma_wait3A_40 = arith.constant 0 : i32
        %dma_wait3A_41 = tpu.memref_slice %arg5[%add3A_11, %dma_wait3A_40] : memref<323584x128xf32, #tpu.memory_space<hbm>> -> memref<128x128xf32, #tpu.memory_space<hbm>>
        tpu.wait_dma2 semaphore(%run_scoped3A : memref<!tpu.dma_semaphore, #tpu.memory_space<semaphore_mem>>) src(%arg9 : memref<128x128xf32, #tpu.memory_space<vmem>>) dst(%dma_wait3A_41 : memref<128x128xf32, #tpu.memory_space<hbm>>)
        tpu.yield
      }) : () -> ()
      %dma_wait3A_28 = arith.constant 0 : i32
      %dma_wait3A_29 = tpu.memref_slice %arg8[%scan3A_8, %dma_wait3A_28] : memref<79x128xi32, #tpu.memory_space<vmem>> -> memref<1x128xi32, #tpu.memory_space<vmem>>
      %dma_wait3A_30 = tpu.memref_squeeze %dma_wait3A_29 : memref<1x128xi32, #tpu.memory_space<vmem>> -> memref<128xi32, #tpu.memory_space<vmem>>
      %dma_wait3A_31 = arith.constant 0 : i32
      %dma_wait3A_32 = arith.constant 0 : i32
      %dma_wait3A_33 = tpu.memref_slice %arg2[%dma_wait3A_31, %dma_wait3A_32] : memref<10000x128xf32, #tpu.memory_space<hbm>> -> memref<10000x128xf32, #tpu.memory_space<hbm>>
      tpu.wait_indirect_dma semaphore(%arg12 : memref<!tpu.dma_semaphore, #tpu.memory_space<semaphore_mem>>) src(%dma_wait3A_33 : memref<10000x128xf32, #tpu.memory_space<hbm>>) dst(%arg10 : memref<128x128xf32, #tpu.memory_space<vmem>>)
      "tpu.region"() ({
        %run_scoped3A = tpu.sem_alloc : memref<!tpu.dma_semaphore, #tpu.memory_space<semaphore_mem>>
        %dma_start3A_34 = arith.constant 0 : i32
        %dma_start3A_35 = tpu.memref_slice %arg6[%add3A_11, %dma_start3A_34] : memref<323584x128xf32, #tpu.memory_space<hbm>> -> memref<128x128xf32, #tpu.memory_space<hbm>>
        %dma_start3A_36 = arith.constant 0 : i32
        %dma_start3A_37 = tpu.memref_slice %arg6[%add3A_11, %dma_start3A_36] : memref<323584x128xf32, #tpu.memory_space<hbm>> -> memref<128x128xf32, #tpu.memory_space<hbm>>
        tpu.enqueue_dma source(%arg10 : memref<128x128xf32, #tpu.memory_space<vmem>>) target(%dma_start3A_37 : memref<128x128xf32, #tpu.memory_space<hbm>>) target_semaphore(%run_scoped3A : memref<!tpu.dma_semaphore, #tpu.memory_space<semaphore_mem>>)
        %dma_wait3A_38 = arith.constant 0 : i32
        %dma_wait3A_39 = tpu.memref_slice %arg6[%add3A_11, %dma_wait3A_38] : memref<323584x128xf32, #tpu.memory_space<hbm>> -> memref<128x128xf32, #tpu.memory_space<hbm>>
        %dma_wait3A_40 = arith.constant 0 : i32
        %dma_wait3A_41 = tpu.memref_slice %arg6[%add3A_11, %dma_wait3A_40] : memref<323584x128xf32, #tpu.memory_space<hbm>> -> memref<128x128xf32, #tpu.memory_space<hbm>>
        tpu.wait_dma2 semaphore(%run_scoped3A : memref<!tpu.dma_semaphore, #tpu.memory_space<semaphore_mem>>) src(%arg10 : memref<128x128xf32, #tpu.memory_space<vmem>>) dst(%dma_wait3A_41 : memref<128x128xf32, #tpu.memory_space<hbm>>)
        tpu.yield
      }) : () -> ()
    }
    %scan3A_7 = arith.constant 79 : i32
    return
  }
}

#map = affine_map<(d0, d1) -> (0, 0)>
#map1 = affine_map<(d0, d1) -> (0, 0, 0)>
module attributes {stable_mosaic.version = 14 : i64} {
  func.func @gather(%arg0: i32, %arg1: i32, %arg2: memref<10000x128xf32, #tpu.memory_space<hbm>>, %arg3: memref<32x79x128xi32, #tpu.memory_space<hbm>>, %arg4: memref<32x79x128xi32, #tpu.memory_space<hbm>>, %arg5: memref<323584x128xf32, #tpu.memory_space<hbm>>, %arg6: memref<323584x128xf32, #tpu.memory_space<hbm>>, %arg7: memref<79x128xi32, #tpu.memory_space<vmem>>, %arg8: memref<79x128xi32, #tpu.memory_space<vmem>>, %arg9: memref<128x128xf32, #tpu.memory_space<vmem>>, %arg10: memref<128x128xf32, #tpu.memory_space<vmem>>, %arg11: memref<!tpu.dma_semaphore, #tpu.memory_space<semaphore_mem>>, %arg12: memref<!tpu.dma_semaphore, #tpu.memory_space<semaphore_mem>>) attributes {dimension_semantics = [#tpu.dimension_semantics<core_parallel>, #tpu.dimension_semantics<subcore_parallel>], iteration_bounds = array<i64: 2, 16>, scalar_prefetch = 0 : i64, scratch_operands = 6 : i64, tpu.core_type = #tpu.core_type<sc_vector_subcore>, window_params = [{transform_indices = #map}, {transform_indices = #map1}, {transform_indices = #map1}, {transform_indices = #map}, {transform_indices = #map}]} {
    %mul3A = arith.constant 2 : i32
    %mul3A_0 = arith.muli %arg1, %mul3A : i32
    %add3A = arith.addi %mul3A_0, %arg0 : i32
    "tpu.region"() ({
      %run_scoped3A = tpu.sem_alloc : memref<!tpu.dma_semaphore, #tpu.memory_space<semaphore_mem>>
      %dma_start3A = arith.constant 0 : i32
      %dma_start3A_8 = arith.constant 0 : i32
      %dma_start3A_9 = tpu.memref_slice %arg3[%add3A, %dma_start3A, %dma_start3A_8] : memref<32x79x128xi32, #tpu.memory_space<hbm>> -> memref<1x79x128xi32, #tpu.memory_space<hbm>>
      %dma_start3A_10 = tpu.memref_squeeze %dma_start3A_9 : memref<1x79x128xi32, #tpu.memory_space<hbm>> -> memref<79x128xi32, #tpu.memory_space<hbm>>
      %dma_start3A_11 = arith.constant 0 : i32
      %dma_start3A_12 = arith.constant 0 : i32
      %dma_start3A_13 = tpu.memref_slice %arg3[%add3A, %dma_start3A_11, %dma_start3A_12] : memref<32x79x128xi32, #tpu.memory_space<hbm>> -> memref<1x79x128xi32, #tpu.memory_space<hbm>>
      %dma_start3A_14 = tpu.memref_squeeze %dma_start3A_13 : memref<1x79x128xi32, #tpu.memory_space<hbm>> -> memref<79x128xi32, #tpu.memory_space<hbm>>
      tpu.enqueue_dma source(%dma_start3A_14 : memref<79x128xi32, #tpu.memory_space<hbm>>) target(%arg7 : memref<79x128xi32, #tpu.memory_space<vmem>>) target_semaphore(%run_scoped3A : memref<!tpu.dma_semaphore, #tpu.memory_space<semaphore_mem>>)
      %dma_wait3A = arith.constant 0 : i32
      %dma_wait3A_15 = arith.constant 0 : i32
      %dma_wait3A_16 = tpu.memref_slice %arg3[%add3A, %dma_wait3A, %dma_wait3A_15] : memref<32x79x128xi32, #tpu.memory_space<hbm>> -> memref<1x79x128xi32, #tpu.memory_space<hbm>>
      %dma_wait3A_17 = tpu.memref_squeeze %dma_wait3A_16 : memref<1x79x128xi32, #tpu.memory_space<hbm>> -> memref<79x128xi32, #tpu.memory_space<hbm>>
      %dma_wait3A_18 = arith.constant 0 : i32
      %dma_wait3A_19 = arith.constant 0 : i32
      %dma_wait3A_20 = tpu.memref_slice %arg3[%add3A, %dma_wait3A_18, %dma_wait3A_19] : memref<32x79x128xi32, #tpu.memory_space<hbm>> -> memref<1x79x128xi32, #tpu.memory_space<hbm>>
      %dma_wait3A_21 = tpu.memref_squeeze %dma_wait3A_20 : memref<1x79x128xi32, #tpu.memory_space<hbm>> -> memref<79x128xi32, #tpu.memory_space<hbm>>
      tpu.wait_dma2 semaphore(%run_scoped3A : memref<!tpu.dma_semaphore, #tpu.memory_space<semaphore_mem>>) src(%dma_wait3A_21 : memref<79x128xi32, #tpu.memory_space<hbm>>) dst(%arg7 : memref<79x128xi32, #tpu.memory_space<vmem>>)
      tpu.yield
    }) : () -> ()
    "tpu.region"() ({
      %run_scoped3A = tpu.sem_alloc : memref<!tpu.dma_semaphore, #tpu.memory_space<semaphore_mem>>
      %dma_start3A = arith.constant 0 : i32
      %dma_start3A_8 = arith.constant 0 : i32
      %dma_start3A_9 = tpu.memref_slice %arg4[%add3A, %dma_start3A, %dma_start3A_8] : memref<32x79x128xi32, #tpu.memory_space<hbm>> -> memref<1x79x128xi32, #tpu.memory_space<hbm>>
      %dma_start3A_10 = tpu.memref_squeeze %dma_start3A_9 : memref<1x79x128xi32, #tpu.memory_space<hbm>> -> memref<79x128xi32, #tpu.memory_space<hbm>>
      %dma_start3A_11 = arith.constant 0 : i32
      %dma_start3A_12 = arith.constant 0 : i32
      %dma_start3A_13 = tpu.memref_slice %arg4[%add3A, %dma_start3A_11, %dma_start3A_12] : memref<32x79x128xi32, #tpu.memory_space<hbm>> -> memref<1x79x128xi32, #tpu.memory_space<hbm>>
      %dma_start3A_14 = tpu.memref_squeeze %dma_start3A_13 : memref<1x79x128xi32, #tpu.memory_space<hbm>> -> memref<79x128xi32, #tpu.memory_space<hbm>>
      tpu.enqueue_dma source(%dma_start3A_14 : memref<79x128xi32, #tpu.memory_space<hbm>>) target(%arg8 : memref<79x128xi32, #tpu.memory_space<vmem>>) target_semaphore(%run_scoped3A : memref<!tpu.dma_semaphore, #tpu.memory_space<semaphore_mem>>)
      %dma_wait3A = arith.constant 0 : i32
      %dma_wait3A_15 = arith.constant 0 : i32
      %dma_wait3A_16 = tpu.memref_slice %arg4[%add3A, %dma_wait3A, %dma_wait3A_15] : memref<32x79x128xi32, #tpu.memory_space<hbm>> -> memref<1x79x128xi32, #tpu.memory_space<hbm>>
      %dma_wait3A_17 = tpu.memref_squeeze %dma_wait3A_16 : memref<1x79x128xi32, #tpu.memory_space<hbm>> -> memref<79x128xi32, #tpu.memory_space<hbm>>
      %dma_wait3A_18 = arith.constant 0 : i32
      %dma_wait3A_19 = arith.constant 0 : i32
      %dma_wait3A_20 = tpu.memref_slice %arg4[%add3A, %dma_wait3A_18, %dma_wait3A_19] : memref<32x79x128xi32, #tpu.memory_space<hbm>> -> memref<1x79x128xi32, #tpu.memory_space<hbm>>
      %dma_wait3A_21 = tpu.memref_squeeze %dma_wait3A_20 : memref<1x79x128xi32, #tpu.memory_space<hbm>> -> memref<79x128xi32, #tpu.memory_space<hbm>>
      tpu.wait_dma2 semaphore(%run_scoped3A : memref<!tpu.dma_semaphore, #tpu.memory_space<semaphore_mem>>) src(%dma_wait3A_21 : memref<79x128xi32, #tpu.memory_space<hbm>>) dst(%arg8 : memref<79x128xi32, #tpu.memory_space<vmem>>)
      tpu.yield
    }) : () -> ()
    %mul3A_1 = arith.constant 10112 : i32
    %mul3A_2 = arith.muli %add3A, %mul3A_1 : i32
    %scan3A = arith.constant 0 : i32
    %scan3A_3 = arith.constant 0 : i32
    %scan3A_4 = arith.constant 79 : i32
    %scan3A_5 = arith.addi %scan3A_3, %scan3A_4 : i32
    %scan3A_6 = arith.constant 1 : i32
    scf.for %scan3A_8 = %scan3A_3 to %scan3A_5 step %scan3A_6  : i32 {
      %mul3A_9 = arith.constant 128 : i32
      %mul3A_10 = arith.muli %scan3A_8, %mul3A_9 : i32
      %add3A_11 = arith.addi %mul3A_2, %mul3A_10 : i32
      %dma_start3A = arith.constant 0 : i32
      %dma_start3A_12 = tpu.memref_slice %arg7[%scan3A_8, %dma_start3A] : memref<79x128xi32, #tpu.memory_space<vmem>> -> memref<1x128xi32, #tpu.memory_space<vmem>>
      %dma_start3A_13 = tpu.memref_squeeze %dma_start3A_12 : memref<1x128xi32, #tpu.memory_space<vmem>> -> memref<128xi32, #tpu.memory_space<vmem>>
      %dma_start3A_14 = arith.constant 0 : i32
      %dma_start3A_15 = arith.constant 0 : i32
      %dma_start3A_16 = tpu.memref_slice %arg2[%dma_start3A_14, %dma_start3A_15] : memref<10000x128xf32, #tpu.memory_space<hbm>> -> memref<10000x128xf32, #tpu.memory_space<hbm>>
      tpu.enqueue_indirect_dma source(%dma_start3A_16 : memref<10000x128xf32, #tpu.memory_space<hbm>>) target(%arg9 : memref<128x128xf32, #tpu.memory_space<vmem>>) offsets(%dma_start3A_13 : memref<128xi32, #tpu.memory_space<vmem>>) semaphore(%arg11 : memref<!tpu.dma_semaphore, #tpu.memory_space<semaphore_mem>>)
      %dma_start3A_17 = arith.constant 0 : i32
      %dma_start3A_18 = tpu.memref_slice %arg8[%scan3A_8, %dma_start3A_17] : memref<79x128xi32, #tpu.memory_space<vmem>> -> memref<1x128xi32, #tpu.memory_space<vmem>>
      %dma_start3A_19 = tpu.memref_squeeze %dma_start3A_18 : memref<1x128xi32, #tpu.memory_space<vmem>> -> memref<128xi32, #tpu.memory_space<vmem>>
      %dma_start3A_20 = arith.constant 0 : i32
      %dma_start3A_21 = arith.constant 0 : i32
      %dma_start3A_22 = tpu.memref_slice %arg2[%dma_start3A_20, %dma_start3A_21] : memref<10000x128xf32, #tpu.memory_space<hbm>> -> memref<10000x128xf32, #tpu.memory_space<hbm>>
      tpu.enqueue_indirect_dma source(%dma_start3A_22 : memref<10000x128xf32, #tpu.memory_space<hbm>>) target(%arg10 : memref<128x128xf32, #tpu.memory_space<vmem>>) offsets(%dma_start3A_19 : memref<128xi32, #tpu.memory_space<vmem>>) semaphore(%arg12 : memref<!tpu.dma_semaphore, #tpu.memory_space<semaphore_mem>>)
      %dma_wait3A = arith.constant 0 : i32
      %dma_wait3A_23 = tpu.memref_slice %arg7[%scan3A_8, %dma_wait3A] : memref<79x128xi32, #tpu.memory_space<vmem>> -> memref<1x128xi32, #tpu.memory_space<vmem>>
      %dma_wait3A_24 = tpu.memref_squeeze %dma_wait3A_23 : memref<1x128xi32, #tpu.memory_space<vmem>> -> memref<128xi32, #tpu.memory_space<vmem>>
      %dma_wait3A_25 = arith.constant 0 : i32
      %dma_wait3A_26 = arith.constant 0 : i32
      %dma_wait3A_27 = tpu.memref_slice %arg2[%dma_wait3A_25, %dma_wait3A_26] : memref<10000x128xf32, #tpu.memory_space<hbm>> -> memref<10000x128xf32, #tpu.memory_space<hbm>>
      tpu.wait_indirect_dma semaphore(%arg11 : memref<!tpu.dma_semaphore, #tpu.memory_space<semaphore_mem>>) src(%dma_wait3A_27 : memref<10000x128xf32, #tpu.memory_space<hbm>>) dst(%arg9 : memref<128x128xf32, #tpu.memory_space<vmem>>)
      "tpu.region"() ({
        %run_scoped3A = tpu.sem_alloc : memref<!tpu.dma_semaphore, #tpu.memory_space<semaphore_mem>>
        %dma_start3A_34 = arith.constant 0 : i32
        %dma_start3A_35 = tpu.memref_slice %arg5[%add3A_11, %dma_start3A_34] : memref<323584x128xf32, #tpu.memory_space<hbm>> -> memref<128x128xf32, #tpu.memory_space<hbm>>
        %dma_start3A_36 = arith.constant 0 : i32
        %dma_start3A_37 = tpu.memref_slice %arg5[%add3A_11, %dma_start3A_36] : memref<323584x128xf32, #tpu.memory_space<hbm>> -> memref<128x128xf32, #tpu.memory_space<hbm>>
        tpu.enqueue_dma source(%arg9 : memref<128x128xf32, #tpu.memory_space<vmem>>) target(%dma_start3A_37 : memref<128x128xf32, #tpu.memory_space<hbm>>) target_semaphore(%run_scoped3A : memref<!tpu.dma_semaphore, #tpu.memory_space<semaphore_mem>>)
        %dma_wait3A_38 = arith.constant 0 : i32
        %dma_wait3A_39 = tpu.memref_slice %arg5[%add3A_11, %dma_wait3A_38] : memref<323584x128xf32, #tpu.memory_space<hbm>> -> memref<128x128xf32, #tpu.memory_space<hbm>>
        %dma_wait3A_40 = arith.constant 0 : i32
        %dma_wait3A_41 = tpu.memref_slice %arg5[%add3A_11, %dma_wait3A_40] : memref<323584x128xf32, #tpu.memory_space<hbm>> -> memref<128x128xf32, #tpu.memory_space<hbm>>
        tpu.wait_dma2 semaphore(%run_scoped3A : memref<!tpu.dma_semaphore, #tpu.memory_space<semaphore_mem>>) src(%arg9 : memref<128x128xf32, #tpu.memory_space<vmem>>) dst(%dma_wait3A_41 : memref<128x128xf32, #tpu.memory_space<hbm>>)
        tpu.yield
      }) : () -> ()
      %dma_wait3A_28 = arith.constant 0 : i32
      %dma_wait3A_29 = tpu.memref_slice %arg8[%scan3A_8, %dma_wait3A_28] : memref<79x128xi32, #tpu.memory_space<vmem>> -> memref<1x128xi32, #tpu.memory_space<vmem>>
      %dma_wait3A_30 = tpu.memref_squeeze %dma_wait3A_29 : memref<1x128xi32, #tpu.memory_space<vmem>> -> memref<128xi32, #tpu.memory_space<vmem>>
      %dma_wait3A_31 = arith.constant 0 : i32
      %dma_wait3A_32 = arith.constant 0 : i32
      %dma_wait3A_33 = tpu.memref_slice %arg2[%dma_wait3A_31, %dma_wait3A_32] : memref<10000x128xf32, #tpu.memory_space<hbm>> -> memref<10000x128xf32, #tpu.memory_space<hbm>>
      tpu.wait_indirect_dma semaphore(%arg12 : memref<!tpu.dma_semaphore, #tpu.memory_space<semaphore_mem>>) src(%dma_wait3A_33 : memref<10000x128xf32, #tpu.memory_space<hbm>>) dst(%arg10 : memref<128x128xf32, #tpu.memory_space<vmem>>)
      "tpu.region"() ({
        %run_scoped3A = tpu.sem_alloc : memref<!tpu.dma_semaphore, #tpu.memory_space<semaphore_mem>>
        %dma_start3A_34 = arith.constant 0 : i32
        %dma_start3A_35 = tpu.memref_slice %arg6[%add3A_11, %dma_start3A_34] : memref<323584x128xf32, #tpu.memory_space<hbm>> -> memref<128x128xf32, #tpu.memory_space<hbm>>
        %dma_start3A_36 = arith.constant 0 : i32
        %dma_start3A_37 = tpu.memref_slice %arg6[%add3A_11, %dma_start3A_36] : memref<323584x128xf32, #tpu.memory_space<hbm>> -> memref<128x128xf32, #tpu.memory_space<hbm>>
        tpu.enqueue_dma source(%arg10 : memref<128x128xf32, #tpu.memory_space<vmem>>) target(%dma_start3A_37 : memref<128x128xf32, #tpu.memory_space<hbm>>) target_semaphore(%run_scoped3A : memref<!tpu.dma_semaphore, #tpu.memory_space<semaphore_mem>>)
        %dma_wait3A_38 = arith.constant 0 : i32
        %dma_wait3A_39 = tpu.memref_slice %arg6[%add3A_11, %dma_wait3A_38] : memref<323584x128xf32, #tpu.memory_space<hbm>> -> memref<128x128xf32, #tpu.memory_space<hbm>>
        %dma_wait3A_40 = arith.constant 0 : i32
        %dma_wait3A_41 = tpu.memref_slice %arg6[%add3A_11, %dma_wait3A_40] : memref<323584x128xf32, #tpu.memory_space<hbm>> -> memref<128x128xf32, #tpu.memory_space<hbm>>
        tpu.wait_dma2 semaphore(%run_scoped3A : memref<!tpu.dma_semaphore, #tpu.memory_space<semaphore_mem>>) src(%arg10 : memref<128x128xf32, #tpu.memory_space<vmem>>) dst(%dma_wait3A_41 : memref<128x128xf32, #tpu.memory_space<hbm>>)
        tpu.yield
      }) : () -> ()
    }
    %scan3A_7 = arith.constant 79 : i32
    return
  }
}

#map = affine_map<(d0, d1) -> (0, 0)>
#map1 = affine_map<(d0, d1) -> (0, 0, 0)>
module attributes {stable_mosaic.version = 14 : i64} {
  func.func @scatter(%arg0: i32, %arg1: i32, %arg2: memref<323584x128xf32, #tpu.memory_space<hbm>>, %arg3: memref<32x79x128xi32, #tpu.memory_space<hbm>>, %arg4: memref<10000x128xf32, #tpu.memory_space<hbm>>, %arg5: memref<2x10000x128xf32, #tpu.memory_space<hbm>>, %arg6: memref<79x128xi32, #tpu.memory_space<vmem>>, %arg7: memref<128x128xf32, #tpu.memory_space<vmem>>, %arg8: memref<10000x128xf32, #tpu.memory_space<vmem_shared>>, %arg9: memref<!tpu.dma_semaphore, #tpu.memory_space<semaphore_mem>>) attributes {dimension_semantics = [#tpu.dimension_semantics<core_parallel>, #tpu.dimension_semantics<subcore_parallel>], iteration_bounds = array<i64: 2, 16>, scalar_prefetch = 0 : i64, scratch_operands = 4 : i64, tpu.core_type = #tpu.core_type<sc_vector_subcore>, window_params = [{transform_indices = #map}, {transform_indices = #map1}, {transform_indices = #map}, {transform_indices = #map1}]} {
    %mul3A = arith.constant 2 : i32
    %mul3A_0 = arith.muli %arg1, %mul3A : i32
    %add3A = arith.addi %mul3A_0, %arg0 : i32
    %eq3A = arith.constant 0 : i32
    %eq3A_1 = arith.cmpi eq, %arg1, %eq3A : i32
    %convert_element_type3A = arith.extui %eq3A_1 : i1 to i32
    %cond3A = arith.constant 0 : i32
    %cond3A_2 = arith.cmpi ne, %convert_element_type3A, %cond3A : i32
    scf.if %cond3A_2 {
      "tpu.region"() ({
        %run_scoped3A = tpu.sem_alloc : memref<!tpu.dma_semaphore, #tpu.memory_space<semaphore_mem>>
        tpu.enqueue_dma source(%arg4 : memref<10000x128xf32, #tpu.memory_space<hbm>>) target(%arg8 : memref<10000x128xf32, #tpu.memory_space<vmem_shared>>) target_semaphore(%run_scoped3A : memref<!tpu.dma_semaphore, #tpu.memory_space<semaphore_mem>>)
        tpu.wait_dma2 semaphore(%run_scoped3A : memref<!tpu.dma_semaphore, #tpu.memory_space<semaphore_mem>>) src(%arg4 : memref<10000x128xf32, #tpu.memory_space<hbm>>) dst(%arg8 : memref<10000x128xf32, #tpu.memory_space<vmem_shared>>)
        tpu.yield
      }) : () -> ()
    } else {
    }
    %barrier3A = arith.constant 0 : index
    tpu.barrier barrier_id(%barrier3A)
    "tpu.region"() ({
      %run_scoped3A = tpu.sem_alloc : memref<!tpu.dma_semaphore, #tpu.memory_space<semaphore_mem>>
      %dma_start3A = arith.constant 0 : i32
      %dma_start3A_22 = arith.constant 0 : i32
      %dma_start3A_23 = tpu.memref_slice %arg3[%add3A, %dma_start3A, %dma_start3A_22] : memref<32x79x128xi32, #tpu.memory_space<hbm>> -> memref<1x79x128xi32, #tpu.memory_space<hbm>>
      %dma_start3A_24 = tpu.memref_squeeze %dma_start3A_23 : memref<1x79x128xi32, #tpu.memory_space<hbm>> -> memref<79x128xi32, #tpu.memory_space<hbm>>
      %dma_start3A_25 = arith.constant 0 : i32
      %dma_start3A_26 = arith.constant 0 : i32
      %dma_start3A_27 = tpu.memref_slice %arg3[%add3A, %dma_start3A_25, %dma_start3A_26] : memref<32x79x128xi32, #tpu.memory_space<hbm>> -> memref<1x79x128xi32, #tpu.memory_space<hbm>>
      %dma_start3A_28 = tpu.memref_squeeze %dma_start3A_27 : memref<1x79x128xi32, #tpu.memory_space<hbm>> -> memref<79x128xi32, #tpu.memory_space<hbm>>
      tpu.enqueue_dma source(%dma_start3A_28 : memref<79x128xi32, #tpu.memory_space<hbm>>) target(%arg6 : memref<79x128xi32, #tpu.memory_space<vmem>>) target_semaphore(%run_scoped3A : memref<!tpu.dma_semaphore, #tpu.memory_space<semaphore_mem>>)
      %dma_wait3A = arith.constant 0 : i32
      %dma_wait3A_29 = arith.constant 0 : i32
      %dma_wait3A_30 = tpu.memref_slice %arg3[%add3A, %dma_wait3A, %dma_wait3A_29] : memref<32x79x128xi32, #tpu.memory_space<hbm>> -> memref<1x79x128xi32, #tpu.memory_space<hbm>>
      %dma_wait3A_31 = tpu.memref_squeeze %dma_wait3A_30 : memref<1x79x128xi32, #tpu.memory_space<hbm>> -> memref<79x128xi32, #tpu.memory_space<hbm>>
      %dma_wait3A_32 = arith.constant 0 : i32
      %dma_wait3A_33 = arith.constant 0 : i32
      %dma_wait3A_34 = tpu.memref_slice %arg3[%add3A, %dma_wait3A_32, %dma_wait3A_33] : memref<32x79x128xi32, #tpu.memory_space<hbm>> -> memref<1x79x128xi32, #tpu.memory_space<hbm>>
      %dma_wait3A_35 = tpu.memref_squeeze %dma_wait3A_34 : memref<1x79x128xi32, #tpu.memory_space<hbm>> -> memref<79x128xi32, #tpu.memory_space<hbm>>
      tpu.wait_dma2 semaphore(%run_scoped3A : memref<!tpu.dma_semaphore, #tpu.memory_space<semaphore_mem>>) src(%dma_wait3A_35 : memref<79x128xi32, #tpu.memory_space<hbm>>) dst(%arg6 : memref<79x128xi32, #tpu.memory_space<vmem>>)
      tpu.yield
    }) : () -> ()
    %mul3A_3 = arith.constant 10112 : i32
    %mul3A_4 = arith.muli %add3A, %mul3A_3 : i32
    %scan3A = arith.constant 0 : i32
    %scan3A_5 = arith.constant 0 : i32
    %scan3A_6 = arith.constant 79 : i32
    %scan3A_7 = arith.addi %scan3A_5, %scan3A_6 : i32
    %scan3A_8 = arith.constant 1 : i32
    scf.for %scan3A_22 = %scan3A_5 to %scan3A_7 step %scan3A_8  : i32 {
      %mul3A_23 = arith.constant 128 : i32
      %mul3A_24 = arith.muli %scan3A_22, %mul3A_23 : i32
      %add3A_25 = arith.addi %mul3A_4, %mul3A_24 : i32
      "tpu.region"() ({
        %run_scoped3A = tpu.sem_alloc : memref<!tpu.dma_semaphore, #tpu.memory_space<semaphore_mem>>
        %dma_start3A = arith.constant 0 : i32
        %dma_start3A_26 = tpu.memref_slice %arg2[%add3A_25, %dma_start3A] : memref<323584x128xf32, #tpu.memory_space<hbm>> -> memref<128x128xf32, #tpu.memory_space<hbm>>
        %dma_start3A_27 = arith.constant 0 : i32
        %dma_start3A_28 = tpu.memref_slice %arg2[%add3A_25, %dma_start3A_27] : memref<323584x128xf32, #tpu.memory_space<hbm>> -> memref<128x128xf32, #tpu.memory_space<hbm>>
        tpu.enqueue_dma source(%dma_start3A_28 : memref<128x128xf32, #tpu.memory_space<hbm>>) target(%arg7 : memref<128x128xf32, #tpu.memory_space<vmem>>) target_semaphore(%run_scoped3A : memref<!tpu.dma_semaphore, #tpu.memory_space<semaphore_mem>>)
        %dma_wait3A = arith.constant 0 : i32
        %dma_wait3A_29 = tpu.memref_slice %arg2[%add3A_25, %dma_wait3A] : memref<323584x128xf32, #tpu.memory_space<hbm>> -> memref<128x128xf32, #tpu.memory_space<hbm>>
        %dma_wait3A_30 = arith.constant 0 : i32
        %dma_wait3A_31 = tpu.memref_slice %arg2[%add3A_25, %dma_wait3A_30] : memref<323584x128xf32, #tpu.memory_space<hbm>> -> memref<128x128xf32, #tpu.memory_space<hbm>>
        tpu.wait_dma2 semaphore(%run_scoped3A : memref<!tpu.dma_semaphore, #tpu.memory_space<semaphore_mem>>) src(%dma_wait3A_31 : memref<128x128xf32, #tpu.memory_space<hbm>>) dst(%arg7 : memref<128x128xf32, #tpu.memory_space<vmem>>)
        tpu.yield
      }) : () -> ()
      "tpu.region"() ({
        %run_scoped3A = tpu.sem_alloc : memref<!tpu.dma_semaphore, #tpu.memory_space<semaphore_mem>>
        %dma_start3A = arith.constant 0 : i32
        %dma_start3A_26 = tpu.memref_slice %arg6[%scan3A_22, %dma_start3A] : memref<79x128xi32, #tpu.memory_space<vmem>> -> memref<1x128xi32, #tpu.memory_space<vmem>>
        %dma_start3A_27 = tpu.memref_squeeze %dma_start3A_26 : memref<1x128xi32, #tpu.memory_space<vmem>> -> memref<128xi32, #tpu.memory_space<vmem>>
        %dma_start3A_28 = arith.constant 0 : i32
        %dma_start3A_29 = arith.constant 0 : i32
        %dma_start3A_30 = tpu.memref_slice %arg8[%dma_start3A_28, %dma_start3A_29] : memref<10000x128xf32, #tpu.memory_space<vmem_shared>> -> memref<10000x128xf32, #tpu.memory_space<vmem_shared>>
        tpu.enqueue_indirect_dma source(%arg7 : memref<128x128xf32, #tpu.memory_space<vmem>>) target(%dma_start3A_30 : memref<10000x128xf32, #tpu.memory_space<vmem_shared>>) offsets(%dma_start3A_27 : memref<128xi32, #tpu.memory_space<vmem>>) semaphore(%run_scoped3A : memref<!tpu.dma_semaphore, #tpu.memory_space<semaphore_mem>>) {add = true}
        %dma_wait3A = arith.constant 0 : i32
        %dma_wait3A_31 = tpu.memref_slice %arg6[%scan3A_22, %dma_wait3A] : memref<79x128xi32, #tpu.memory_space<vmem>> -> memref<1x128xi32, #tpu.memory_space<vmem>>
        %dma_wait3A_32 = tpu.memref_squeeze %dma_wait3A_31 : memref<1x128xi32, #tpu.memory_space<vmem>> -> memref<128xi32, #tpu.memory_space<vmem>>
        %dma_wait3A_33 = arith.constant 0 : i32
        %dma_wait3A_34 = arith.constant 0 : i32
        %dma_wait3A_35 = tpu.memref_slice %arg8[%dma_wait3A_33, %dma_wait3A_34] : memref<10000x128xf32, #tpu.memory_space<vmem_shared>> -> memref<10000x128xf32, #tpu.memory_space<vmem_shared>>
        tpu.wait_indirect_dma semaphore(%run_scoped3A : memref<!tpu.dma_semaphore, #tpu.memory_space<semaphore_mem>>) src(%arg7 : memref<128x128xf32, #tpu.memory_space<vmem>>) dst(%dma_wait3A_35 : memref<10000x128xf32, #tpu.memory_space<vmem_shared>>)
        tpu.yield
      }) : () -> ()
    }
    %scan3A_9 = arith.constant 79 : i32
    %barrier3A_10 = arith.constant 0 : index
    tpu.barrier barrier_id(%barrier3A_10)
    %mul3A_11 = arith.constant 624 : i32
    %mul3A_12 = arith.muli %arg1, %mul3A_11 : i32
    %lt3A = arith.constant 15 : i32
    %lt3A_13 = arith.cmpi slt, %arg1, %lt3A : i32
    %convert_element_type3A_14 = arith.extui %lt3A_13 : i1 to i32
    %cond3A_15 = arith.constant 0 : i32
    %cond3A_16 = arith.cmpi ne, %convert_element_type3A_14, %cond3A_15 : i32
    scf.if %cond3A_16 {
      "tpu.region"() ({
        %run_scoped3A = tpu.sem_alloc : memref<!tpu.dma_semaphore, #tpu.memory_space<semaphore_mem>>
        %dma_start3A = arith.constant 0 : i32
        %dma_start3A_22 = tpu.memref_slice %arg5[%arg0, %mul3A_12, %dma_start3A] : memref<2x10000x128xf32, #tpu.memory_space<hbm>> -> memref<1x624x128xf32, #tpu.memory_space<hbm>>
        %dma_start3A_23 = tpu.memref_squeeze %dma_start3A_22 : memref<1x624x128xf32, #tpu.memory_space<hbm>> -> memref<624x128xf32, #tpu.memory_space<hbm>>
        %dma_start3A_24 = arith.constant 0 : i32
        %dma_start3A_25 = tpu.memref_slice %arg8[%mul3A_12, %dma_start3A_24] : memref<10000x128xf32, #tpu.memory_space<vmem_shared>> -> memref<624x128xf32, #tpu.memory_space<vmem_shared>>
        tpu.enqueue_dma source(%dma_start3A_25 : memref<624x128xf32, #tpu.memory_space<vmem_shared>>) target(%dma_start3A_23 : memref<624x128xf32, #tpu.memory_space<hbm>>) target_semaphore(%run_scoped3A : memref<!tpu.dma_semaphore, #tpu.memory_space<semaphore_mem>>)
        %dma_wait3A = arith.constant 0 : i32
        %dma_wait3A_26 = tpu.memref_slice %arg5[%arg0, %mul3A_12, %dma_wait3A] : memref<2x10000x128xf32, #tpu.memory_space<hbm>> -> memref<1x624x128xf32, #tpu.memory_space<hbm>>
        %dma_wait3A_27 = tpu.memref_squeeze %dma_wait3A_26 : memref<1x624x128xf32, #tpu.memory_space<hbm>> -> memref<624x128xf32, #tpu.memory_space<hbm>>
        %dma_wait3A_28 = arith.constant 0 : i32
        %dma_wait3A_29 = tpu.memref_slice %arg8[%mul3A_12, %dma_wait3A_28] : memref<10000x128xf32, #tpu.memory_space<vmem_shared>> -> memref<624x128xf32, #tpu.memory_space<vmem_shared>>
        tpu.wait_dma2 semaphore(%run_scoped3A : memref<!tpu.dma_semaphore, #tpu.memory_space<semaphore_mem>>) src(%dma_wait3A_29 : memref<624x128xf32, #tpu.memory_space<vmem_shared>>) dst(%dma_wait3A_27 : memref<624x128xf32, #tpu.memory_space<hbm>>)
        tpu.yield
      }) : () -> ()
    } else {
    }
    %eq3A_17 = arith.constant 15 : i32
    %eq3A_18 = arith.cmpi eq, %arg1, %eq3A_17 : i32
    %convert_element_type3A_19 = arith.extui %eq3A_18 : i1 to i32
    %cond3A_20 = arith.constant 0 : i32
    %cond3A_21 = arith.cmpi ne, %convert_element_type3A_19, %cond3A_20 : i32
    scf.if %cond3A_21 {
      "tpu.region"() ({
        %run_scoped3A = tpu.sem_alloc : memref<!tpu.dma_semaphore, #tpu.memory_space<semaphore_mem>>
        %dma_start3A = arith.constant 9360 : i32
        %dma_start3A_22 = arith.constant 0 : i32
        %dma_start3A_23 = tpu.memref_slice %arg5[%arg0, %dma_start3A, %dma_start3A_22] : memref<2x10000x128xf32, #tpu.memory_space<hbm>> -> memref<1x640x128xf32, #tpu.memory_space<hbm>>
        %dma_start3A_24 = tpu.memref_squeeze %dma_start3A_23 : memref<1x640x128xf32, #tpu.memory_space<hbm>> -> memref<640x128xf32, #tpu.memory_space<hbm>>
        %dma_start3A_25 = arith.constant 9360 : i32
        %dma_start3A_26 = arith.constant 0 : i32
        %dma_start3A_27 = tpu.memref_slice %arg8[%dma_start3A_25, %dma_start3A_26] : memref<10000x128xf32, #tpu.memory_space<vmem_shared>> -> memref<640x128xf32, #tpu.memory_space<vmem_shared>>
        tpu.enqueue_dma source(%dma_start3A_27 : memref<640x128xf32, #tpu.memory_space<vmem_shared>>) target(%dma_start3A_24 : memref<640x128xf32, #tpu.memory_space<hbm>>) target_semaphore(%run_scoped3A : memref<!tpu.dma_semaphore, #tpu.memory_space<semaphore_mem>>)
        %dma_wait3A = arith.constant 9360 : i32
        %dma_wait3A_28 = arith.constant 0 : i32
        %dma_wait3A_29 = tpu.memref_slice %arg5[%arg0, %dma_wait3A, %dma_wait3A_28] : memref<2x10000x128xf32, #tpu.memory_space<hbm>> -> memref<1x640x128xf32, #tpu.memory_space<hbm>>
        %dma_wait3A_30 = tpu.memref_squeeze %dma_wait3A_29 : memref<1x640x128xf32, #tpu.memory_space<hbm>> -> memref<640x128xf32, #tpu.memory_space<hbm>>
        %dma_wait3A_31 = arith.constant 9360 : i32
        %dma_wait3A_32 = arith.constant 0 : i32
        %dma_wait3A_33 = tpu.memref_slice %arg8[%dma_wait3A_31, %dma_wait3A_32] : memref<10000x128xf32, #tpu.memory_space<vmem_shared>> -> memref<640x128xf32, #tpu.memory_space<vmem_shared>>
        tpu.wait_dma2 semaphore(%run_scoped3A : memref<!tpu.dma_semaphore, #tpu.memory_space<semaphore_mem>>) src(%dma_wait3A_33 : memref<640x128xf32, #tpu.memory_space<vmem_shared>>) dst(%dma_wait3A_30 : memref<640x128xf32, #tpu.memory_space<hbm>>)
        tpu.yield
      }) : () -> ()
    } else {
    }
    return
  }
}

#map = affine_map<(d0, d1) -> (0, 0)>
#map1 = affine_map<(d0, d1) -> (0, 0, 0)>
module attributes {stable_mosaic.version = 14 : i64} {
  func.func @scatter(%arg0: i32, %arg1: i32, %arg2: memref<323584x128xf32, #tpu.memory_space<hbm>>, %arg3: memref<32x79x128xi32, #tpu.memory_space<hbm>>, %arg4: memref<10000x128xf32, #tpu.memory_space<hbm>>, %arg5: memref<2x10000x128xf32, #tpu.memory_space<hbm>>, %arg6: memref<79x128xi32, #tpu.memory_space<vmem>>, %arg7: memref<128x128xf32, #tpu.memory_space<vmem>>, %arg8: memref<10000x128xf32, #tpu.memory_space<vmem_shared>>, %arg9: memref<!tpu.dma_semaphore, #tpu.memory_space<semaphore_mem>>) attributes {dimension_semantics = [#tpu.dimension_semantics<core_parallel>, #tpu.dimension_semantics<subcore_parallel>], iteration_bounds = array<i64: 2, 16>, scalar_prefetch = 0 : i64, scratch_operands = 4 : i64, tpu.core_type = #tpu.core_type<sc_vector_subcore>, window_params = [{transform_indices = #map}, {transform_indices = #map1}, {transform_indices = #map}, {transform_indices = #map1}]} {
    %mul3A = arith.constant 2 : i32
    %mul3A_0 = arith.muli %arg1, %mul3A : i32
    %add3A = arith.addi %mul3A_0, %arg0 : i32
    %eq3A = arith.constant 0 : i32
    %eq3A_1 = arith.cmpi eq, %arg1, %eq3A : i32
    %convert_element_type3A = arith.extui %eq3A_1 : i1 to i32
    %cond3A = arith.constant 0 : i32
    %cond3A_2 = arith.cmpi ne, %convert_element_type3A, %cond3A : i32
    scf.if %cond3A_2 {
      "tpu.region"() ({
        %run_scoped3A = tpu.sem_alloc : memref<!tpu.dma_semaphore, #tpu.memory_space<semaphore_mem>>
        tpu.enqueue_dma source(%arg4 : memref<10000x128xf32, #tpu.memory_space<hbm>>) target(%arg8 : memref<10000x128xf32, #tpu.memory_space<vmem_shared>>) target_semaphore(%run_scoped3A : memref<!tpu.dma_semaphore, #tpu.memory_space<semaphore_mem>>)
        tpu.wait_dma2 semaphore(%run_scoped3A : memref<!tpu.dma_semaphore, #tpu.memory_space<semaphore_mem>>) src(%arg4 : memref<10000x128xf32, #tpu.memory_space<hbm>>) dst(%arg8 : memref<10000x128xf32, #tpu.memory_space<vmem_shared>>)
        tpu.yield
      }) : () -> ()
    } else {
    }
    %barrier3A = arith.constant 0 : index
    tpu.barrier barrier_id(%barrier3A)
    "tpu.region"() ({
      %run_scoped3A = tpu.sem_alloc : memref<!tpu.dma_semaphore, #tpu.memory_space<semaphore_mem>>
      %dma_start3A = arith.constant 0 : i32
      %dma_start3A_22 = arith.constant 0 : i32
      %dma_start3A_23 = tpu.memref_slice %arg3[%add3A, %dma_start3A, %dma_start3A_22] : memref<32x79x128xi32, #tpu.memory_space<hbm>> -> memref<1x79x128xi32, #tpu.memory_space<hbm>>
      %dma_start3A_24 = tpu.memref_squeeze %dma_start3A_23 : memref<1x79x128xi32, #tpu.memory_space<hbm>> -> memref<79x128xi32, #tpu.memory_space<hbm>>
      %dma_start3A_25 = arith.constant 0 : i32
      %dma_start3A_26 = arith.constant 0 : i32
      %dma_start3A_27 = tpu.memref_slice %arg3[%add3A, %dma_start3A_25, %dma_start3A_26] : memref<32x79x128xi32, #tpu.memory_space<hbm>> -> memref<1x79x128xi32, #tpu.memory_space<hbm>>
      %dma_start3A_28 = tpu.memref_squeeze %dma_start3A_27 : memref<1x79x128xi32, #tpu.memory_space<hbm>> -> memref<79x128xi32, #tpu.memory_space<hbm>>
      tpu.enqueue_dma source(%dma_start3A_28 : memref<79x128xi32, #tpu.memory_space<hbm>>) target(%arg6 : memref<79x128xi32, #tpu.memory_space<vmem>>) target_semaphore(%run_scoped3A : memref<!tpu.dma_semaphore, #tpu.memory_space<semaphore_mem>>)
      %dma_wait3A = arith.constant 0 : i32
      %dma_wait3A_29 = arith.constant 0 : i32
      %dma_wait3A_30 = tpu.memref_slice %arg3[%add3A, %dma_wait3A, %dma_wait3A_29] : memref<32x79x128xi32, #tpu.memory_space<hbm>> -> memref<1x79x128xi32, #tpu.memory_space<hbm>>
      %dma_wait3A_31 = tpu.memref_squeeze %dma_wait3A_30 : memref<1x79x128xi32, #tpu.memory_space<hbm>> -> memref<79x128xi32, #tpu.memory_space<hbm>>
      %dma_wait3A_32 = arith.constant 0 : i32
      %dma_wait3A_33 = arith.constant 0 : i32
      %dma_wait3A_34 = tpu.memref_slice %arg3[%add3A, %dma_wait3A_32, %dma_wait3A_33] : memref<32x79x128xi32, #tpu.memory_space<hbm>> -> memref<1x79x128xi32, #tpu.memory_space<hbm>>
      %dma_wait3A_35 = tpu.memref_squeeze %dma_wait3A_34 : memref<1x79x128xi32, #tpu.memory_space<hbm>> -> memref<79x128xi32, #tpu.memory_space<hbm>>
      tpu.wait_dma2 semaphore(%run_scoped3A : memref<!tpu.dma_semaphore, #tpu.memory_space<semaphore_mem>>) src(%dma_wait3A_35 : memref<79x128xi32, #tpu.memory_space<hbm>>) dst(%arg6 : memref<79x128xi32, #tpu.memory_space<vmem>>)
      tpu.yield
    }) : () -> ()
    %mul3A_3 = arith.constant 10112 : i32
    %mul3A_4 = arith.muli %add3A, %mul3A_3 : i32
    %scan3A = arith.constant 0 : i32
    %scan3A_5 = arith.constant 0 : i32
    %scan3A_6 = arith.constant 79 : i32
    %scan3A_7 = arith.addi %scan3A_5, %scan3A_6 : i32
    %scan3A_8 = arith.constant 1 : i32
    scf.for %scan3A_22 = %scan3A_5 to %scan3A_7 step %scan3A_8  : i32 {
      %mul3A_23 = arith.constant 128 : i32
      %mul3A_24 = arith.muli %scan3A_22, %mul3A_23 : i32
      %add3A_25 = arith.addi %mul3A_4, %mul3A_24 : i32
      "tpu.region"() ({
        %run_scoped3A = tpu.sem_alloc : memref<!tpu.dma_semaphore, #tpu.memory_space<semaphore_mem>>
        %dma_start3A = arith.constant 0 : i32
        %dma_start3A_26 = tpu.memref_slice %arg2[%add3A_25, %dma_start3A] : memref<323584x128xf32, #tpu.memory_space<hbm>> -> memref<128x128xf32, #tpu.memory_space<hbm>>
        %dma_start3A_27 = arith.constant 0 : i32
        %dma_start3A_28 = tpu.memref_slice %arg2[%add3A_25, %dma_start3A_27] : memref<323584x128xf32, #tpu.memory_space<hbm>> -> memref<128x128xf32, #tpu.memory_space<hbm>>
        tpu.enqueue_dma source(%dma_start3A_28 : memref<128x128xf32, #tpu.memory_space<hbm>>) target(%arg7 : memref<128x128xf32, #tpu.memory_space<vmem>>) target_semaphore(%run_scoped3A : memref<!tpu.dma_semaphore, #tpu.memory_space<semaphore_mem>>)
        %dma_wait3A = arith.constant 0 : i32
        %dma_wait3A_29 = tpu.memref_slice %arg2[%add3A_25, %dma_wait3A] : memref<323584x128xf32, #tpu.memory_space<hbm>> -> memref<128x128xf32, #tpu.memory_space<hbm>>
        %dma_wait3A_30 = arith.constant 0 : i32
        %dma_wait3A_31 = tpu.memref_slice %arg2[%add3A_25, %dma_wait3A_30] : memref<323584x128xf32, #tpu.memory_space<hbm>> -> memref<128x128xf32, #tpu.memory_space<hbm>>
        tpu.wait_dma2 semaphore(%run_scoped3A : memref<!tpu.dma_semaphore, #tpu.memory_space<semaphore_mem>>) src(%dma_wait3A_31 : memref<128x128xf32, #tpu.memory_space<hbm>>) dst(%arg7 : memref<128x128xf32, #tpu.memory_space<vmem>>)
        tpu.yield
      }) : () -> ()
      "tpu.region"() ({
        %run_scoped3A = tpu.sem_alloc : memref<!tpu.dma_semaphore, #tpu.memory_space<semaphore_mem>>
        %dma_start3A = arith.constant 0 : i32
        %dma_start3A_26 = tpu.memref_slice %arg6[%scan3A_22, %dma_start3A] : memref<79x128xi32, #tpu.memory_space<vmem>> -> memref<1x128xi32, #tpu.memory_space<vmem>>
        %dma_start3A_27 = tpu.memref_squeeze %dma_start3A_26 : memref<1x128xi32, #tpu.memory_space<vmem>> -> memref<128xi32, #tpu.memory_space<vmem>>
        %dma_start3A_28 = arith.constant 0 : i32
        %dma_start3A_29 = arith.constant 0 : i32
        %dma_start3A_30 = tpu.memref_slice %arg8[%dma_start3A_28, %dma_start3A_29] : memref<10000x128xf32, #tpu.memory_space<vmem_shared>> -> memref<10000x128xf32, #tpu.memory_space<vmem_shared>>
        tpu.enqueue_indirect_dma source(%arg7 : memref<128x128xf32, #tpu.memory_space<vmem>>) target(%dma_start3A_30 : memref<10000x128xf32, #tpu.memory_space<vmem_shared>>) offsets(%dma_start3A_27 : memref<128xi32, #tpu.memory_space<vmem>>) semaphore(%run_scoped3A : memref<!tpu.dma_semaphore, #tpu.memory_space<semaphore_mem>>) {add = true}
        %dma_wait3A = arith.constant 0 : i32
        %dma_wait3A_31 = tpu.memref_slice %arg6[%scan3A_22, %dma_wait3A] : memref<79x128xi32, #tpu.memory_space<vmem>> -> memref<1x128xi32, #tpu.memory_space<vmem>>
        %dma_wait3A_32 = tpu.memref_squeeze %dma_wait3A_31 : memref<1x128xi32, #tpu.memory_space<vmem>> -> memref<128xi32, #tpu.memory_space<vmem>>
        %dma_wait3A_33 = arith.constant 0 : i32
        %dma_wait3A_34 = arith.constant 0 : i32
        %dma_wait3A_35 = tpu.memref_slice %arg8[%dma_wait3A_33, %dma_wait3A_34] : memref<10000x128xf32, #tpu.memory_space<vmem_shared>> -> memref<10000x128xf32, #tpu.memory_space<vmem_shared>>
        tpu.wait_indirect_dma semaphore(%run_scoped3A : memref<!tpu.dma_semaphore, #tpu.memory_space<semaphore_mem>>) src(%arg7 : memref<128x128xf32, #tpu.memory_space<vmem>>) dst(%dma_wait3A_35 : memref<10000x128xf32, #tpu.memory_space<vmem_shared>>)
        tpu.yield
      }) : () -> ()
    }
    %scan3A_9 = arith.constant 79 : i32
    %barrier3A_10 = arith.constant 0 : index
    tpu.barrier barrier_id(%barrier3A_10)
    %mul3A_11 = arith.constant 624 : i32
    %mul3A_12 = arith.muli %arg1, %mul3A_11 : i32
    %lt3A = arith.constant 15 : i32
    %lt3A_13 = arith.cmpi slt, %arg1, %lt3A : i32
    %convert_element_type3A_14 = arith.extui %lt3A_13 : i1 to i32
    %cond3A_15 = arith.constant 0 : i32
    %cond3A_16 = arith.cmpi ne, %convert_element_type3A_14, %cond3A_15 : i32
    scf.if %cond3A_16 {
      "tpu.region"() ({
        %run_scoped3A = tpu.sem_alloc : memref<!tpu.dma_semaphore, #tpu.memory_space<semaphore_mem>>
        %dma_start3A = arith.constant 0 : i32
        %dma_start3A_22 = tpu.memref_slice %arg5[%arg0, %mul3A_12, %dma_start3A] : memref<2x10000x128xf32, #tpu.memory_space<hbm>> -> memref<1x624x128xf32, #tpu.memory_space<hbm>>
        %dma_start3A_23 = tpu.memref_squeeze %dma_start3A_22 : memref<1x624x128xf32, #tpu.memory_space<hbm>> -> memref<624x128xf32, #tpu.memory_space<hbm>>
        %dma_start3A_24 = arith.constant 0 : i32
        %dma_start3A_25 = tpu.memref_slice %arg8[%mul3A_12, %dma_start3A_24] : memref<10000x128xf32, #tpu.memory_space<vmem_shared>> -> memref<624x128xf32, #tpu.memory_space<vmem_shared>>
        tpu.enqueue_dma source(%dma_start3A_25 : memref<624x128xf32, #tpu.memory_space<vmem_shared>>) target(%dma_start3A_23 : memref<624x128xf32, #tpu.memory_space<hbm>>) target_semaphore(%run_scoped3A : memref<!tpu.dma_semaphore, #tpu.memory_space<semaphore_mem>>)
        %dma_wait3A = arith.constant 0 : i32
        %dma_wait3A_26 = tpu.memref_slice %arg5[%arg0, %mul3A_12, %dma_wait3A] : memref<2x10000x128xf32, #tpu.memory_space<hbm>> -> memref<1x624x128xf32, #tpu.memory_space<hbm>>
        %dma_wait3A_27 = tpu.memref_squeeze %dma_wait3A_26 : memref<1x624x128xf32, #tpu.memory_space<hbm>> -> memref<624x128xf32, #tpu.memory_space<hbm>>
        %dma_wait3A_28 = arith.constant 0 : i32
        %dma_wait3A_29 = tpu.memref_slice %arg8[%mul3A_12, %dma_wait3A_28] : memref<10000x128xf32, #tpu.memory_space<vmem_shared>> -> memref<624x128xf32, #tpu.memory_space<vmem_shared>>
        tpu.wait_dma2 semaphore(%run_scoped3A : memref<!tpu.dma_semaphore, #tpu.memory_space<semaphore_mem>>) src(%dma_wait3A_29 : memref<624x128xf32, #tpu.memory_space<vmem_shared>>) dst(%dma_wait3A_27 : memref<624x128xf32, #tpu.memory_space<hbm>>)
        tpu.yield
      }) : () -> ()
    } else {
    }
    %eq3A_17 = arith.constant 15 : i32
    %eq3A_18 = arith.cmpi eq, %arg1, %eq3A_17 : i32
    %convert_element_type3A_19 = arith.extui %eq3A_18 : i1 to i32
    %cond3A_20 = arith.constant 0 : i32
    %cond3A_21 = arith.cmpi ne, %convert_element_type3A_19, %cond3A_20 : i32
    scf.if %cond3A_21 {
      "tpu.region"() ({
        %run_scoped3A = tpu.sem_alloc : memref<!tpu.dma_semaphore, #tpu.memory_space<semaphore_mem>>
        %dma_start3A = arith.constant 9360 : i32
        %dma_start3A_22 = arith.constant 0 : i32
        %dma_start3A_23 = tpu.memref_slice %arg5[%arg0, %dma_start3A, %dma_start3A_22] : memref<2x10000x128xf32, #tpu.memory_space<hbm>> -> memref<1x640x128xf32, #tpu.memory_space<hbm>>
        %dma_start3A_24 = tpu.memref_squeeze %dma_start3A_23 : memref<1x640x128xf32, #tpu.memory_space<hbm>> -> memref<640x128xf32, #tpu.memory_space<hbm>>
        %dma_start3A_25 = arith.constant 9360 : i32
        %dma_start3A_26 = arith.constant 0 : i32
        %dma_start3A_27 = tpu.memref_slice %arg8[%dma_start3A_25, %dma_start3A_26] : memref<10000x128xf32, #tpu.memory_space<vmem_shared>> -> memref<640x128xf32, #tpu.memory_space<vmem_shared>>
        tpu.enqueue_dma source(%dma_start3A_27 : memref<640x128xf32, #tpu.memory_space<vmem_shared>>) target(%dma_start3A_24 : memref<640x128xf32, #tpu.memory_space<hbm>>) target_semaphore(%run_scoped3A : memref<!tpu.dma_semaphore, #tpu.memory_space<semaphore_mem>>)
        %dma_wait3A = arith.constant 9360 : i32
        %dma_wait3A_28 = arith.constant 0 : i32
        %dma_wait3A_29 = tpu.memref_slice %arg5[%arg0, %dma_wait3A, %dma_wait3A_28] : memref<2x10000x128xf32, #tpu.memory_space<hbm>> -> memref<1x640x128xf32, #tpu.memory_space<hbm>>
        %dma_wait3A_30 = tpu.memref_squeeze %dma_wait3A_29 : memref<1x640x128xf32, #tpu.memory_space<hbm>> -> memref<640x128xf32, #tpu.memory_space<hbm>>
        %dma_wait3A_31 = arith.constant 9360 : i32
        %dma_wait3A_32 = arith.constant 0 : i32
        %dma_wait3A_33 = tpu.memref_slice %arg8[%dma_wait3A_31, %dma_wait3A_32] : memref<10000x128xf32, #tpu.memory_space<vmem_shared>> -> memref<640x128xf32, #tpu.memory_space<vmem_shared>>
        tpu.wait_dma2 semaphore(%run_scoped3A : memref<!tpu.dma_semaphore, #tpu.memory_space<semaphore_mem>>) src(%dma_wait3A_33 : memref<640x128xf32, #tpu.memory_space<vmem_shared>>) dst(%dma_wait3A_30 : memref<640x128xf32, #tpu.memory_space<hbm>>)
        tpu.yield
      }) : () -> ()
    } else {
    }
    return
  }
}

#map = affine_map<(d0, d1) -> (0, 0)>
#map1 = affine_map<(d0, d1) -> (0, 0, 0)>
module attributes {stable_mosaic.version = 14 : i64} {
  func.func @gather(%arg0: i32, %arg1: i32, %arg2: memref<10000x128xf32, #tpu.memory_space<hbm>>, %arg3: memref<32x79x128xi32, #tpu.memory_space<hbm>>, %arg4: memref<32x79x128xi32, #tpu.memory_space<hbm>>, %arg5: memref<323584x128xf32, #tpu.memory_space<hbm>>, %arg6: memref<323584x128xf32, #tpu.memory_space<hbm>>, %arg7: memref<79x128xi32, #tpu.memory_space<vmem>>, %arg8: memref<79x128xi32, #tpu.memory_space<vmem>>, %arg9: memref<128x128xf32, #tpu.memory_space<vmem>>, %arg10: memref<128x128xf32, #tpu.memory_space<vmem>>, %arg11: memref<!tpu.dma_semaphore, #tpu.memory_space<semaphore_mem>>, %arg12: memref<!tpu.dma_semaphore, #tpu.memory_space<semaphore_mem>>) attributes {dimension_semantics = [#tpu.dimension_semantics<core_parallel>, #tpu.dimension_semantics<subcore_parallel>], iteration_bounds = array<i64: 2, 16>, scalar_prefetch = 0 : i64, scratch_operands = 6 : i64, tpu.core_type = #tpu.core_type<sc_vector_subcore>, window_params = [{transform_indices = #map}, {transform_indices = #map1}, {transform_indices = #map1}, {transform_indices = #map}, {transform_indices = #map}]} {
    %mul3A = arith.constant 2 : i32
    %mul3A_0 = arith.muli %arg1, %mul3A : i32
    %add3A = arith.addi %mul3A_0, %arg0 : i32
    "tpu.region"() ({
      %run_scoped3A = tpu.sem_alloc : memref<!tpu.dma_semaphore, #tpu.memory_space<semaphore_mem>>
      %dma_start3A = arith.constant 0 : i32
      %dma_start3A_8 = arith.constant 0 : i32
      %dma_start3A_9 = tpu.memref_slice %arg3[%add3A, %dma_start3A, %dma_start3A_8] : memref<32x79x128xi32, #tpu.memory_space<hbm>> -> memref<1x79x128xi32, #tpu.memory_space<hbm>>
      %dma_start3A_10 = tpu.memref_squeeze %dma_start3A_9 : memref<1x79x128xi32, #tpu.memory_space<hbm>> -> memref<79x128xi32, #tpu.memory_space<hbm>>
      %dma_start3A_11 = arith.constant 0 : i32
      %dma_start3A_12 = arith.constant 0 : i32
      %dma_start3A_13 = tpu.memref_slice %arg3[%add3A, %dma_start3A_11, %dma_start3A_12] : memref<32x79x128xi32, #tpu.memory_space<hbm>> -> memref<1x79x128xi32, #tpu.memory_space<hbm>>
      %dma_start3A_14 = tpu.memref_squeeze %dma_start3A_13 : memref<1x79x128xi32, #tpu.memory_space<hbm>> -> memref<79x128xi32, #tpu.memory_space<hbm>>
      tpu.enqueue_dma source(%dma_start3A_14 : memref<79x128xi32, #tpu.memory_space<hbm>>) target(%arg7 : memref<79x128xi32, #tpu.memory_space<vmem>>) target_semaphore(%run_scoped3A : memref<!tpu.dma_semaphore, #tpu.memory_space<semaphore_mem>>)
      %dma_wait3A = arith.constant 0 : i32
      %dma_wait3A_15 = arith.constant 0 : i32
      %dma_wait3A_16 = tpu.memref_slice %arg3[%add3A, %dma_wait3A, %dma_wait3A_15] : memref<32x79x128xi32, #tpu.memory_space<hbm>> -> memref<1x79x128xi32, #tpu.memory_space<hbm>>
      %dma_wait3A_17 = tpu.memref_squeeze %dma_wait3A_16 : memref<1x79x128xi32, #tpu.memory_space<hbm>> -> memref<79x128xi32, #tpu.memory_space<hbm>>
      %dma_wait3A_18 = arith.constant 0 : i32
      %dma_wait3A_19 = arith.constant 0 : i32
      %dma_wait3A_20 = tpu.memref_slice %arg3[%add3A, %dma_wait3A_18, %dma_wait3A_19] : memref<32x79x128xi32, #tpu.memory_space<hbm>> -> memref<1x79x128xi32, #tpu.memory_space<hbm>>
      %dma_wait3A_21 = tpu.memref_squeeze %dma_wait3A_20 : memref<1x79x128xi32, #tpu.memory_space<hbm>> -> memref<79x128xi32, #tpu.memory_space<hbm>>
      tpu.wait_dma2 semaphore(%run_scoped3A : memref<!tpu.dma_semaphore, #tpu.memory_space<semaphore_mem>>) src(%dma_wait3A_21 : memref<79x128xi32, #tpu.memory_space<hbm>>) dst(%arg7 : memref<79x128xi32, #tpu.memory_space<vmem>>)
      tpu.yield
    }) : () -> ()
    "tpu.region"() ({
      %run_scoped3A = tpu.sem_alloc : memref<!tpu.dma_semaphore, #tpu.memory_space<semaphore_mem>>
      %dma_start3A = arith.constant 0 : i32
      %dma_start3A_8 = arith.constant 0 : i32
      %dma_start3A_9 = tpu.memref_slice %arg4[%add3A, %dma_start3A, %dma_start3A_8] : memref<32x79x128xi32, #tpu.memory_space<hbm>> -> memref<1x79x128xi32, #tpu.memory_space<hbm>>
      %dma_start3A_10 = tpu.memref_squeeze %dma_start3A_9 : memref<1x79x128xi32, #tpu.memory_space<hbm>> -> memref<79x128xi32, #tpu.memory_space<hbm>>
      %dma_start3A_11 = arith.constant 0 : i32
      %dma_start3A_12 = arith.constant 0 : i32
      %dma_start3A_13 = tpu.memref_slice %arg4[%add3A, %dma_start3A_11, %dma_start3A_12] : memref<32x79x128xi32, #tpu.memory_space<hbm>> -> memref<1x79x128xi32, #tpu.memory_space<hbm>>
      %dma_start3A_14 = tpu.memref_squeeze %dma_start3A_13 : memref<1x79x128xi32, #tpu.memory_space<hbm>> -> memref<79x128xi32, #tpu.memory_space<hbm>>
      tpu.enqueue_dma source(%dma_start3A_14 : memref<79x128xi32, #tpu.memory_space<hbm>>) target(%arg8 : memref<79x128xi32, #tpu.memory_space<vmem>>) target_semaphore(%run_scoped3A : memref<!tpu.dma_semaphore, #tpu.memory_space<semaphore_mem>>)
      %dma_wait3A = arith.constant 0 : i32
      %dma_wait3A_15 = arith.constant 0 : i32
      %dma_wait3A_16 = tpu.memref_slice %arg4[%add3A, %dma_wait3A, %dma_wait3A_15] : memref<32x79x128xi32, #tpu.memory_space<hbm>> -> memref<1x79x128xi32, #tpu.memory_space<hbm>>
      %dma_wait3A_17 = tpu.memref_squeeze %dma_wait3A_16 : memref<1x79x128xi32, #tpu.memory_space<hbm>> -> memref<79x128xi32, #tpu.memory_space<hbm>>
      %dma_wait3A_18 = arith.constant 0 : i32
      %dma_wait3A_19 = arith.constant 0 : i32
      %dma_wait3A_20 = tpu.memref_slice %arg4[%add3A, %dma_wait3A_18, %dma_wait3A_19] : memref<32x79x128xi32, #tpu.memory_space<hbm>> -> memref<1x79x128xi32, #tpu.memory_space<hbm>>
      %dma_wait3A_21 = tpu.memref_squeeze %dma_wait3A_20 : memref<1x79x128xi32, #tpu.memory_space<hbm>> -> memref<79x128xi32, #tpu.memory_space<hbm>>
      tpu.wait_dma2 semaphore(%run_scoped3A : memref<!tpu.dma_semaphore, #tpu.memory_space<semaphore_mem>>) src(%dma_wait3A_21 : memref<79x128xi32, #tpu.memory_space<hbm>>) dst(%arg8 : memref<79x128xi32, #tpu.memory_space<vmem>>)
      tpu.yield
    }) : () -> ()
    %mul3A_1 = arith.constant 10112 : i32
    %mul3A_2 = arith.muli %add3A, %mul3A_1 : i32
    %scan3A = arith.constant 0 : i32
    %scan3A_3 = arith.constant 0 : i32
    %scan3A_4 = arith.constant 79 : i32
    %scan3A_5 = arith.addi %scan3A_3, %scan3A_4 : i32
    %scan3A_6 = arith.constant 1 : i32
    scf.for %scan3A_8 = %scan3A_3 to %scan3A_5 step %scan3A_6  : i32 {
      %mul3A_9 = arith.constant 128 : i32
      %mul3A_10 = arith.muli %scan3A_8, %mul3A_9 : i32
      %add3A_11 = arith.addi %mul3A_2, %mul3A_10 : i32
      %dma_start3A = arith.constant 0 : i32
      %dma_start3A_12 = tpu.memref_slice %arg7[%scan3A_8, %dma_start3A] : memref<79x128xi32, #tpu.memory_space<vmem>> -> memref<1x128xi32, #tpu.memory_space<vmem>>
      %dma_start3A_13 = tpu.memref_squeeze %dma_start3A_12 : memref<1x128xi32, #tpu.memory_space<vmem>> -> memref<128xi32, #tpu.memory_space<vmem>>
      %dma_start3A_14 = arith.constant 0 : i32
      %dma_start3A_15 = arith.constant 0 : i32
      %dma_start3A_16 = tpu.memref_slice %arg2[%dma_start3A_14, %dma_start3A_15] : memref<10000x128xf32, #tpu.memory_space<hbm>> -> memref<10000x128xf32, #tpu.memory_space<hbm>>
      tpu.enqueue_indirect_dma source(%dma_start3A_16 : memref<10000x128xf32, #tpu.memory_space<hbm>>) target(%arg9 : memref<128x128xf32, #tpu.memory_space<vmem>>) offsets(%dma_start3A_13 : memref<128xi32, #tpu.memory_space<vmem>>) semaphore(%arg11 : memref<!tpu.dma_semaphore, #tpu.memory_space<semaphore_mem>>)
      %dma_start3A_17 = arith.constant 0 : i32
      %dma_start3A_18 = tpu.memref_slice %arg8[%scan3A_8, %dma_start3A_17] : memref<79x128xi32, #tpu.memory_space<vmem>> -> memref<1x128xi32, #tpu.memory_space<vmem>>
      %dma_start3A_19 = tpu.memref_squeeze %dma_start3A_18 : memref<1x128xi32, #tpu.memory_space<vmem>> -> memref<128xi32, #tpu.memory_space<vmem>>
      %dma_start3A_20 = arith.constant 0 : i32
      %dma_start3A_21 = arith.constant 0 : i32
      %dma_start3A_22 = tpu.memref_slice %arg2[%dma_start3A_20, %dma_start3A_21] : memref<10000x128xf32, #tpu.memory_space<hbm>> -> memref<10000x128xf32, #tpu.memory_space<hbm>>
      tpu.enqueue_indirect_dma source(%dma_start3A_22 : memref<10000x128xf32, #tpu.memory_space<hbm>>) target(%arg10 : memref<128x128xf32, #tpu.memory_space<vmem>>) offsets(%dma_start3A_19 : memref<128xi32, #tpu.memory_space<vmem>>) semaphore(%arg12 : memref<!tpu.dma_semaphore, #tpu.memory_space<semaphore_mem>>)
      %dma_wait3A = arith.constant 0 : i32
      %dma_wait3A_23 = tpu.memref_slice %arg7[%scan3A_8, %dma_wait3A] : memref<79x128xi32, #tpu.memory_space<vmem>> -> memref<1x128xi32, #tpu.memory_space<vmem>>
      %dma_wait3A_24 = tpu.memref_squeeze %dma_wait3A_23 : memref<1x128xi32, #tpu.memory_space<vmem>> -> memref<128xi32, #tpu.memory_space<vmem>>
      %dma_wait3A_25 = arith.constant 0 : i32
      %dma_wait3A_26 = arith.constant 0 : i32
      %dma_wait3A_27 = tpu.memref_slice %arg2[%dma_wait3A_25, %dma_wait3A_26] : memref<10000x128xf32, #tpu.memory_space<hbm>> -> memref<10000x128xf32, #tpu.memory_space<hbm>>
      tpu.wait_indirect_dma semaphore(%arg11 : memref<!tpu.dma_semaphore, #tpu.memory_space<semaphore_mem>>) src(%dma_wait3A_27 : memref<10000x128xf32, #tpu.memory_space<hbm>>) dst(%arg9 : memref<128x128xf32, #tpu.memory_space<vmem>>)
      "tpu.region"() ({
        %run_scoped3A = tpu.sem_alloc : memref<!tpu.dma_semaphore, #tpu.memory_space<semaphore_mem>>
        %dma_start3A_34 = arith.constant 0 : i32
        %dma_start3A_35 = tpu.memref_slice %arg5[%add3A_11, %dma_start3A_34] : memref<323584x128xf32, #tpu.memory_space<hbm>> -> memref<128x128xf32, #tpu.memory_space<hbm>>
        %dma_start3A_36 = arith.constant 0 : i32
        %dma_start3A_37 = tpu.memref_slice %arg5[%add3A_11, %dma_start3A_36] : memref<323584x128xf32, #tpu.memory_space<hbm>> -> memref<128x128xf32, #tpu.memory_space<hbm>>
        tpu.enqueue_dma source(%arg9 : memref<128x128xf32, #tpu.memory_space<vmem>>) target(%dma_start3A_37 : memref<128x128xf32, #tpu.memory_space<hbm>>) target_semaphore(%run_scoped3A : memref<!tpu.dma_semaphore, #tpu.memory_space<semaphore_mem>>)
        %dma_wait3A_38 = arith.constant 0 : i32
        %dma_wait3A_39 = tpu.memref_slice %arg5[%add3A_11, %dma_wait3A_38] : memref<323584x128xf32, #tpu.memory_space<hbm>> -> memref<128x128xf32, #tpu.memory_space<hbm>>
        %dma_wait3A_40 = arith.constant 0 : i32
        %dma_wait3A_41 = tpu.memref_slice %arg5[%add3A_11, %dma_wait3A_40] : memref<323584x128xf32, #tpu.memory_space<hbm>> -> memref<128x128xf32, #tpu.memory_space<hbm>>
        tpu.wait_dma2 semaphore(%run_scoped3A : memref<!tpu.dma_semaphore, #tpu.memory_space<semaphore_mem>>) src(%arg9 : memref<128x128xf32, #tpu.memory_space<vmem>>) dst(%dma_wait3A_41 : memref<128x128xf32, #tpu.memory_space<hbm>>)
        tpu.yield
      }) : () -> ()
      %dma_wait3A_28 = arith.constant 0 : i32
      %dma_wait3A_29 = tpu.memref_slice %arg8[%scan3A_8, %dma_wait3A_28] : memref<79x128xi32, #tpu.memory_space<vmem>> -> memref<1x128xi32, #tpu.memory_space<vmem>>
      %dma_wait3A_30 = tpu.memref_squeeze %dma_wait3A_29 : memref<1x128xi32, #tpu.memory_space<vmem>> -> memref<128xi32, #tpu.memory_space<vmem>>
      %dma_wait3A_31 = arith.constant 0 : i32
      %dma_wait3A_32 = arith.constant 0 : i32
      %dma_wait3A_33 = tpu.memref_slice %arg2[%dma_wait3A_31, %dma_wait3A_32] : memref<10000x128xf32, #tpu.memory_space<hbm>> -> memref<10000x128xf32, #tpu.memory_space<hbm>>
      tpu.wait_indirect_dma semaphore(%arg12 : memref<!tpu.dma_semaphore, #tpu.memory_space<semaphore_mem>>) src(%dma_wait3A_33 : memref<10000x128xf32, #tpu.memory_space<hbm>>) dst(%arg10 : memref<128x128xf32, #tpu.memory_space<vmem>>)
      "tpu.region"() ({
        %run_scoped3A = tpu.sem_alloc : memref<!tpu.dma_semaphore, #tpu.memory_space<semaphore_mem>>
        %dma_start3A_34 = arith.constant 0 : i32
        %dma_start3A_35 = tpu.memref_slice %arg6[%add3A_11, %dma_start3A_34] : memref<323584x128xf32, #tpu.memory_space<hbm>> -> memref<128x128xf32, #tpu.memory_space<hbm>>
        %dma_start3A_36 = arith.constant 0 : i32
        %dma_start3A_37 = tpu.memref_slice %arg6[%add3A_11, %dma_start3A_36] : memref<323584x128xf32, #tpu.memory_space<hbm>> -> memref<128x128xf32, #tpu.memory_space<hbm>>
        tpu.enqueue_dma source(%arg10 : memref<128x128xf32, #tpu.memory_space<vmem>>) target(%dma_start3A_37 : memref<128x128xf32, #tpu.memory_space<hbm>>) target_semaphore(%run_scoped3A : memref<!tpu.dma_semaphore, #tpu.memory_space<semaphore_mem>>)
        %dma_wait3A_38 = arith.constant 0 : i32
        %dma_wait3A_39 = tpu.memref_slice %arg6[%add3A_11, %dma_wait3A_38] : memref<323584x128xf32, #tpu.memory_space<hbm>> -> memref<128x128xf32, #tpu.memory_space<hbm>>
        %dma_wait3A_40 = arith.constant 0 : i32
        %dma_wait3A_41 = tpu.memref_slice %arg6[%add3A_11, %dma_wait3A_40] : memref<323584x128xf32, #tpu.memory_space<hbm>> -> memref<128x128xf32, #tpu.memory_space<hbm>>
        tpu.wait_dma2 semaphore(%run_scoped3A : memref<!tpu.dma_semaphore, #tpu.memory_space<semaphore_mem>>) src(%arg10 : memref<128x128xf32, #tpu.memory_space<vmem>>) dst(%dma_wait3A_41 : memref<128x128xf32, #tpu.memory_space<hbm>>)
        tpu.yield
      }) : () -> ()
    }
    %scan3A_7 = arith.constant 79 : i32
    return
  }
}

#map = affine_map<(d0, d1) -> (0, 0)>
#map1 = affine_map<(d0, d1) -> (0, 0, 0)>
module attributes {stable_mosaic.version = 14 : i64} {
  func.func @scatter(%arg0: i32, %arg1: i32, %arg2: memref<323584x128xf32, #tpu.memory_space<hbm>>, %arg3: memref<32x79x128xi32, #tpu.memory_space<hbm>>, %arg4: memref<10000x128xf32, #tpu.memory_space<hbm>>, %arg5: memref<2x10000x128xf32, #tpu.memory_space<hbm>>, %arg6: memref<79x128xi32, #tpu.memory_space<vmem>>, %arg7: memref<128x128xf32, #tpu.memory_space<vmem>>, %arg8: memref<10000x128xf32, #tpu.memory_space<vmem_shared>>, %arg9: memref<!tpu.dma_semaphore, #tpu.memory_space<semaphore_mem>>) attributes {dimension_semantics = [#tpu.dimension_semantics<core_parallel>, #tpu.dimension_semantics<subcore_parallel>], iteration_bounds = array<i64: 2, 16>, scalar_prefetch = 0 : i64, scratch_operands = 4 : i64, tpu.core_type = #tpu.core_type<sc_vector_subcore>, window_params = [{transform_indices = #map}, {transform_indices = #map1}, {transform_indices = #map}, {transform_indices = #map1}]} {
    %mul3A = arith.constant 2 : i32
    %mul3A_0 = arith.muli %arg1, %mul3A : i32
    %add3A = arith.addi %mul3A_0, %arg0 : i32
    %eq3A = arith.constant 0 : i32
    %eq3A_1 = arith.cmpi eq, %arg1, %eq3A : i32
    %convert_element_type3A = arith.extui %eq3A_1 : i1 to i32
    %cond3A = arith.constant 0 : i32
    %cond3A_2 = arith.cmpi ne, %convert_element_type3A, %cond3A : i32
    scf.if %cond3A_2 {
      "tpu.region"() ({
        %run_scoped3A = tpu.sem_alloc : memref<!tpu.dma_semaphore, #tpu.memory_space<semaphore_mem>>
        tpu.enqueue_dma source(%arg4 : memref<10000x128xf32, #tpu.memory_space<hbm>>) target(%arg8 : memref<10000x128xf32, #tpu.memory_space<vmem_shared>>) target_semaphore(%run_scoped3A : memref<!tpu.dma_semaphore, #tpu.memory_space<semaphore_mem>>)
        tpu.wait_dma2 semaphore(%run_scoped3A : memref<!tpu.dma_semaphore, #tpu.memory_space<semaphore_mem>>) src(%arg4 : memref<10000x128xf32, #tpu.memory_space<hbm>>) dst(%arg8 : memref<10000x128xf32, #tpu.memory_space<vmem_shared>>)
        tpu.yield
      }) : () -> ()
    } else {
    }
    %barrier3A = arith.constant 0 : index
    tpu.barrier barrier_id(%barrier3A)
    "tpu.region"() ({
      %run_scoped3A = tpu.sem_alloc : memref<!tpu.dma_semaphore, #tpu.memory_space<semaphore_mem>>
      %dma_start3A = arith.constant 0 : i32
      %dma_start3A_22 = arith.constant 0 : i32
      %dma_start3A_23 = tpu.memref_slice %arg3[%add3A, %dma_start3A, %dma_start3A_22] : memref<32x79x128xi32, #tpu.memory_space<hbm>> -> memref<1x79x128xi32, #tpu.memory_space<hbm>>
      %dma_start3A_24 = tpu.memref_squeeze %dma_start3A_23 : memref<1x79x128xi32, #tpu.memory_space<hbm>> -> memref<79x128xi32, #tpu.memory_space<hbm>>
      %dma_start3A_25 = arith.constant 0 : i32
      %dma_start3A_26 = arith.constant 0 : i32
      %dma_start3A_27 = tpu.memref_slice %arg3[%add3A, %dma_start3A_25, %dma_start3A_26] : memref<32x79x128xi32, #tpu.memory_space<hbm>> -> memref<1x79x128xi32, #tpu.memory_space<hbm>>
      %dma_start3A_28 = tpu.memref_squeeze %dma_start3A_27 : memref<1x79x128xi32, #tpu.memory_space<hbm>> -> memref<79x128xi32, #tpu.memory_space<hbm>>
      tpu.enqueue_dma source(%dma_start3A_28 : memref<79x128xi32, #tpu.memory_space<hbm>>) target(%arg6 : memref<79x128xi32, #tpu.memory_space<vmem>>) target_semaphore(%run_scoped3A : memref<!tpu.dma_semaphore, #tpu.memory_space<semaphore_mem>>)
      %dma_wait3A = arith.constant 0 : i32
      %dma_wait3A_29 = arith.constant 0 : i32
      %dma_wait3A_30 = tpu.memref_slice %arg3[%add3A, %dma_wait3A, %dma_wait3A_29] : memref<32x79x128xi32, #tpu.memory_space<hbm>> -> memref<1x79x128xi32, #tpu.memory_space<hbm>>
      %dma_wait3A_31 = tpu.memref_squeeze %dma_wait3A_30 : memref<1x79x128xi32, #tpu.memory_space<hbm>> -> memref<79x128xi32, #tpu.memory_space<hbm>>
      %dma_wait3A_32 = arith.constant 0 : i32
      %dma_wait3A_33 = arith.constant 0 : i32
      %dma_wait3A_34 = tpu.memref_slice %arg3[%add3A, %dma_wait3A_32, %dma_wait3A_33] : memref<32x79x128xi32, #tpu.memory_space<hbm>> -> memref<1x79x128xi32, #tpu.memory_space<hbm>>
      %dma_wait3A_35 = tpu.memref_squeeze %dma_wait3A_34 : memref<1x79x128xi32, #tpu.memory_space<hbm>> -> memref<79x128xi32, #tpu.memory_space<hbm>>
      tpu.wait_dma2 semaphore(%run_scoped3A : memref<!tpu.dma_semaphore, #tpu.memory_space<semaphore_mem>>) src(%dma_wait3A_35 : memref<79x128xi32, #tpu.memory_space<hbm>>) dst(%arg6 : memref<79x128xi32, #tpu.memory_space<vmem>>)
      tpu.yield
    }) : () -> ()
    %mul3A_3 = arith.constant 10112 : i32
    %mul3A_4 = arith.muli %add3A, %mul3A_3 : i32
    %scan3A = arith.constant 0 : i32
    %scan3A_5 = arith.constant 0 : i32
    %scan3A_6 = arith.constant 79 : i32
    %scan3A_7 = arith.addi %scan3A_5, %scan3A_6 : i32
    %scan3A_8 = arith.constant 1 : i32
    scf.for %scan3A_22 = %scan3A_5 to %scan3A_7 step %scan3A_8  : i32 {
      %mul3A_23 = arith.constant 128 : i32
      %mul3A_24 = arith.muli %scan3A_22, %mul3A_23 : i32
      %add3A_25 = arith.addi %mul3A_4, %mul3A_24 : i32
      "tpu.region"() ({
        %run_scoped3A = tpu.sem_alloc : memref<!tpu.dma_semaphore, #tpu.memory_space<semaphore_mem>>
        %dma_start3A = arith.constant 0 : i32
        %dma_start3A_26 = tpu.memref_slice %arg2[%add3A_25, %dma_start3A] : memref<323584x128xf32, #tpu.memory_space<hbm>> -> memref<128x128xf32, #tpu.memory_space<hbm>>
        %dma_start3A_27 = arith.constant 0 : i32
        %dma_start3A_28 = tpu.memref_slice %arg2[%add3A_25, %dma_start3A_27] : memref<323584x128xf32, #tpu.memory_space<hbm>> -> memref<128x128xf32, #tpu.memory_space<hbm>>
        tpu.enqueue_dma source(%dma_start3A_28 : memref<128x128xf32, #tpu.memory_space<hbm>>) target(%arg7 : memref<128x128xf32, #tpu.memory_space<vmem>>) target_semaphore(%run_scoped3A : memref<!tpu.dma_semaphore, #tpu.memory_space<semaphore_mem>>)
        %dma_wait3A = arith.constant 0 : i32
        %dma_wait3A_29 = tpu.memref_slice %arg2[%add3A_25, %dma_wait3A] : memref<323584x128xf32, #tpu.memory_space<hbm>> -> memref<128x128xf32, #tpu.memory_space<hbm>>
        %dma_wait3A_30 = arith.constant 0 : i32
        %dma_wait3A_31 = tpu.memref_slice %arg2[%add3A_25, %dma_wait3A_30] : memref<323584x128xf32, #tpu.memory_space<hbm>> -> memref<128x128xf32, #tpu.memory_space<hbm>>
        tpu.wait_dma2 semaphore(%run_scoped3A : memref<!tpu.dma_semaphore, #tpu.memory_space<semaphore_mem>>) src(%dma_wait3A_31 : memref<128x128xf32, #tpu.memory_space<hbm>>) dst(%arg7 : memref<128x128xf32, #tpu.memory_space<vmem>>)
        tpu.yield
      }) : () -> ()
      "tpu.region"() ({
        %run_scoped3A = tpu.sem_alloc : memref<!tpu.dma_semaphore, #tpu.memory_space<semaphore_mem>>
        %dma_start3A = arith.constant 0 : i32
        %dma_start3A_26 = tpu.memref_slice %arg6[%scan3A_22, %dma_start3A] : memref<79x128xi32, #tpu.memory_space<vmem>> -> memref<1x128xi32, #tpu.memory_space<vmem>>
        %dma_start3A_27 = tpu.memref_squeeze %dma_start3A_26 : memref<1x128xi32, #tpu.memory_space<vmem>> -> memref<128xi32, #tpu.memory_space<vmem>>
        %dma_start3A_28 = arith.constant 0 : i32
        %dma_start3A_29 = arith.constant 0 : i32
        %dma_start3A_30 = tpu.memref_slice %arg8[%dma_start3A_28, %dma_start3A_29] : memref<10000x128xf32, #tpu.memory_space<vmem_shared>> -> memref<10000x128xf32, #tpu.memory_space<vmem_shared>>
        tpu.enqueue_indirect_dma source(%arg7 : memref<128x128xf32, #tpu.memory_space<vmem>>) target(%dma_start3A_30 : memref<10000x128xf32, #tpu.memory_space<vmem_shared>>) offsets(%dma_start3A_27 : memref<128xi32, #tpu.memory_space<vmem>>) semaphore(%run_scoped3A : memref<!tpu.dma_semaphore, #tpu.memory_space<semaphore_mem>>) {add = true}
        %dma_wait3A = arith.constant 0 : i32
        %dma_wait3A_31 = tpu.memref_slice %arg6[%scan3A_22, %dma_wait3A] : memref<79x128xi32, #tpu.memory_space<vmem>> -> memref<1x128xi32, #tpu.memory_space<vmem>>
        %dma_wait3A_32 = tpu.memref_squeeze %dma_wait3A_31 : memref<1x128xi32, #tpu.memory_space<vmem>> -> memref<128xi32, #tpu.memory_space<vmem>>
        %dma_wait3A_33 = arith.constant 0 : i32
        %dma_wait3A_34 = arith.constant 0 : i32
        %dma_wait3A_35 = tpu.memref_slice %arg8[%dma_wait3A_33, %dma_wait3A_34] : memref<10000x128xf32, #tpu.memory_space<vmem_shared>> -> memref<10000x128xf32, #tpu.memory_space<vmem_shared>>
        tpu.wait_indirect_dma semaphore(%run_scoped3A : memref<!tpu.dma_semaphore, #tpu.memory_space<semaphore_mem>>) src(%arg7 : memref<128x128xf32, #tpu.memory_space<vmem>>) dst(%dma_wait3A_35 : memref<10000x128xf32, #tpu.memory_space<vmem_shared>>)
        tpu.yield
      }) : () -> ()
    }
    %scan3A_9 = arith.constant 79 : i32
    %barrier3A_10 = arith.constant 0 : index
    tpu.barrier barrier_id(%barrier3A_10)
    %mul3A_11 = arith.constant 624 : i32
    %mul3A_12 = arith.muli %arg1, %mul3A_11 : i32
    %lt3A = arith.constant 15 : i32
    %lt3A_13 = arith.cmpi slt, %arg1, %lt3A : i32
    %convert_element_type3A_14 = arith.extui %lt3A_13 : i1 to i32
    %cond3A_15 = arith.constant 0 : i32
    %cond3A_16 = arith.cmpi ne, %convert_element_type3A_14, %cond3A_15 : i32
    scf.if %cond3A_16 {
      "tpu.region"() ({
        %run_scoped3A = tpu.sem_alloc : memref<!tpu.dma_semaphore, #tpu.memory_space<semaphore_mem>>
        %dma_start3A = arith.constant 0 : i32
        %dma_start3A_22 = tpu.memref_slice %arg5[%arg0, %mul3A_12, %dma_start3A] : memref<2x10000x128xf32, #tpu.memory_space<hbm>> -> memref<1x624x128xf32, #tpu.memory_space<hbm>>
        %dma_start3A_23 = tpu.memref_squeeze %dma_start3A_22 : memref<1x624x128xf32, #tpu.memory_space<hbm>> -> memref<624x128xf32, #tpu.memory_space<hbm>>
        %dma_start3A_24 = arith.constant 0 : i32
        %dma_start3A_25 = tpu.memref_slice %arg8[%mul3A_12, %dma_start3A_24] : memref<10000x128xf32, #tpu.memory_space<vmem_shared>> -> memref<624x128xf32, #tpu.memory_space<vmem_shared>>
        tpu.enqueue_dma source(%dma_start3A_25 : memref<624x128xf32, #tpu.memory_space<vmem_shared>>) target(%dma_start3A_23 : memref<624x128xf32, #tpu.memory_space<hbm>>) target_semaphore(%run_scoped3A : memref<!tpu.dma_semaphore, #tpu.memory_space<semaphore_mem>>)
        %dma_wait3A = arith.constant 0 : i32
        %dma_wait3A_26 = tpu.memref_slice %arg5[%arg0, %mul3A_12, %dma_wait3A] : memref<2x10000x128xf32, #tpu.memory_space<hbm>> -> memref<1x624x128xf32, #tpu.memory_space<hbm>>
        %dma_wait3A_27 = tpu.memref_squeeze %dma_wait3A_26 : memref<1x624x128xf32, #tpu.memory_space<hbm>> -> memref<624x128xf32, #tpu.memory_space<hbm>>
        %dma_wait3A_28 = arith.constant 0 : i32
        %dma_wait3A_29 = tpu.memref_slice %arg8[%mul3A_12, %dma_wait3A_28] : memref<10000x128xf32, #tpu.memory_space<vmem_shared>> -> memref<624x128xf32, #tpu.memory_space<vmem_shared>>
        tpu.wait_dma2 semaphore(%run_scoped3A : memref<!tpu.dma_semaphore, #tpu.memory_space<semaphore_mem>>) src(%dma_wait3A_29 : memref<624x128xf32, #tpu.memory_space<vmem_shared>>) dst(%dma_wait3A_27 : memref<624x128xf32, #tpu.memory_space<hbm>>)
        tpu.yield
      }) : () -> ()
    } else {
    }
    %eq3A_17 = arith.constant 15 : i32
    %eq3A_18 = arith.cmpi eq, %arg1, %eq3A_17 : i32
    %convert_element_type3A_19 = arith.extui %eq3A_18 : i1 to i32
    %cond3A_20 = arith.constant 0 : i32
    %cond3A_21 = arith.cmpi ne, %convert_element_type3A_19, %cond3A_20 : i32
    scf.if %cond3A_21 {
      "tpu.region"() ({
        %run_scoped3A = tpu.sem_alloc : memref<!tpu.dma_semaphore, #tpu.memory_space<semaphore_mem>>
        %dma_start3A = arith.constant 9360 : i32
        %dma_start3A_22 = arith.constant 0 : i32
        %dma_start3A_23 = tpu.memref_slice %arg5[%arg0, %dma_start3A, %dma_start3A_22] : memref<2x10000x128xf32, #tpu.memory_space<hbm>> -> memref<1x640x128xf32, #tpu.memory_space<hbm>>
        %dma_start3A_24 = tpu.memref_squeeze %dma_start3A_23 : memref<1x640x128xf32, #tpu.memory_space<hbm>> -> memref<640x128xf32, #tpu.memory_space<hbm>>
        %dma_start3A_25 = arith.constant 9360 : i32
        %dma_start3A_26 = arith.constant 0 : i32
        %dma_start3A_27 = tpu.memref_slice %arg8[%dma_start3A_25, %dma_start3A_26] : memref<10000x128xf32, #tpu.memory_space<vmem_shared>> -> memref<640x128xf32, #tpu.memory_space<vmem_shared>>
        tpu.enqueue_dma source(%dma_start3A_27 : memref<640x128xf32, #tpu.memory_space<vmem_shared>>) target(%dma_start3A_24 : memref<640x128xf32, #tpu.memory_space<hbm>>) target_semaphore(%run_scoped3A : memref<!tpu.dma_semaphore, #tpu.memory_space<semaphore_mem>>)
        %dma_wait3A = arith.constant 9360 : i32
        %dma_wait3A_28 = arith.constant 0 : i32
        %dma_wait3A_29 = tpu.memref_slice %arg5[%arg0, %dma_wait3A, %dma_wait3A_28] : memref<2x10000x128xf32, #tpu.memory_space<hbm>> -> memref<1x640x128xf32, #tpu.memory_space<hbm>>
        %dma_wait3A_30 = tpu.memref_squeeze %dma_wait3A_29 : memref<1x640x128xf32, #tpu.memory_space<hbm>> -> memref<640x128xf32, #tpu.memory_space<hbm>>
        %dma_wait3A_31 = arith.constant 9360 : i32
        %dma_wait3A_32 = arith.constant 0 : i32
        %dma_wait3A_33 = tpu.memref_slice %arg8[%dma_wait3A_31, %dma_wait3A_32] : memref<10000x128xf32, #tpu.memory_space<vmem_shared>> -> memref<640x128xf32, #tpu.memory_space<vmem_shared>>
        tpu.wait_dma2 semaphore(%run_scoped3A : memref<!tpu.dma_semaphore, #tpu.memory_space<semaphore_mem>>) src(%dma_wait3A_33 : memref<640x128xf32, #tpu.memory_space<vmem_shared>>) dst(%dma_wait3A_30 : memref<640x128xf32, #tpu.memory_space<hbm>>)
        tpu.yield
      }) : () -> ()
    } else {
    }
    return
  }
}

module attributes {stable_mosaic.version = 14 : i64} {
  func.func @_h0_kernel(%arg0: i32, %arg1: memref<2000x1xi32, #tpu.memory_space<vmem>>, %arg2: memref<128x128xf32, #tpu.memory_space<vmem>>, %arg3: memref<128x128xf32, #tpu.memory_space<vmem>>, %arg4: memref<1x128xf32, #tpu.memory_space<vmem>>, %arg5: memref<2000x128xf32, #tpu.memory_space<vmem>>) attributes {dimension_semantics = [#tpu.dimension_semantics<arbitrary>], iteration_bounds = array<i64: 5>, scalar_prefetch = 0 : i64, scratch_operands = 0 : i64, tpu.core_type = #tpu.core_type<tc>, window_params = [{transform_indices = @transform_0, window_bounds = array<i64: 2000, 1>}, {pipeline_mode = #tpu.pipeline_mode<synchronous>, transform_indices = @transform_1, window_bounds = array<i64: 128, 128>}, {pipeline_mode = #tpu.pipeline_mode<synchronous>, transform_indices = @transform_2, window_bounds = array<i64: 128, 128>}, {pipeline_mode = #tpu.pipeline_mode<synchronous>, transform_indices = @transform_3, window_bounds = array<i64: 1, 128>}, {transform_indices = @transform_4, window_bounds = array<i64: 2000, 128>}]} {
    %get3A = arith.constant 0 : index
    %get3A_0 = arith.constant 0 : index
    %get3A_1 = vector.load %arg1[%get3A, %get3A_0] : memref<2000x1xi32, #tpu.memory_space<vmem>>, vector<2000x1xi32>
    %iota3A = tpu.iota {dimensions = array<i32: 1>} : vector<1x128xi32>
    %eq3A = vector.broadcast %get3A_1 : vector<2000x1xi32> to vector<2000x128xi32>
    %eq3A_2 = vector.broadcast %iota3A : vector<1x128xi32> to vector<2000x128xi32>
    %eq3A_3 = arith.cmpi eq, %eq3A, %eq3A_2 : vector<2000x128xi32>
    %convert_element_type3A = arith.extui %eq3A_3 : vector<2000x128xi1> to vector<2000x128xi32>
    %convert_element_type3A_4 = arith.sitofp %convert_element_type3A : vector<2000x128xi32> to vector<2000x128xf32>
    %get3A_5 = arith.constant 0 : index
    %get3A_6 = arith.constant 0 : index
    %get3A_7 = vector.load %arg2[%get3A_5, %get3A_6] : memref<128x128xf32, #tpu.memory_space<vmem>>, vector<128x128xf32>
    %dot_general3A = arith.constant dense<0.000000e+00> : vector<2000x128xf32>
    %dot_general3A_8 = tpu.matmul %convert_element_type3A_4, %get3A_7, %dot_general3A {dimension_numbers = #tpu.dot_dimension_numbers<[1], [0], [0], [1], [0, 0, 1, 1], [], []>, precision = #tpu.contract_precision<fp32>, transpose_lhs_hint = false} : vector<2000x128xf32>, vector<128x128xf32>, vector<2000x128xf32> -> vector<2000x128xf32>
    %get3A_9 = arith.constant 0 : index
    %get3A_10 = arith.constant 0 : index
    %get3A_11 = vector.load %arg3[%get3A_9, %get3A_10] : memref<128x128xf32, #tpu.memory_space<vmem>>, vector<128x128xf32>
    %dot_general3A_12 = arith.constant dense<0.000000e+00> : vector<2000x128xf32>
    %dot_general3A_13 = tpu.matmul %dot_general3A_8, %get3A_11, %dot_general3A_12 {dimension_numbers = #tpu.dot_dimension_numbers<[1], [0], [0], [1], [0, 0, 1, 1], [], []>, precision = #tpu.contract_precision<fp32>, transpose_lhs_hint = false} : vector<2000x128xf32>, vector<128x128xf32>, vector<2000x128xf32> -> vector<2000x128xf32>
    %get3A_14 = arith.constant 0 : index
    %get3A_15 = arith.constant 0 : index
    %get3A_16 = vector.load %arg4[%get3A_14, %get3A_15] : memref<1x128xf32, #tpu.memory_space<vmem>>, vector<1x128xf32>
    %add3A = vector.broadcast %get3A_16 : vector<1x128xf32> to vector<2000x128xf32>
    %add3A_17 = arith.addf %dot_general3A_13, %add3A : vector<2000x128xf32>
    %swap3A = arith.constant 0 : index
    %swap3A_18 = arith.constant 0 : index
    %swap3A_19 = vector.load %arg5[%swap3A, %swap3A_18] : memref<2000x128xf32, #tpu.memory_space<vmem>>, vector<2000x128xf32>
    tpu.vector_store %arg5[%swap3A, %swap3A_18], %add3A_17 {strides = array<i32>} : memref<2000x128xf32, #tpu.memory_space<vmem>>, vector<2000x128xf32>,
    return
  }
  func.func @transform_0(%arg0: i32) -> (i32, i32) {
    %c0_i32 = arith.constant 0 : i32
    %c0_i32_0 = arith.constant 0 : i32
    return %arg0, %c0_i32 : i32, i32
  }
  func.func @transform_1(%arg0: i32) -> (i32, i32) {
    %c0_i32 = arith.constant 0 : i32
    %c0_i32_0 = arith.constant 0 : i32
    %c0_i32_1 = arith.constant 0 : i32
    return %c0_i32, %c0_i32_0 : i32, i32
  }
  func.func @transform_2(%arg0: i32) -> (i32, i32) {
    %c0_i32 = arith.constant 0 : i32
    %c0_i32_0 = arith.constant 0 : i32
    %c0_i32_1 = arith.constant 0 : i32
    return %c0_i32, %c0_i32_0 : i32, i32
  }
  func.func @transform_3(%arg0: i32) -> (i32, i32) {
    %c0_i32 = arith.constant 0 : i32
    %c0_i32_0 = arith.constant 0 : i32
    %c0_i32_1 = arith.constant 0 : i32
    return %c0_i32, %c0_i32_0 : i32, i32
  }
  func.func @transform_4(%arg0: i32) -> (i32, i32) {
    %c0_i32 = arith.constant 0 : i32
    %c0_i32_0 = arith.constant 0 : i32
    return %arg0, %c0_i32 : i32, i32
  }
}

module attributes {stable_mosaic.version = 14 : i64} {
  func.func @_ea_kernel(%arg0: i32, %arg1: memref<2048x1xf32, #tpu.memory_space<vmem>>, %arg2: memref<128x128xf32, #tpu.memory_space<vmem>>, %arg3: memref<1x128xf32, #tpu.memory_space<vmem>>, %arg4: memref<64x128xf32, #tpu.memory_space<vmem>>, %arg5: memref<1x128xf32, #tpu.memory_space<vmem>>, %arg6: memref<2048x128xf32, #tpu.memory_space<vmem>>, %arg7: memref<2x128xf32, #tpu.memory_space<vmem>>, %arg8: memref<3x128xf32, #tpu.memory_space<vmem>>) attributes {dimension_semantics = [#tpu.dimension_semantics<arbitrary>], iteration_bounds = array<i64: 158>, scalar_prefetch = 0 : i64, scratch_operands = 1 : i64, tpu.core_type = #tpu.core_type<tc>, window_params = [{transform_indices = @transform_0, window_bounds = array<i64: 2048, 1>}, {pipeline_mode = #tpu.pipeline_mode<synchronous>, transform_indices = @transform_1, window_bounds = array<i64: 128, 128>}, {pipeline_mode = #tpu.pipeline_mode<synchronous>, transform_indices = @transform_2, window_bounds = array<i64: 1, 128>}, {pipeline_mode = #tpu.pipeline_mode<synchronous>, transform_indices = @transform_3, window_bounds = array<i64: 64, 128>}, {pipeline_mode = #tpu.pipeline_mode<synchronous>, transform_indices = @transform_4, window_bounds = array<i64: 1, 128>}, {transform_indices = @transform_5, window_bounds = array<i64: 2048, 128>}, {pipeline_mode = #tpu.pipeline_mode<synchronous>, transform_indices = @transform_6, window_bounds = array<i64: 2, 128>}]} {
    %mul3A = arith.constant 2048 : i32
    %mul3A_0 = arith.muli %arg0, %mul3A : i32
    %iota3A = tpu.iota {dimensions = array<i32: 0>} : vector<2048x1xi32>
    %add3A = vector.broadcast %mul3A_0 : i32 to vector<2048x1xi32>
    %add3A_1 = arith.addi %add3A, %iota3A : vector<2048x1xi32>
    %get3A = arith.constant 0 : index
    %get3A_2 = arith.constant 0 : index
    %get3A_3 = vector.load %arg1[%get3A, %get3A_2] : memref<2048x1xf32, #tpu.memory_space<vmem>>, vector<2048x1xf32>
    %iota3A_4 = tpu.iota {dimensions = array<i32: 1>} : vector<1x128xi32>
    %convert_element_type3A = arith.sitofp %iota3A_4 : vector<1x128xi32> to vector<1x128xf32>
    %mul3A_5 = arith.constant 0.0629921257 : f32
    %mul3A_6 = vector.broadcast %mul3A_5 : f32 to vector<1x128xf32>
    %mul3A_7 = arith.mulf %convert_element_type3A, %mul3A_6 : vector<1x128xf32>
    %add3A_8 = arith.constant -4.000000e+00 : f32
    %add3A_9 = vector.broadcast %add3A_8 : f32 to vector<1x128xf32>
    %add3A_10 = arith.addf %add3A_9, %mul3A_7 : vector<1x128xf32>
    %sub3A = vector.broadcast %get3A_3 : vector<2048x1xf32> to vector<2048x128xf32>
    %sub3A_11 = vector.broadcast %add3A_10 : vector<1x128xf32> to vector<2048x128xf32>
    %sub3A_12 = arith.subf %sub3A, %sub3A_11 : vector<2048x128xf32>
    %mul3A_13 = arith.constant 1.587500e+01 : f32
    %mul3A_14 = vector.broadcast %mul3A_13 : f32 to vector<2048x128xf32>
    %mul3A_15 = arith.mulf %mul3A_14, %sub3A_12 : vector<2048x128xf32>
    %neg3A = arith.constant 0.000000e+00 : f32
    %neg3A_16 = vector.broadcast %neg3A : f32 to vector<2048x128xf32>
    %neg3A_17 = arith.subf %neg3A_16, %mul3A_15 : vector<2048x128xf32>
    %mul3A_18 = arith.mulf %neg3A_17, %mul3A_15 : vector<2048x128xf32>
    %exp3A = math.exp %mul3A_18 : vector<2048x128xf32>
    %get3A_19 = arith.constant 0 : index
    %get3A_20 = arith.constant 0 : index
    %get3A_21 = vector.load %arg2[%get3A_19, %get3A_20] : memref<128x128xf32, #tpu.memory_space<vmem>>, vector<128x128xf32>
    %dot_general3A = arith.constant dense<0.000000e+00> : vector<2048x128xf32>
    %dot_general3A_22 = tpu.matmul %exp3A, %get3A_21, %dot_general3A {dimension_numbers = #tpu.dot_dimension_numbers<[1], [0], [0], [1], [0, 0, 1, 1], [], []>, precision = #tpu.contract_precision<fp32>, transpose_lhs_hint = false} : vector<2048x128xf32>, vector<128x128xf32>, vector<2048x128xf32> -> vector<2048x128xf32>
    %get3A_23 = arith.constant 0 : index
    %get3A_24 = arith.constant 0 : index
    %get3A_25 = vector.load %arg3[%get3A_23, %get3A_24] : memref<1x128xf32, #tpu.memory_space<vmem>>, vector<1x128xf32>
    %add3A_26 = vector.broadcast %get3A_25 : vector<1x128xf32> to vector<2048x128xf32>
    %add3A_27 = arith.addf %dot_general3A_22, %add3A_26 : vector<2048x128xf32>
    %logistic3A = arith.negf %add3A_27 : vector<2048x128xf32>
    %logistic3A_28 = math.exp %logistic3A : vector<2048x128xf32>
    %logistic3A_29 = arith.constant 1.000000e+00 : f32
    %logistic3A_30 = vector.broadcast %logistic3A_29 : f32 to vector<2048x128xf32>
    %logistic3A_31 = arith.addf %logistic3A_30, %logistic3A_28 : vector<2048x128xf32>
    %logistic3A_32 = arith.divf %logistic3A_30, %logistic3A_31 : vector<2048x128xf32>
    %mul3A_33 = arith.mulf %add3A_27, %logistic3A_32 : vector<2048x128xf32>
    %iota3A_34 = tpu.iota {dimensions = array<i32: 1>} : vector<1x64xi32>
    %convert_element_type3A_35 = arith.sitofp %iota3A_34 : vector<1x64xi32> to vector<1x64xf32>
    %mul3A_36 = arith.constant 0.126984134 : f32
    %mul3A_37 = vector.broadcast %mul3A_36 : f32 to vector<1x64xf32>
    %mul3A_38 = arith.mulf %convert_element_type3A_35, %mul3A_37 : vector<1x64xf32>
    %add3A_39 = arith.constant -4.000000e+00 : f32
    %add3A_40 = vector.broadcast %add3A_39 : f32 to vector<1x64xf32>
    %add3A_41 = arith.addf %add3A_40, %mul3A_38 : vector<1x64xf32>
    %sub3A_42 = vector.broadcast %get3A_3 : vector<2048x1xf32> to vector<2048x64xf32>
    %sub3A_43 = vector.broadcast %add3A_41 : vector<1x64xf32> to vector<2048x64xf32>
    %sub3A_44 = arith.subf %sub3A_42, %sub3A_43 : vector<2048x64xf32>
    %mul3A_45 = arith.constant 7.875000e+00 : f32
    %mul3A_46 = vector.broadcast %mul3A_45 : f32 to vector<2048x64xf32>
    %mul3A_47 = arith.mulf %mul3A_46, %sub3A_44 : vector<2048x64xf32>
    %mul3A_48 = arith.mulf %mul3A_47, %mul3A_47 : vector<2048x64xf32>
    %add3A_49 = arith.constant 1.000000e+00 : f32
    %add3A_50 = vector.broadcast %add3A_49 : f32 to vector<2048x64xf32>
    %add3A_51 = arith.addf %add3A_50, %mul3A_48 : vector<2048x64xf32>
    %sqrt3A = math.sqrt %add3A_51 : vector<2048x64xf32>
    %get3A_52 = arith.constant 0 : index
    %get3A_53 = arith.constant 0 : index
    %get3A_54 = vector.load %arg4[%get3A_52, %get3A_53] : memref<64x128xf32, #tpu.memory_space<vmem>>, vector<64x128xf32>
    %dot_general3A_55 = arith.constant dense<0.000000e+00> : vector<2048x128xf32>
    %dot_general3A_56 = tpu.matmul %sqrt3A, %get3A_54, %dot_general3A_55 {dimension_numbers = #tpu.dot_dimension_numbers<[1], [0], [0], [1], [0, 0, 1, 1], [], []>, precision = #tpu.contract_precision<fp32>, transpose_lhs_hint = false} : vector<2048x64xf32>, vector<64x128xf32>, vector<2048x128xf32> -> vector<2048x128xf32>
    %get3A_57 = arith.constant 0 : index
    %get3A_58 = arith.constant 0 : index
    %get3A_59 = vector.load %arg5[%get3A_57, %get3A_58] : memref<1x128xf32, #tpu.memory_space<vmem>>, vector<1x128xf32>
    %add3A_60 = vector.broadcast %get3A_59 : vector<1x128xf32> to vector<2048x128xf32>
    %add3A_61 = arith.addf %dot_general3A_56, %add3A_60 : vector<2048x128xf32>
    %custom_jvp_call3A = arith.constant 0.000000e+00 : f32
    %max3A = vector.broadcast %custom_jvp_call3A : f32 to vector<2048x128xf32>
    %max3A_62 = arith.maximumf %add3A_61, %max3A : vector<2048x128xf32>
    %sub3A_63 = vector.broadcast %custom_jvp_call3A : f32 to vector<2048x128xf32>
    %sub3A_64 = arith.subf %add3A_61, %sub3A_63 : vector<2048x128xf32>
    %ne3A = arith.cmpf one, %sub3A_64, %sub3A_64 : vector<2048x128xf32>
    %add3A_65 = vector.broadcast %custom_jvp_call3A : f32 to vector<2048x128xf32>
    %add3A_66 = arith.addf %add3A_61, %add3A_65 : vector<2048x128xf32>
    %abs3A = math.absf %sub3A_64 : vector<2048x128xf32>
    %neg3A_67 = arith.constant 0.000000e+00 : f32
    %neg3A_68 = vector.broadcast %neg3A_67 : f32 to vector<2048x128xf32>
    %neg3A_69 = arith.subf %neg3A_68, %abs3A : vector<2048x128xf32>
    %exp3A_70 = math.exp %neg3A_69 : vector<2048x128xf32>
    %log1p3A = math.log1p %exp3A_70 : vector<2048x128xf32>
    %add3A_71 = arith.addf %max3A_62, %log1p3A : vector<2048x128xf32>
    %select_n3A = arith.select %ne3A, %add3A_66, %add3A_71 : vector<2048x128xi1>, vector<2048x128xf32>
    %lt3A = arith.constant 160000 : i32
    %lt3A_72 = vector.broadcast %lt3A : i32 to vector<2048x1xi32>
    %lt3A_73 = arith.cmpi slt, %add3A_1, %lt3A_72 : vector<2048x1xi32>
    %ge3A = arith.constant 160000 : i32
    %ge3A_74 = vector.broadcast %ge3A : i32 to vector<2048x1xi32>
    %ge3A_75 = arith.cmpi sge, %add3A_1, %ge3A_74 : vector<2048x1xi32>
    %lt3A_76 = arith.constant 320000 : i32
    %lt3A_77 = vector.broadcast %lt3A_76 : i32 to vector<2048x1xi32>
    %lt3A_78 = arith.cmpi slt, %add3A_1, %lt3A_77 : vector<2048x1xi32>
    %and3A = arith.andi %ge3A_75, %lt3A_78 : vector<2048x1xi1>
    %jit3A = arith.constant 0.000000e+00 : f32
    %broadcast_in_dim3A = vector.shape_cast %and3A : vector<2048x1xi1> to vector<2048x1xi1>
    %broadcast_in_dim3A_79 = vector.broadcast %broadcast_in_dim3A : vector<2048x1xi1> to vector<2048x128xi1>
    %broadcast_in_dim3A_80 = vector.broadcast %jit3A : f32 to vector<2048x128xf32>
    %select_n3A_81 = arith.select %broadcast_in_dim3A_79, %select_n3A, %broadcast_in_dim3A_80 : vector<2048x128xi1>, vector<2048x128xf32>
    %broadcast_in_dim3A_82 = vector.shape_cast %lt3A_73 : vector<2048x1xi1> to vector<2048x1xi1>
    %broadcast_in_dim3A_83 = vector.broadcast %broadcast_in_dim3A_82 : vector<2048x1xi1> to vector<2048x128xi1>
    %select_n3A_84 = arith.select %broadcast_in_dim3A_83, %mul3A_33, %select_n3A_81 : vector<2048x128xi1>, vector<2048x128xf32>
    %swap3A = arith.constant 0 : index
    %swap3A_85 = arith.constant 0 : index
    %swap3A_86 = vector.load %arg6[%swap3A, %swap3A_85] : memref<2048x128xf32, #tpu.memory_space<vmem>>, vector<2048x128xf32>
    tpu.vector_store %arg6[%swap3A, %swap3A_85], %select_n3A_84 {strides = array<i32>} : memref<2048x128xf32, #tpu.memory_space<vmem>>, vector<2048x128xf32>,
    %convert_element_type3A_87 = arith.extui %and3A : vector<2048x1xi1> to vector<2048x1xi32>
    %convert_element_type3A_88 = arith.sitofp %convert_element_type3A_87 : vector<2048x1xi32> to vector<2048x1xf32>
    %mul3A_89 = vector.broadcast %convert_element_type3A_88 : vector<2048x1xf32> to vector<2048x128xf32>
    %mul3A_90 = arith.mulf %select_n3A, %mul3A_89 : vector<2048x128xf32>
    %reduce_sum3A = vector.shape_cast %convert_element_type3A_88 : vector<2048x1xf32> to vector<1x2048x1xf32>
    %reduce_sum3A_91 = arith.constant dense<0.000000e+00> : vector<1xf32>
    %reduce_sum3A_92 = vector.multi_reduction <add>, %reduce_sum3A, %reduce_sum3A_91 [1, 2] : vector<1x2048x1xf32> to vector<1xf32>
    %reduce_sum3A_93 = vector.shape_cast %reduce_sum3A_92 : vector<1xf32> to vector<1x1x1xf32>
    %reduce_sum3A_94 = vector.extract %reduce_sum3A_93[0, 0, 0] : f32 from vector<1x1x1xf32>
    %reduce_sum3A_95 = arith.constant dense<0.000000e+00> : vector<128xf32>
    %reduce_sum3A_96 = vector.multi_reduction <add>, %mul3A_90, %reduce_sum3A_95 [0] : vector<2048x128xf32> to vector<128xf32>
    %broadcast_in_dim3A_97 = vector.shape_cast %reduce_sum3A_96 : vector<128xf32> to vector<1x128xf32>
    %max3A_98 = arith.constant 1.000000e+00 : f32
    %max3A_99 = arith.maximumf %reduce_sum3A_94, %max3A_98 : f32
    %div3A = vector.broadcast %max3A_99 : f32 to vector<1x128xf32>
    %div3A_100 = arith.divf %broadcast_in_dim3A_97, %div3A : vector<1x128xf32>
    %sub3A_101 = vector.broadcast %div3A_100 : vector<1x128xf32> to vector<2048x128xf32>
    %sub3A_102 = arith.subf %mul3A_90, %sub3A_101 : vector<2048x128xf32>
    %mul3A_103 = vector.broadcast %convert_element_type3A_88 : vector<2048x1xf32> to vector<2048x128xf32>
    %mul3A_104 = arith.mulf %sub3A_102, %mul3A_103 : vector<2048x128xf32>
    %mul3A_105 = arith.mulf %mul3A_104, %mul3A_104 : vector<2048x128xf32>
    %reduce_sum3A_106 = arith.constant dense<0.000000e+00> : vector<128xf32>
    %reduce_sum3A_107 = vector.multi_reduction <add>, %mul3A_105, %reduce_sum3A_106 [0] : vector<2048x128xf32> to vector<128xf32>
    %broadcast_in_dim3A_108 = vector.shape_cast %reduce_sum3A_107 : vector<128xf32> to vector<1x128xf32>
    %eq3A = arith.constant 0 : i32
    %eq3A_109 = arith.cmpi eq, %arg0, %eq3A : i32
    %convert_element_type3A_110 = arith.extui %eq3A_109 : i1 to i32
    %cond3A = arith.constant 0 : i32
    %cond3A_111 = arith.cmpi ne, %convert_element_type3A_110, %cond3A : i32
    scf.if %cond3A_111 {
      %broadcast_in_dim3A_150 = arith.constant 0.000000e+00 : f32
      %broadcast_in_dim3A_151 = vector.broadcast %broadcast_in_dim3A_150 : f32 to vector<3x128xf32>
      %swap3A_152 = arith.constant 0 : index
      %swap3A_153 = arith.constant 0 : index
      %swap3A_154 = vector.load %arg8[%swap3A_152, %swap3A_153] : memref<3x128xf32, #tpu.memory_space<vmem>>, vector<3x128xf32>
      tpu.vector_store %arg8[%swap3A_152, %swap3A_153], %broadcast_in_dim3A_151 {strides = array<i32>} : memref<3x128xf32, #tpu.memory_space<vmem>>, vector<3x128xf32>,
    } else {
    }
    %get3A_112 = arith.constant 0 : index
    %get3A_113 = arith.constant 0 : index
    %get3A_114 = vector.load %arg8[%get3A_112, %get3A_113] : memref<3x128xf32, #tpu.memory_space<vmem>>, vector<1x128xf32>
    %get3A_115 = arith.constant 1 : index
    %get3A_116 = arith.constant 0 : index
    %get3A_117 = vector.load %arg8[%get3A_115, %get3A_116] : memref<3x128xf32, #tpu.memory_space<vmem>>, vector<1x128xf32>
    %get3A_118 = arith.constant 2 : index
    %get3A_119 = arith.constant 0 : index
    %get3A_120 = vector.load %arg8[%get3A_118, %get3A_119] : memref<3x128xf32, #tpu.memory_space<vmem>>, vector<1x128xf32>
    %add3A_121 = vector.broadcast %reduce_sum3A_94 : f32 to vector<1x128xf32>
    %add3A_122 = arith.addf %get3A_114, %add3A_121 : vector<1x128xf32>
    %max3A_123 = arith.constant 1.000000e+00 : f32
    %max3A_124 = vector.broadcast %max3A_123 : f32 to vector<1x128xf32>
    %max3A_125 = arith.maximumf %add3A_122, %max3A_124 : vector<1x128xf32>
    %div3A_126 = vector.broadcast %reduce_sum3A_94 : f32 to vector<1x128xf32>
    %div3A_127 = arith.divf %div3A_126, %max3A_125 : vector<1x128xf32>
    %sub3A_128 = arith.subf %div3A_100, %get3A_117 : vector<1x128xf32>
    %swap3A_129 = arith.constant 0 : index
    %swap3A_130 = arith.constant 0 : index
    %swap3A_131 = vector.load %arg8[%swap3A_129, %swap3A_130] : memref<3x128xf32, #tpu.memory_space<vmem>>, vector<1x128xf32>
    tpu.vector_store %arg8[%swap3A_129, %swap3A_130], %add3A_122 {strides = array<i32>} : memref<3x128xf32, #tpu.memory_space<vmem>>, vector<1x128xf32>,
    %mul3A_132 = arith.mulf %sub3A_128, %div3A_127 : vector<1x128xf32>
    %add3A_133 = arith.addf %get3A_117, %mul3A_132 : vector<1x128xf32>
    %swap3A_134 = arith.constant 1 : index
    %swap3A_135 = arith.constant 0 : index
    %swap3A_136 = vector.load %arg8[%swap3A_134, %swap3A_135] : memref<3x128xf32, #tpu.memory_space<vmem>>, vector<1x128xf32>
    tpu.vector_store %arg8[%swap3A_134, %swap3A_135], %add3A_133 {strides = array<i32>} : memref<3x128xf32, #tpu.memory_space<vmem>>, vector<1x128xf32>,
    %add3A_137 = arith.addf %get3A_120, %broadcast_in_dim3A_108 : vector<1x128xf32>
    %mul3A_138 = arith.mulf %sub3A_128, %sub3A_128 : vector<1x128xf32>
    %mul3A_139 = arith.mulf %mul3A_138, %get3A_114 : vector<1x128xf32>
    %mul3A_140 = arith.mulf %mul3A_139, %div3A_127 : vector<1x128xf32>
    %add3A_141 = arith.addf %add3A_137, %mul3A_140 : vector<1x128xf32>
    %swap3A_142 = arith.constant 2 : index
    %swap3A_143 = arith.constant 0 : index
    %swap3A_144 = vector.load %arg8[%swap3A_142, %swap3A_143] : memref<3x128xf32, #tpu.memory_space<vmem>>, vector<1x128xf32>
    tpu.vector_store %arg8[%swap3A_142, %swap3A_143], %add3A_141 {strides = array<i32>} : memref<3x128xf32, #tpu.memory_space<vmem>>, vector<1x128xf32>,
    %eq3A_145 = arith.constant 157 : i32
    %eq3A_146 = arith.cmpi eq, %arg0, %eq3A_145 : i32
    %convert_element_type3A_147 = arith.extui %eq3A_146 : i1 to i32
    %cond3A_148 = arith.constant 0 : i32
    %cond3A_149 = arith.cmpi ne, %convert_element_type3A_147, %cond3A_148 : i32
    scf.if %cond3A_149 {
      %get3A_150 = arith.constant 1 : index
      %get3A_151 = arith.constant 0 : index
      %get3A_152 = vector.load %arg8[%get3A_150, %get3A_151] : memref<3x128xf32, #tpu.memory_space<vmem>>, vector<1x128xf32>
      %swap3A_153 = arith.constant 0 : index
      %swap3A_154 = arith.constant 0 : index
      %swap3A_155 = vector.load %arg7[%swap3A_153, %swap3A_154] : memref<2x128xf32, #tpu.memory_space<vmem>>, vector<1x128xf32>
      tpu.vector_store %arg7[%swap3A_153, %swap3A_154], %get3A_152 {strides = array<i32>} : memref<2x128xf32, #tpu.memory_space<vmem>>, vector<1x128xf32>,
      %get3A_156 = arith.constant 2 : index
      %get3A_157 = arith.constant 0 : index
      %get3A_158 = vector.load %arg8[%get3A_156, %get3A_157] : memref<3x128xf32, #tpu.memory_space<vmem>>, vector<1x128xf32>
      %div3A_159 = arith.constant 1.600000e+05 : f32
      %div3A_160 = vector.broadcast %div3A_159 : f32 to vector<1x128xf32>
      %div3A_161 = arith.divf %get3A_158, %div3A_160 : vector<1x128xf32>
      %swap3A_162 = arith.constant 1 : index
      %swap3A_163 = arith.constant 0 : index
      %swap3A_164 = vector.load %arg7[%swap3A_162, %swap3A_163] : memref<2x128xf32, #tpu.memory_space<vmem>>, vector<1x128xf32>
      tpu.vector_store %arg7[%swap3A_162, %swap3A_163], %div3A_161 {strides = array<i32>} : memref<2x128xf32, #tpu.memory_space<vmem>>, vector<1x128xf32>,
    } else {
    }
    return
  }
  func.func @transform_0(%arg0: i32) -> (i32, i32) {
    %c0_i32 = arith.constant 0 : i32
    %c0_i32_0 = arith.constant 0 : i32
    return %arg0, %c0_i32 : i32, i32
  }
  func.func @transform_1(%arg0: i32) -> (i32, i32) {
    %c0_i32 = arith.constant 0 : i32
    %c0_i32_0 = arith.constant 0 : i32
    %c0_i32_1 = arith.constant 0 : i32
    return %c0_i32, %c0_i32_0 : i32, i32
  }
  func.func @transform_2(%arg0: i32) -> (i32, i32) {
    %c0_i32 = arith.constant 0 : i32
    %c0_i32_0 = arith.constant 0 : i32
    %c0_i32_1 = arith.constant 0 : i32
    return %c0_i32, %c0_i32_0 : i32, i32
  }
  func.func @transform_3(%arg0: i32) -> (i32, i32) {
    %c0_i32 = arith.constant 0 : i32
    %c0_i32_0 = arith.constant 0 : i32
    %c0_i32_1 = arith.constant 0 : i32
    return %c0_i32, %c0_i32_0 : i32, i32
  }
  func.func @transform_4(%arg0: i32) -> (i32, i32) {
    %c0_i32 = arith.constant 0 : i32
    %c0_i32_0 = arith.constant 0 : i32
    %c0_i32_1 = arith.constant 0 : i32
    return %c0_i32, %c0_i32_0 : i32, i32
  }
  func.func @transform_5(%arg0: i32) -> (i32, i32) {
    %c0_i32 = arith.constant 0 : i32
    %c0_i32_0 = arith.constant 0 : i32
    return %arg0, %c0_i32 : i32, i32
  }
  func.func @transform_6(%arg0: i32) -> (i32, i32) {
    %c0_i32 = arith.constant 0 : i32
    %c0_i32_0 = arith.constant 0 : i32
    %c0_i32_1 = arith.constant 0 : i32
    return %c0_i32, %c0_i32_0 : i32, i32
  }
}

module attributes {stable_mosaic.version = 14 : i64} {
  func.func @_passA_kernel(%arg0: i32, %arg1: memref<2048x128xf32, #tpu.memory_space<vmem>>, %arg2: memref<2048x128xf32, #tpu.memory_space<vmem>>, %arg3: memref<2048x128xf32, #tpu.memory_space<vmem>>, %arg4: memref<2x128xf32, #tpu.memory_space<vmem>>, %arg5: memref<1x128xf32, #tpu.memory_space<vmem>>, %arg6: memref<1x128xf32, #tpu.memory_space<vmem>>, %arg7: memref<128x128xf32, #tpu.memory_space<vmem>>, %arg8: memref<128x128xf32, #tpu.memory_space<vmem>>, %arg9: memref<128x128xf32, #tpu.memory_space<vmem>>, %arg10: memref<1x128xf32, #tpu.memory_space<vmem>>, %arg11: memref<128x128xf32, #tpu.memory_space<vmem>>, %arg12: memref<1x128xf32, #tpu.memory_space<vmem>>, %arg13: memref<2x128xf32, #tpu.memory_space<vmem>>, %arg14: memref<3x128xf32, #tpu.memory_space<vmem>>) attributes {dimension_semantics = [#tpu.dimension_semantics<arbitrary>], iteration_bounds = array<i64: 158>, scalar_prefetch = 0 : i64, scratch_operands = 1 : i64, tpu.core_type = #tpu.core_type<tc>, window_params = [{transform_indices = @transform_0, window_bounds = array<i64: 2048, 128>}, {transform_indices = @transform_1, window_bounds = array<i64: 2048, 128>}, {transform_indices = @transform_2, window_bounds = array<i64: 2048, 128>}, {pipeline_mode = #tpu.pipeline_mode<synchronous>, transform_indices = @transform_3, window_bounds = array<i64: 2, 128>}, {pipeline_mode = #tpu.pipeline_mode<synchronous>, transform_indices = @transform_4, window_bounds = array<i64: 1, 128>}, {pipeline_mode = #tpu.pipeline_mode<synchronous>, transform_indices = @transform_5, window_bounds = array<i64: 1, 128>}, {pipeline_mode = #tpu.pipeline_mode<synchronous>, transform_indices = @transform_6, window_bounds = array<i64: 128, 128>}, {pipeline_mode = #tpu.pipeline_mode<synchronous>, transform_indices = @transform_7, window_bounds = array<i64: 128, 128>}, {pipeline_mode = #tpu.pipeline_mode<synchronous>, transform_indices = @transform_8, window_bounds = array<i64: 128, 128>}, {pipeline_mode = #tpu.pipeline_mode<synchronous>, transform_indices = @transform_9, window_bounds = array<i64: 1, 128>}, {pipeline_mode = #tpu.pipeline_mode<synchronous>, transform_indices = @transform_10, window_bounds = array<i64: 128, 128>}, {pipeline_mode = #tpu.pipeline_mode<synchronous>, transform_indices = @transform_11, window_bounds = array<i64: 1, 128>}, {pipeline_mode = #tpu.pipeline_mode<synchronous>, transform_indices = @transform_12, window_bounds = array<i64: 2, 128>}]} {
    %mul3A = arith.constant 2048 : i32
    %mul3A_0 = arith.muli %arg0, %mul3A : i32
    %iota3A = tpu.iota {dimensions = array<i32: 0>} : vector<2048x1xi32>
    %add3A = vector.broadcast %mul3A_0 : i32 to vector<2048x1xi32>
    %add3A_1 = arith.addi %add3A, %iota3A : vector<2048x1xi32>
    %get3A = arith.constant 0 : index
    %get3A_2 = arith.constant 0 : index
    %get3A_3 = vector.load %arg3[%get3A, %get3A_2] : memref<2048x128xf32, #tpu.memory_space<vmem>>, vector<2048x128xf32>
    %get3A_4 = arith.constant 0 : index
    %get3A_5 = arith.constant 0 : index
    %get3A_6 = vector.load %arg4[%get3A_4, %get3A_5] : memref<2x128xf32, #tpu.memory_space<vmem>>, vector<1x128xf32>
    %get3A_7 = arith.constant 1 : index
    %get3A_8 = arith.constant 0 : index
    %get3A_9 = vector.load %arg4[%get3A_7, %get3A_8] : memref<2x128xf32, #tpu.memory_space<vmem>>, vector<1x128xf32>
    %add3A_10 = arith.constant 9.99999974E-6 : f32
    %add3A_11 = vector.broadcast %add3A_10 : f32 to vector<1x128xf32>
    %add3A_12 = arith.addf %get3A_9, %add3A_11 : vector<1x128xf32>
    %sqrt3A = math.sqrt %add3A_12 : vector<1x128xf32>
    %div3A = arith.constant 1.000000e+00 : f32
    %div3A_13 = vector.broadcast %div3A : f32 to vector<1x128xf32>
    %div3A_14 = arith.divf %div3A_13, %sqrt3A : vector<1x128xf32>
    %get3A_15 = arith.constant 0 : index
    %get3A_16 = arith.constant 0 : index
    %get3A_17 = vector.load %arg5[%get3A_15, %get3A_16] : memref<1x128xf32, #tpu.memory_space<vmem>>, vector<1x128xf32>
    %sub3A = vector.broadcast %get3A_6 : vector<1x128xf32> to vector<2048x128xf32>
    %sub3A_18 = arith.subf %get3A_3, %sub3A : vector<2048x128xf32>
    %mul3A_19 = vector.broadcast %get3A_17 : vector<1x128xf32> to vector<2048x128xf32>
    %mul3A_20 = arith.mulf %mul3A_19, %sub3A_18 : vector<2048x128xf32>
    %mul3A_21 = vector.broadcast %div3A_14 : vector<1x128xf32> to vector<2048x128xf32>
    %mul3A_22 = arith.mulf %mul3A_20, %mul3A_21 : vector<2048x128xf32>
    %get3A_23 = arith.constant 0 : index
    %get3A_24 = arith.constant 0 : index
    %get3A_25 = vector.load %arg6[%get3A_23, %get3A_24] : memref<1x128xf32, #tpu.memory_space<vmem>>, vector<1x128xf32>
    %add3A_26 = vector.broadcast %get3A_25 : vector<1x128xf32> to vector<2048x128xf32>
    %add3A_27 = arith.addf %mul3A_22, %add3A_26 : vector<2048x128xf32>
    %lt3A = arith.constant 160000 : i32
    %lt3A_28 = vector.broadcast %lt3A : i32 to vector<2048x1xi32>
    %lt3A_29 = arith.cmpi slt, %add3A_1, %lt3A_28 : vector<2048x1xi32>
    %broadcast_in_dim3A = vector.shape_cast %lt3A_29 : vector<2048x1xi1> to vector<2048x1xi1>
    %broadcast_in_dim3A_30 = vector.broadcast %broadcast_in_dim3A : vector<2048x1xi1> to vector<2048x128xi1>
    %select_n3A = arith.select %broadcast_in_dim3A_30, %get3A_3, %add3A_27 : vector<2048x128xi1>, vector<2048x128xf32>
    %get3A_31 = arith.constant 0 : index
    %get3A_32 = arith.constant 0 : index
    %get3A_33 = vector.load %arg1[%get3A_31, %get3A_32] : memref<2048x128xf32, #tpu.memory_space<vmem>>, vector<2048x128xf32>
    %get3A_34 = arith.constant 0 : index
    %get3A_35 = arith.constant 0 : index
    %get3A_36 = vector.load %arg7[%get3A_34, %get3A_35] : memref<128x128xf32, #tpu.memory_space<vmem>>, vector<128x128xf32>
    %dot_general3A = arith.constant dense<0.000000e+00> : vector<2048x128xf32>
    %dot_general3A_37 = tpu.matmul %get3A_33, %get3A_36, %dot_general3A {dimension_numbers = #tpu.dot_dimension_numbers<[1], [0], [0], [1], [0, 0, 1, 1], [], []>, precision = #tpu.contract_precision<fp32>, transpose_lhs_hint = false} : vector<2048x128xf32>, vector<128x128xf32>, vector<2048x128xf32> -> vector<2048x128xf32>
    %get3A_38 = arith.constant 0 : index
    %get3A_39 = arith.constant 0 : index
    %get3A_40 = vector.load %arg2[%get3A_38, %get3A_39] : memref<2048x128xf32, #tpu.memory_space<vmem>>, vector<2048x128xf32>
    %get3A_41 = arith.constant 0 : index
    %get3A_42 = arith.constant 0 : index
    %get3A_43 = vector.load %arg8[%get3A_41, %get3A_42] : memref<128x128xf32, #tpu.memory_space<vmem>>, vector<128x128xf32>
    %dot_general3A_44 = arith.constant dense<0.000000e+00> : vector<2048x128xf32>
    %dot_general3A_45 = tpu.matmul %get3A_40, %get3A_43, %dot_general3A_44 {dimension_numbers = #tpu.dot_dimension_numbers<[1], [0], [0], [1], [0, 0, 1, 1], [], []>, precision = #tpu.contract_precision<fp32>, transpose_lhs_hint = false} : vector<2048x128xf32>, vector<128x128xf32>, vector<2048x128xf32> -> vector<2048x128xf32>
    %add3A_46 = arith.addf %dot_general3A_37, %dot_general3A_45 : vector<2048x128xf32>
    %get3A_47 = arith.constant 0 : index
    %get3A_48 = arith.constant 0 : index
    %get3A_49 = vector.load %arg9[%get3A_47, %get3A_48] : memref<128x128xf32, #tpu.memory_space<vmem>>, vector<128x128xf32>
    %dot_general3A_50 = arith.constant dense<0.000000e+00> : vector<2048x128xf32>
    %dot_general3A_51 = tpu.matmul %select_n3A, %get3A_49, %dot_general3A_50 {dimension_numbers = #tpu.dot_dimension_numbers<[1], [0], [0], [1], [0, 0, 1, 1], [], []>, precision = #tpu.contract_precision<fp32>, transpose_lhs_hint = false} : vector<2048x128xf32>, vector<128x128xf32>, vector<2048x128xf32> -> vector<2048x128xf32>
    %add3A_52 = arith.addf %add3A_46, %dot_general3A_51 : vector<2048x128xf32>
    %get3A_53 = arith.constant 0 : index
    %get3A_54 = arith.constant 0 : index
    %get3A_55 = vector.load %arg10[%get3A_53, %get3A_54] : memref<1x128xf32, #tpu.memory_space<vmem>>, vector<1x128xf32>
    %add3A_56 = vector.broadcast %get3A_55 : vector<1x128xf32> to vector<2048x128xf32>
    %add3A_57 = arith.addf %add3A_52, %add3A_56 : vector<2048x128xf32>
    %logistic3A = arith.negf %add3A_57 : vector<2048x128xf32>
    %logistic3A_58 = math.exp %logistic3A : vector<2048x128xf32>
    %logistic3A_59 = arith.constant 1.000000e+00 : f32
    %logistic3A_60 = vector.broadcast %logistic3A_59 : f32 to vector<2048x128xf32>
    %logistic3A_61 = arith.addf %logistic3A_60, %logistic3A_58 : vector<2048x128xf32>
    %logistic3A_62 = arith.divf %logistic3A_60, %logistic3A_61 : vector<2048x128xf32>
    %mul3A_63 = arith.mulf %add3A_57, %logistic3A_62 : vector<2048x128xf32>
    %get3A_64 = arith.constant 0 : index
    %get3A_65 = arith.constant 0 : index
    %get3A_66 = vector.load %arg11[%get3A_64, %get3A_65] : memref<128x128xf32, #tpu.memory_space<vmem>>, vector<128x128xf32>
    %dot_general3A_67 = arith.constant dense<0.000000e+00> : vector<2048x128xf32>
    %dot_general3A_68 = tpu.matmul %mul3A_63, %get3A_66, %dot_general3A_67 {dimension_numbers = #tpu.dot_dimension_numbers<[1], [0], [0], [1], [0, 0, 1, 1], [], []>, precision = #tpu.contract_precision<fp32>, transpose_lhs_hint = false} : vector<2048x128xf32>, vector<128x128xf32>, vector<2048x128xf32> -> vector<2048x128xf32>
    %get3A_69 = arith.constant 0 : index
    %get3A_70 = arith.constant 0 : index
    %get3A_71 = vector.load %arg12[%get3A_69, %get3A_70] : memref<1x128xf32, #tpu.memory_space<vmem>>, vector<1x128xf32>
    %add3A_72 = vector.broadcast %get3A_71 : vector<1x128xf32> to vector<2048x128xf32>
    %add3A_73 = arith.addf %dot_general3A_68, %add3A_72 : vector<2048x128xf32>
    %lt3A_74 = arith.constant 320000 : i32
    %lt3A_75 = vector.broadcast %lt3A_74 : i32 to vector<2048x1xi32>
    %lt3A_76 = arith.cmpi slt, %add3A_1, %lt3A_75 : vector<2048x1xi32>
    %convert_element_type3A = arith.extui %lt3A_76 : vector<2048x1xi1> to vector<2048x1xi32>
    %convert_element_type3A_77 = arith.sitofp %convert_element_type3A : vector<2048x1xi32> to vector<2048x1xf32>
    %mul3A_78 = vector.broadcast %convert_element_type3A_77 : vector<2048x1xf32> to vector<2048x128xf32>
    %mul3A_79 = arith.mulf %add3A_73, %mul3A_78 : vector<2048x128xf32>
    %reduce_sum3A = vector.shape_cast %convert_element_type3A_77 : vector<2048x1xf32> to vector<1x2048x1xf32>
    %reduce_sum3A_80 = arith.constant dense<0.000000e+00> : vector<1xf32>
    %reduce_sum3A_81 = vector.multi_reduction <add>, %reduce_sum3A, %reduce_sum3A_80 [1, 2] : vector<1x2048x1xf32> to vector<1xf32>
    %reduce_sum3A_82 = vector.shape_cast %reduce_sum3A_81 : vector<1xf32> to vector<1x1x1xf32>
    %reduce_sum3A_83 = vector.extract %reduce_sum3A_82[0, 0, 0] : f32 from vector<1x1x1xf32>
    %reduce_sum3A_84 = arith.constant dense<0.000000e+00> : vector<128xf32>
    %reduce_sum3A_85 = vector.multi_reduction <add>, %mul3A_79, %reduce_sum3A_84 [0] : vector<2048x128xf32> to vector<128xf32>
    %broadcast_in_dim3A_86 = vector.shape_cast %reduce_sum3A_85 : vector<128xf32> to vector<1x128xf32>
    %max3A = arith.constant 1.000000e+00 : f32
    %max3A_87 = arith.maximumf %reduce_sum3A_83, %max3A : f32
    %div3A_88 = vector.broadcast %max3A_87 : f32 to vector<1x128xf32>
    %div3A_89 = arith.divf %broadcast_in_dim3A_86, %div3A_88 : vector<1x128xf32>
    %sub3A_90 = vector.broadcast %div3A_89 : vector<1x128xf32> to vector<2048x128xf32>
    %sub3A_91 = arith.subf %mul3A_79, %sub3A_90 : vector<2048x128xf32>
    %mul3A_92 = vector.broadcast %convert_element_type3A_77 : vector<2048x1xf32> to vector<2048x128xf32>
    %mul3A_93 = arith.mulf %sub3A_91, %mul3A_92 : vector<2048x128xf32>
    %mul3A_94 = arith.mulf %mul3A_93, %mul3A_93 : vector<2048x128xf32>
    %reduce_sum3A_95 = arith.constant dense<0.000000e+00> : vector<128xf32>
    %reduce_sum3A_96 = vector.multi_reduction <add>, %mul3A_94, %reduce_sum3A_95 [0] : vector<2048x128xf32> to vector<128xf32>
    %broadcast_in_dim3A_97 = vector.shape_cast %reduce_sum3A_96 : vector<128xf32> to vector<1x128xf32>
    %eq3A = arith.constant 0 : i32
    %eq3A_98 = arith.cmpi eq, %arg0, %eq3A : i32
    %convert_element_type3A_99 = arith.extui %eq3A_98 : i1 to i32
    %cond3A = arith.constant 0 : i32
    %cond3A_100 = arith.cmpi ne, %convert_element_type3A_99, %cond3A : i32
    scf.if %cond3A_100 {
      %broadcast_in_dim3A_138 = arith.constant 0.000000e+00 : f32
      %broadcast_in_dim3A_139 = vector.broadcast %broadcast_in_dim3A_138 : f32 to vector<3x128xf32>
      %swap3A_140 = arith.constant 0 : index
      %swap3A_141 = arith.constant 0 : index
      %swap3A_142 = vector.load %arg14[%swap3A_140, %swap3A_141] : memref<3x128xf32, #tpu.memory_space<vmem>>, vector<3x128xf32>
      tpu.vector_store %arg14[%swap3A_140, %swap3A_141], %broadcast_in_dim3A_139 {strides = array<i32>} : memref<3x128xf32, #tpu.memory_space<vmem>>, vector<3x128xf32>,
    } else {
    }
    %get3A_101 = arith.constant 0 : index
    %get3A_102 = arith.constant 0 : index
    %get3A_103 = vector.load %arg14[%get3A_101, %get3A_102] : memref<3x128xf32, #tpu.memory_space<vmem>>, vector<1x128xf32>
    %get3A_104 = arith.constant 1 : index
    %get3A_105 = arith.constant 0 : index
    %get3A_106 = vector.load %arg14[%get3A_104, %get3A_105] : memref<3x128xf32, #tpu.memory_space<vmem>>, vector<1x128xf32>
    %get3A_107 = arith.constant 2 : index
    %get3A_108 = arith.constant 0 : index
    %get3A_109 = vector.load %arg14[%get3A_107, %get3A_108] : memref<3x128xf32, #tpu.memory_space<vmem>>, vector<1x128xf32>
    %add3A_110 = vector.broadcast %reduce_sum3A_83 : f32 to vector<1x128xf32>
    %add3A_111 = arith.addf %get3A_103, %add3A_110 : vector<1x128xf32>
    %max3A_112 = arith.constant 1.000000e+00 : f32
    %max3A_113 = vector.broadcast %max3A_112 : f32 to vector<1x128xf32>
    %max3A_114 = arith.maximumf %add3A_111, %max3A_113 : vector<1x128xf32>
    %div3A_115 = vector.broadcast %reduce_sum3A_83 : f32 to vector<1x128xf32>
    %div3A_116 = arith.divf %div3A_115, %max3A_114 : vector<1x128xf32>
    %sub3A_117 = arith.subf %div3A_89, %get3A_106 : vector<1x128xf32>
    %swap3A = arith.constant 0 : index
    %swap3A_118 = arith.constant 0 : index
    %swap3A_119 = vector.load %arg14[%swap3A, %swap3A_118] : memref<3x128xf32, #tpu.memory_space<vmem>>, vector<1x128xf32>
    tpu.vector_store %arg14[%swap3A, %swap3A_118], %add3A_111 {strides = array<i32>} : memref<3x128xf32, #tpu.memory_space<vmem>>, vector<1x128xf32>,
    %mul3A_120 = arith.mulf %sub3A_117, %div3A_116 : vector<1x128xf32>
    %add3A_121 = arith.addf %get3A_106, %mul3A_120 : vector<1x128xf32>
    %swap3A_122 = arith.constant 1 : index
    %swap3A_123 = arith.constant 0 : index
    %swap3A_124 = vector.load %arg14[%swap3A_122, %swap3A_123] : memref<3x128xf32, #tpu.memory_space<vmem>>, vector<1x128xf32>
    tpu.vector_store %arg14[%swap3A_122, %swap3A_123], %add3A_121 {strides = array<i32>} : memref<3x128xf32, #tpu.memory_space<vmem>>, vector<1x128xf32>,
    %add3A_125 = arith.addf %get3A_109, %broadcast_in_dim3A_97 : vector<1x128xf32>
    %mul3A_126 = arith.mulf %sub3A_117, %sub3A_117 : vector<1x128xf32>
    %mul3A_127 = arith.mulf %mul3A_126, %get3A_103 : vector<1x128xf32>
    %mul3A_128 = arith.mulf %mul3A_127, %div3A_116 : vector<1x128xf32>
    %add3A_129 = arith.addf %add3A_125, %mul3A_128 : vector<1x128xf32>
    %swap3A_130 = arith.constant 2 : index
    %swap3A_131 = arith.constant 0 : index
    %swap3A_132 = vector.load %arg14[%swap3A_130, %swap3A_131] : memref<3x128xf32, #tpu.memory_space<vmem>>, vector<1x128xf32>
    tpu.vector_store %arg14[%swap3A_130, %swap3A_131], %add3A_129 {strides = array<i32>} : memref<3x128xf32, #tpu.memory_space<vmem>>, vector<1x128xf32>,
    %eq3A_133 = arith.constant 157 : i32
    %eq3A_134 = arith.cmpi eq, %arg0, %eq3A_133 : i32
    %convert_element_type3A_135 = arith.extui %eq3A_134 : i1 to i32
    %cond3A_136 = arith.constant 0 : i32
    %cond3A_137 = arith.cmpi ne, %convert_element_type3A_135, %cond3A_136 : i32
    scf.if %cond3A_137 {
      %get3A_138 = arith.constant 1 : index
      %get3A_139 = arith.constant 0 : index
      %get3A_140 = vector.load %arg14[%get3A_138, %get3A_139] : memref<3x128xf32, #tpu.memory_space<vmem>>, vector<1x128xf32>
      %swap3A_141 = arith.constant 0 : index
      %swap3A_142 = arith.constant 0 : index
      %swap3A_143 = vector.load %arg13[%swap3A_141, %swap3A_142] : memref<2x128xf32, #tpu.memory_space<vmem>>, vector<1x128xf32>
      tpu.vector_store %arg13[%swap3A_141, %swap3A_142], %get3A_140 {strides = array<i32>} : memref<2x128xf32, #tpu.memory_space<vmem>>, vector<1x128xf32>,
      %get3A_144 = arith.constant 2 : index
      %get3A_145 = arith.constant 0 : index
      %get3A_146 = vector.load %arg14[%get3A_144, %get3A_145] : memref<3x128xf32, #tpu.memory_space<vmem>>, vector<1x128xf32>
      %div3A_147 = arith.constant 3.200000e+05 : f32
      %div3A_148 = vector.broadcast %div3A_147 : f32 to vector<1x128xf32>
      %div3A_149 = arith.divf %get3A_146, %div3A_148 : vector<1x128xf32>
      %swap3A_150 = arith.constant 1 : index
      %swap3A_151 = arith.constant 0 : index
      %swap3A_152 = vector.load %arg13[%swap3A_150, %swap3A_151] : memref<2x128xf32, #tpu.memory_space<vmem>>, vector<1x128xf32>
      tpu.vector_store %arg13[%swap3A_150, %swap3A_151], %div3A_149 {strides = array<i32>} : memref<2x128xf32, #tpu.memory_space<vmem>>, vector<1x128xf32>,
    } else {
    }
    return
  }
  func.func @transform_0(%arg0: i32) -> (i32, i32) {
    %c0_i32 = arith.constant 0 : i32
    %c0_i32_0 = arith.constant 0 : i32
    return %arg0, %c0_i32 : i32, i32
  }
  func.func @transform_1(%arg0: i32) -> (i32, i32) {
    %c0_i32 = arith.constant 0 : i32
    %c0_i32_0 = arith.constant 0 : i32
    return %arg0, %c0_i32 : i32, i32
  }
  func.func @transform_2(%arg0: i32) -> (i32, i32) {
    %c0_i32 = arith.constant 0 : i32
    %c0_i32_0 = arith.constant 0 : i32
    return %arg0, %c0_i32 : i32, i32
  }
  func.func @transform_3(%arg0: i32) -> (i32, i32) {
    %c0_i32 = arith.constant 0 : i32
    %c0_i32_0 = arith.constant 0 : i32
    %c0_i32_1 = arith.constant 0 : i32
    return %c0_i32, %c0_i32_0 : i32, i32
  }
  func.func @transform_4(%arg0: i32) -> (i32, i32) {
    %c0_i32 = arith.constant 0 : i32
    %c0_i32_0 = arith.constant 0 : i32
    %c0_i32_1 = arith.constant 0 : i32
    return %c0_i32, %c0_i32_0 : i32, i32
  }
  func.func @transform_5(%arg0: i32) -> (i32, i32) {
    %c0_i32 = arith.constant 0 : i32
    %c0_i32_0 = arith.constant 0 : i32
    %c0_i32_1 = arith.constant 0 : i32
    return %c0_i32, %c0_i32_0 : i32, i32
  }
  func.func @transform_6(%arg0: i32) -> (i32, i32) {
    %c0_i32 = arith.constant 0 : i32
    %c0_i32_0 = arith.constant 0 : i32
    %c0_i32_1 = arith.constant 0 : i32
    return %c0_i32, %c0_i32_0 : i32, i32
  }
  func.func @transform_7(%arg0: i32) -> (i32, i32) {
    %c0_i32 = arith.constant 0 : i32
    %c0_i32_0 = arith.constant 0 : i32
    %c0_i32_1 = arith.constant 0 : i32
    return %c0_i32, %c0_i32_0 : i32, i32
  }
  func.func @transform_8(%arg0: i32) -> (i32, i32) {
    %c0_i32 = arith.constant 0 : i32
    %c0_i32_0 = arith.constant 0 : i32
    %c0_i32_1 = arith.constant 0 : i32
    return %c0_i32, %c0_i32_0 : i32, i32
  }
  func.func @transform_9(%arg0: i32) -> (i32, i32) {
    %c0_i32 = arith.constant 0 : i32
    %c0_i32_0 = arith.constant 0 : i32
    %c0_i32_1 = arith.constant 0 : i32
    return %c0_i32, %c0_i32_0 : i32, i32
  }
  func.func @transform_10(%arg0: i32) -> (i32, i32) {
    %c0_i32 = arith.constant 0 : i32
    %c0_i32_0 = arith.constant 0 : i32
    %c0_i32_1 = arith.constant 0 : i32
    return %c0_i32, %c0_i32_0 : i32, i32
  }
  func.func @transform_11(%arg0: i32) -> (i32, i32) {
    %c0_i32 = arith.constant 0 : i32
    %c0_i32_0 = arith.constant 0 : i32
    %c0_i32_1 = arith.constant 0 : i32
    return %c0_i32, %c0_i32_0 : i32, i32
  }
  func.func @transform_12(%arg0: i32) -> (i32, i32) {
    %c0_i32 = arith.constant 0 : i32
    %c0_i32_0 = arith.constant 0 : i32
    %c0_i32_1 = arith.constant 0 : i32
    return %c0_i32, %c0_i32_0 : i32, i32
  }
}

module attributes {stable_mosaic.version = 14 : i64} {
  func.func @_passB_kernel(%arg0: i32, %arg1: memref<2048x128xf32, #tpu.memory_space<vmem>>, %arg2: memref<2048x128xf32, #tpu.memory_space<vmem>>, %arg3: memref<2048x128xf32, #tpu.memory_space<vmem>>, %arg4: memref<2x128xf32, #tpu.memory_space<vmem>>, %arg5: memref<1x128xf32, #tpu.memory_space<vmem>>, %arg6: memref<1x128xf32, #tpu.memory_space<vmem>>, %arg7: memref<128x128xf32, #tpu.memory_space<vmem>>, %arg8: memref<128x128xf32, #tpu.memory_space<vmem>>, %arg9: memref<128x128xf32, #tpu.memory_space<vmem>>, %arg10: memref<1x128xf32, #tpu.memory_space<vmem>>, %arg11: memref<128x128xf32, #tpu.memory_space<vmem>>, %arg12: memref<1x128xf32, #tpu.memory_space<vmem>>, %arg13: memref<128x128xf32, #tpu.memory_space<vmem>>, %arg14: memref<128x128xf32, #tpu.memory_space<vmem>>, %arg15: memref<128x128xf32, #tpu.memory_space<vmem>>, %arg16: memref<1x128xf32, #tpu.memory_space<vmem>>, %arg17: memref<128x128xf32, #tpu.memory_space<vmem>>, %arg18: memref<1x128xf32, #tpu.memory_space<vmem>>, %arg19: memref<2x128xf32, #tpu.memory_space<vmem>>, %arg20: memref<1x128xf32, #tpu.memory_space<vmem>>, %arg21: memref<1x128xf32, #tpu.memory_space<vmem>>, %arg22: memref<2048x128xf32, #tpu.memory_space<vmem>>) attributes {dimension_semantics = [#tpu.dimension_semantics<arbitrary>], iteration_bounds = array<i64: 158>, scalar_prefetch = 0 : i64, scratch_operands = 0 : i64, tpu.core_type = #tpu.core_type<tc>, window_params = [{transform_indices = @transform_0, window_bounds = array<i64: 2048, 128>}, {transform_indices = @transform_1, window_bounds = array<i64: 2048, 128>}, {transform_indices = @transform_2, window_bounds = array<i64: 2048, 128>}, {pipeline_mode = #tpu.pipeline_mode<synchronous>, transform_indices = @transform_3, window_bounds = array<i64: 2, 128>}, {pipeline_mode = #tpu.pipeline_mode<synchronous>, transform_indices = @transform_4, window_bounds = array<i64: 1, 128>}, {pipeline_mode = #tpu.pipeline_mode<synchronous>, transform_indices = @transform_5, window_bounds = array<i64: 1, 128>}, {pipeline_mode = #tpu.pipeline_mode<synchronous>, transform_indices = @transform_6, window_bounds = array<i64: 128, 128>}, {pipeline_mode = #tpu.pipeline_mode<synchronous>, transform_indices = @transform_7, window_bounds = array<i64: 128, 128>}, {pipeline_mode = #tpu.pipeline_mode<synchronous>, transform_indices = @transform_8, window_bounds = array<i64: 128, 128>}, {pipeline_mode = #tpu.pipeline_mode<synchronous>, transform_indices = @transform_9, window_bounds = array<i64: 1, 128>}, {pipeline_mode = #tpu.pipeline_mode<synchronous>, transform_indices = @transform_10, window_bounds = array<i64: 128, 128>}, {pipeline_mode = #tpu.pipeline_mode<synchronous>, transform_indices = @transform_11, window_bounds = array<i64: 1, 128>}, {pipeline_mode = #tpu.pipeline_mode<synchronous>, transform_indices = @transform_12, window_bounds = array<i64: 128, 128>}, {pipeline_mode = #tpu.pipeline_mode<synchronous>, transform_indices = @transform_13, window_bounds = array<i64: 128, 128>}, {pipeline_mode = #tpu.pipeline_mode<synchronous>, transform_indices = @transform_14, window_bounds = array<i64: 128, 128>}, {pipeline_mode = #tpu.pipeline_mode<synchronous>, transform_indices = @transform_15, window_bounds = array<i64: 1, 128>}, {pipeline_mode = #tpu.pipeline_mode<synchronous>, transform_indices = @transform_16, window_bounds = array<i64: 128, 128>}, {pipeline_mode = #tpu.pipeline_mode<synchronous>, transform_indices = @transform_17, window_bounds = array<i64: 1, 128>}, {pipeline_mode = #tpu.pipeline_mode<synchronous>, transform_indices = @transform_18, window_bounds = array<i64: 2, 128>}, {pipeline_mode = #tpu.pipeline_mode<synchronous>, transform_indices = @transform_19, window_bounds = array<i64: 1, 128>}, {pipeline_mode = #tpu.pipeline_mode<synchronous>, transform_indices = @transform_20, window_bounds = array<i64: 1, 128>}, {transform_indices = @transform_21, window_bounds = array<i64: 2048, 128>}]} {
    %mul3A = arith.constant 2048 : i32
    %mul3A_0 = arith.muli %arg0, %mul3A : i32
    %iota3A = tpu.iota {dimensions = array<i32: 0>} : vector<2048x1xi32>
    %add3A = vector.broadcast %mul3A_0 : i32 to vector<2048x1xi32>
    %add3A_1 = arith.addi %add3A, %iota3A : vector<2048x1xi32>
    %get3A = arith.constant 0 : index
    %get3A_2 = arith.constant 0 : index
    %get3A_3 = vector.load %arg3[%get3A, %get3A_2] : memref<2048x128xf32, #tpu.memory_space<vmem>>, vector<2048x128xf32>
    %get3A_4 = arith.constant 0 : index
    %get3A_5 = arith.constant 0 : index
    %get3A_6 = vector.load %arg4[%get3A_4, %get3A_5] : memref<2x128xf32, #tpu.memory_space<vmem>>, vector<1x128xf32>
    %get3A_7 = arith.constant 1 : index
    %get3A_8 = arith.constant 0 : index
    %get3A_9 = vector.load %arg4[%get3A_7, %get3A_8] : memref<2x128xf32, #tpu.memory_space<vmem>>, vector<1x128xf32>
    %add3A_10 = arith.constant 9.99999974E-6 : f32
    %add3A_11 = vector.broadcast %add3A_10 : f32 to vector<1x128xf32>
    %add3A_12 = arith.addf %get3A_9, %add3A_11 : vector<1x128xf32>
    %sqrt3A = math.sqrt %add3A_12 : vector<1x128xf32>
    %div3A = arith.constant 1.000000e+00 : f32
    %div3A_13 = vector.broadcast %div3A : f32 to vector<1x128xf32>
    %div3A_14 = arith.divf %div3A_13, %sqrt3A : vector<1x128xf32>
    %get3A_15 = arith.constant 0 : index
    %get3A_16 = arith.constant 0 : index
    %get3A_17 = vector.load %arg5[%get3A_15, %get3A_16] : memref<1x128xf32, #tpu.memory_space<vmem>>, vector<1x128xf32>
    %sub3A = vector.broadcast %get3A_6 : vector<1x128xf32> to vector<2048x128xf32>
    %sub3A_18 = arith.subf %get3A_3, %sub3A : vector<2048x128xf32>
    %mul3A_19 = vector.broadcast %get3A_17 : vector<1x128xf32> to vector<2048x128xf32>
    %mul3A_20 = arith.mulf %mul3A_19, %sub3A_18 : vector<2048x128xf32>
    %mul3A_21 = vector.broadcast %div3A_14 : vector<1x128xf32> to vector<2048x128xf32>
    %mul3A_22 = arith.mulf %mul3A_20, %mul3A_21 : vector<2048x128xf32>
    %get3A_23 = arith.constant 0 : index
    %get3A_24 = arith.constant 0 : index
    %get3A_25 = vector.load %arg6[%get3A_23, %get3A_24] : memref<1x128xf32, #tpu.memory_space<vmem>>, vector<1x128xf32>
    %add3A_26 = vector.broadcast %get3A_25 : vector<1x128xf32> to vector<2048x128xf32>
    %add3A_27 = arith.addf %mul3A_22, %add3A_26 : vector<2048x128xf32>
    %lt3A = arith.constant 160000 : i32
    %lt3A_28 = vector.broadcast %lt3A : i32 to vector<2048x1xi32>
    %lt3A_29 = arith.cmpi slt, %add3A_1, %lt3A_28 : vector<2048x1xi32>
    %broadcast_in_dim3A = vector.shape_cast %lt3A_29 : vector<2048x1xi1> to vector<2048x1xi1>
    %broadcast_in_dim3A_30 = vector.broadcast %broadcast_in_dim3A : vector<2048x1xi1> to vector<2048x128xi1>
    %select_n3A = arith.select %broadcast_in_dim3A_30, %get3A_3, %add3A_27 : vector<2048x128xi1>, vector<2048x128xf32>
    %get3A_31 = arith.constant 0 : index
    %get3A_32 = arith.constant 0 : index
    %get3A_33 = vector.load %arg1[%get3A_31, %get3A_32] : memref<2048x128xf32, #tpu.memory_space<vmem>>, vector<2048x128xf32>
    %get3A_34 = arith.constant 0 : index
    %get3A_35 = arith.constant 0 : index
    %get3A_36 = vector.load %arg2[%get3A_34, %get3A_35] : memref<2048x128xf32, #tpu.memory_space<vmem>>, vector<2048x128xf32>
    %get3A_37 = arith.constant 0 : index
    %get3A_38 = arith.constant 0 : index
    %get3A_39 = vector.load %arg7[%get3A_37, %get3A_38] : memref<128x128xf32, #tpu.memory_space<vmem>>, vector<128x128xf32>
    %dot_general3A = arith.constant dense<0.000000e+00> : vector<2048x128xf32>
    %dot_general3A_40 = tpu.matmul %get3A_33, %get3A_39, %dot_general3A {dimension_numbers = #tpu.dot_dimension_numbers<[1], [0], [0], [1], [0, 0, 1, 1], [], []>, precision = #tpu.contract_precision<fp32>, transpose_lhs_hint = false} : vector<2048x128xf32>, vector<128x128xf32>, vector<2048x128xf32> -> vector<2048x128xf32>
    %get3A_41 = arith.constant 0 : index
    %get3A_42 = arith.constant 0 : index
    %get3A_43 = vector.load %arg8[%get3A_41, %get3A_42] : memref<128x128xf32, #tpu.memory_space<vmem>>, vector<128x128xf32>
    %dot_general3A_44 = arith.constant dense<0.000000e+00> : vector<2048x128xf32>
    %dot_general3A_45 = tpu.matmul %get3A_36, %get3A_43, %dot_general3A_44 {dimension_numbers = #tpu.dot_dimension_numbers<[1], [0], [0], [1], [0, 0, 1, 1], [], []>, precision = #tpu.contract_precision<fp32>, transpose_lhs_hint = false} : vector<2048x128xf32>, vector<128x128xf32>, vector<2048x128xf32> -> vector<2048x128xf32>
    %add3A_46 = arith.addf %dot_general3A_40, %dot_general3A_45 : vector<2048x128xf32>
    %get3A_47 = arith.constant 0 : index
    %get3A_48 = arith.constant 0 : index
    %get3A_49 = vector.load %arg9[%get3A_47, %get3A_48] : memref<128x128xf32, #tpu.memory_space<vmem>>, vector<128x128xf32>
    %dot_general3A_50 = arith.constant dense<0.000000e+00> : vector<2048x128xf32>
    %dot_general3A_51 = tpu.matmul %select_n3A, %get3A_49, %dot_general3A_50 {dimension_numbers = #tpu.dot_dimension_numbers<[1], [0], [0], [1], [0, 0, 1, 1], [], []>, precision = #tpu.contract_precision<fp32>, transpose_lhs_hint = false} : vector<2048x128xf32>, vector<128x128xf32>, vector<2048x128xf32> -> vector<2048x128xf32>
    %add3A_52 = arith.addf %add3A_46, %dot_general3A_51 : vector<2048x128xf32>
    %get3A_53 = arith.constant 0 : index
    %get3A_54 = arith.constant 0 : index
    %get3A_55 = vector.load %arg10[%get3A_53, %get3A_54] : memref<1x128xf32, #tpu.memory_space<vmem>>, vector<1x128xf32>
    %add3A_56 = vector.broadcast %get3A_55 : vector<1x128xf32> to vector<2048x128xf32>
    %add3A_57 = arith.addf %add3A_52, %add3A_56 : vector<2048x128xf32>
    %logistic3A = arith.negf %add3A_57 : vector<2048x128xf32>
    %logistic3A_58 = math.exp %logistic3A : vector<2048x128xf32>
    %logistic3A_59 = arith.constant 1.000000e+00 : f32
    %logistic3A_60 = vector.broadcast %logistic3A_59 : f32 to vector<2048x128xf32>
    %logistic3A_61 = arith.addf %logistic3A_60, %logistic3A_58 : vector<2048x128xf32>
    %logistic3A_62 = arith.divf %logistic3A_60, %logistic3A_61 : vector<2048x128xf32>
    %mul3A_63 = arith.mulf %add3A_57, %logistic3A_62 : vector<2048x128xf32>
    %get3A_64 = arith.constant 0 : index
    %get3A_65 = arith.constant 0 : index
    %get3A_66 = vector.load %arg11[%get3A_64, %get3A_65] : memref<128x128xf32, #tpu.memory_space<vmem>>, vector<128x128xf32>
    %dot_general3A_67 = arith.constant dense<0.000000e+00> : vector<2048x128xf32>
    %dot_general3A_68 = tpu.matmul %mul3A_63, %get3A_66, %dot_general3A_67 {dimension_numbers = #tpu.dot_dimension_numbers<[1], [0], [0], [1], [0, 0, 1, 1], [], []>, precision = #tpu.contract_precision<fp32>, transpose_lhs_hint = false} : vector<2048x128xf32>, vector<128x128xf32>, vector<2048x128xf32> -> vector<2048x128xf32>
    %get3A_69 = arith.constant 0 : index
    %get3A_70 = arith.constant 0 : index
    %get3A_71 = vector.load %arg12[%get3A_69, %get3A_70] : memref<1x128xf32, #tpu.memory_space<vmem>>, vector<1x128xf32>
    %add3A_72 = vector.broadcast %get3A_71 : vector<1x128xf32> to vector<2048x128xf32>
    %add3A_73 = arith.addf %dot_general3A_68, %add3A_72 : vector<2048x128xf32>
    %get3A_74 = arith.constant 0 : index
    %get3A_75 = arith.constant 0 : index
    %get3A_76 = vector.load %arg19[%get3A_74, %get3A_75] : memref<2x128xf32, #tpu.memory_space<vmem>>, vector<1x128xf32>
    %get3A_77 = arith.constant 1 : index
    %get3A_78 = arith.constant 0 : index
    %get3A_79 = vector.load %arg19[%get3A_77, %get3A_78] : memref<2x128xf32, #tpu.memory_space<vmem>>, vector<1x128xf32>
    %add3A_80 = arith.constant 9.99999974E-6 : f32
    %add3A_81 = vector.broadcast %add3A_80 : f32 to vector<1x128xf32>
    %add3A_82 = arith.addf %get3A_79, %add3A_81 : vector<1x128xf32>
    %sqrt3A_83 = math.sqrt %add3A_82 : vector<1x128xf32>
    %div3A_84 = arith.constant 1.000000e+00 : f32
    %div3A_85 = vector.broadcast %div3A_84 : f32 to vector<1x128xf32>
    %div3A_86 = arith.divf %div3A_85, %sqrt3A_83 : vector<1x128xf32>
    %get3A_87 = arith.constant 0 : index
    %get3A_88 = arith.constant 0 : index
    %get3A_89 = vector.load %arg20[%get3A_87, %get3A_88] : memref<1x128xf32, #tpu.memory_space<vmem>>, vector<1x128xf32>
    %sub3A_90 = vector.broadcast %get3A_76 : vector<1x128xf32> to vector<2048x128xf32>
    %sub3A_91 = arith.subf %add3A_73, %sub3A_90 : vector<2048x128xf32>
    %mul3A_92 = vector.broadcast %get3A_89 : vector<1x128xf32> to vector<2048x128xf32>
    %mul3A_93 = arith.mulf %mul3A_92, %sub3A_91 : vector<2048x128xf32>
    %mul3A_94 = vector.broadcast %div3A_86 : vector<1x128xf32> to vector<2048x128xf32>
    %mul3A_95 = arith.mulf %mul3A_93, %mul3A_94 : vector<2048x128xf32>
    %get3A_96 = arith.constant 0 : index
    %get3A_97 = arith.constant 0 : index
    %get3A_98 = vector.load %arg21[%get3A_96, %get3A_97] : memref<1x128xf32, #tpu.memory_space<vmem>>, vector<1x128xf32>
    %add3A_99 = vector.broadcast %get3A_98 : vector<1x128xf32> to vector<2048x128xf32>
    %add3A_100 = arith.addf %mul3A_95, %add3A_99 : vector<2048x128xf32>
    %logistic3A_101 = arith.negf %add3A_100 : vector<2048x128xf32>
    %logistic3A_102 = math.exp %logistic3A_101 : vector<2048x128xf32>
    %logistic3A_103 = arith.constant 1.000000e+00 : f32
    %logistic3A_104 = vector.broadcast %logistic3A_103 : f32 to vector<2048x128xf32>
    %logistic3A_105 = arith.addf %logistic3A_104, %logistic3A_102 : vector<2048x128xf32>
    %logistic3A_106 = arith.divf %logistic3A_104, %logistic3A_105 : vector<2048x128xf32>
    %get3A_107 = arith.constant 0 : index
    %get3A_108 = arith.constant 0 : index
    %get3A_109 = vector.load %arg13[%get3A_107, %get3A_108] : memref<128x128xf32, #tpu.memory_space<vmem>>, vector<128x128xf32>
    %dot_general3A_110 = arith.constant dense<0.000000e+00> : vector<2048x128xf32>
    %dot_general3A_111 = tpu.matmul %get3A_33, %get3A_109, %dot_general3A_110 {dimension_numbers = #tpu.dot_dimension_numbers<[1], [0], [0], [1], [0, 0, 1, 1], [], []>, precision = #tpu.contract_precision<fp32>, transpose_lhs_hint = false} : vector<2048x128xf32>, vector<128x128xf32>, vector<2048x128xf32> -> vector<2048x128xf32>
    %get3A_112 = arith.constant 0 : index
    %get3A_113 = arith.constant 0 : index
    %get3A_114 = vector.load %arg14[%get3A_112, %get3A_113] : memref<128x128xf32, #tpu.memory_space<vmem>>, vector<128x128xf32>
    %dot_general3A_115 = arith.constant dense<0.000000e+00> : vector<2048x128xf32>
    %dot_general3A_116 = tpu.matmul %get3A_36, %get3A_114, %dot_general3A_115 {dimension_numbers = #tpu.dot_dimension_numbers<[1], [0], [0], [1], [0, 0, 1, 1], [], []>, precision = #tpu.contract_precision<fp32>, transpose_lhs_hint = false} : vector<2048x128xf32>, vector<128x128xf32>, vector<2048x128xf32> -> vector<2048x128xf32>
    %add3A_117 = arith.addf %dot_general3A_111, %dot_general3A_116 : vector<2048x128xf32>
    %get3A_118 = arith.constant 0 : index
    %get3A_119 = arith.constant 0 : index
    %get3A_120 = vector.load %arg15[%get3A_118, %get3A_119] : memref<128x128xf32, #tpu.memory_space<vmem>>, vector<128x128xf32>
    %dot_general3A_121 = arith.constant dense<0.000000e+00> : vector<2048x128xf32>
    %dot_general3A_122 = tpu.matmul %select_n3A, %get3A_120, %dot_general3A_121 {dimension_numbers = #tpu.dot_dimension_numbers<[1], [0], [0], [1], [0, 0, 1, 1], [], []>, precision = #tpu.contract_precision<fp32>, transpose_lhs_hint = false} : vector<2048x128xf32>, vector<128x128xf32>, vector<2048x128xf32> -> vector<2048x128xf32>
    %add3A_123 = arith.addf %add3A_117, %dot_general3A_122 : vector<2048x128xf32>
    %get3A_124 = arith.constant 0 : index
    %get3A_125 = arith.constant 0 : index
    %get3A_126 = vector.load %arg16[%get3A_124, %get3A_125] : memref<1x128xf32, #tpu.memory_space<vmem>>, vector<1x128xf32>
    %add3A_127 = vector.broadcast %get3A_126 : vector<1x128xf32> to vector<2048x128xf32>
    %add3A_128 = arith.addf %add3A_123, %add3A_127 : vector<2048x128xf32>
    %logistic3A_129 = arith.negf %add3A_128 : vector<2048x128xf32>
    %logistic3A_130 = math.exp %logistic3A_129 : vector<2048x128xf32>
    %logistic3A_131 = arith.constant 1.000000e+00 : f32
    %logistic3A_132 = vector.broadcast %logistic3A_131 : f32 to vector<2048x128xf32>
    %logistic3A_133 = arith.addf %logistic3A_132, %logistic3A_130 : vector<2048x128xf32>
    %logistic3A_134 = arith.divf %logistic3A_132, %logistic3A_133 : vector<2048x128xf32>
    %mul3A_135 = arith.mulf %add3A_128, %logistic3A_134 : vector<2048x128xf32>
    %get3A_136 = arith.constant 0 : index
    %get3A_137 = arith.constant 0 : index
    %get3A_138 = vector.load %arg17[%get3A_136, %get3A_137] : memref<128x128xf32, #tpu.memory_space<vmem>>, vector<128x128xf32>
    %dot_general3A_139 = arith.constant dense<0.000000e+00> : vector<2048x128xf32>
    %dot_general3A_140 = tpu.matmul %mul3A_135, %get3A_138, %dot_general3A_139 {dimension_numbers = #tpu.dot_dimension_numbers<[1], [0], [0], [1], [0, 0, 1, 1], [], []>, precision = #tpu.contract_precision<fp32>, transpose_lhs_hint = false} : vector<2048x128xf32>, vector<128x128xf32>, vector<2048x128xf32> -> vector<2048x128xf32>
    %get3A_141 = arith.constant 0 : index
    %get3A_142 = arith.constant 0 : index
    %get3A_143 = vector.load %arg18[%get3A_141, %get3A_142] : memref<1x128xf32, #tpu.memory_space<vmem>>, vector<1x128xf32>
    %add3A_144 = vector.broadcast %get3A_143 : vector<1x128xf32> to vector<2048x128xf32>
    %add3A_145 = arith.addf %dot_general3A_140, %add3A_144 : vector<2048x128xf32>
    %lt3A_146 = arith.constant 320000 : i32
    %lt3A_147 = vector.broadcast %lt3A_146 : i32 to vector<2048x1xi32>
    %lt3A_148 = arith.cmpi slt, %add3A_1, %lt3A_147 : vector<2048x1xi32>
    %convert_element_type3A = arith.extui %lt3A_148 : vector<2048x1xi1> to vector<2048x1xi32>
    %convert_element_type3A_149 = arith.sitofp %convert_element_type3A : vector<2048x1xi32> to vector<2048x1xf32>
    %mul3A_150 = arith.mulf %logistic3A_106, %add3A_145 : vector<2048x128xf32>
    %mul3A_151 = vector.broadcast %convert_element_type3A_149 : vector<2048x1xf32> to vector<2048x128xf32>
    %mul3A_152 = arith.mulf %mul3A_150, %mul3A_151 : vector<2048x128xf32>
    %swap3A = arith.constant 0 : index
    %swap3A_153 = arith.constant 0 : index
    %swap3A_154 = vector.load %arg22[%swap3A, %swap3A_153] : memref<2048x128xf32, #tpu.memory_space<vmem>>, vector<2048x128xf32>
    tpu.vector_store %arg22[%swap3A, %swap3A_153], %mul3A_152 {strides = array<i32>} : memref<2048x128xf32, #tpu.memory_space<vmem>>, vector<2048x128xf32>,
    return
  }
  func.func @transform_0(%arg0: i32) -> (i32, i32) {
    %c0_i32 = arith.constant 0 : i32
    %c0_i32_0 = arith.constant 0 : i32
    return %arg0, %c0_i32 : i32, i32
  }
  func.func @transform_1(%arg0: i32) -> (i32, i32) {
    %c0_i32 = arith.constant 0 : i32
    %c0_i32_0 = arith.constant 0 : i32
    return %arg0, %c0_i32 : i32, i32
  }
  func.func @transform_2(%arg0: i32) -> (i32, i32) {
    %c0_i32 = arith.constant 0 : i32
    %c0_i32_0 = arith.constant 0 : i32
    return %arg0, %c0_i32 : i32, i32
  }
  func.func @transform_3(%arg0: i32) -> (i32, i32) {
    %c0_i32 = arith.constant 0 : i32
    %c0_i32_0 = arith.constant 0 : i32
    %c0_i32_1 = arith.constant 0 : i32
    return %c0_i32, %c0_i32_0 : i32, i32
  }
  func.func @transform_4(%arg0: i32) -> (i32, i32) {
    %c0_i32 = arith.constant 0 : i32
    %c0_i32_0 = arith.constant 0 : i32
    %c0_i32_1 = arith.constant 0 : i32
    return %c0_i32, %c0_i32_0 : i32, i32
  }
  func.func @transform_5(%arg0: i32) -> (i32, i32) {
    %c0_i32 = arith.constant 0 : i32
    %c0_i32_0 = arith.constant 0 : i32
    %c0_i32_1 = arith.constant 0 : i32
    return %c0_i32, %c0_i32_0 : i32, i32
  }
  func.func @transform_6(%arg0: i32) -> (i32, i32) {
    %c0_i32 = arith.constant 0 : i32
    %c0_i32_0 = arith.constant 0 : i32
    %c0_i32_1 = arith.constant 0 : i32
    return %c0_i32, %c0_i32_0 : i32, i32
  }
  func.func @transform_7(%arg0: i32) -> (i32, i32) {
    %c0_i32 = arith.constant 0 : i32
    %c0_i32_0 = arith.constant 0 : i32
    %c0_i32_1 = arith.constant 0 : i32
    return %c0_i32, %c0_i32_0 : i32, i32
  }
  func.func @transform_8(%arg0: i32) -> (i32, i32) {
    %c0_i32 = arith.constant 0 : i32
    %c0_i32_0 = arith.constant 0 : i32
    %c0_i32_1 = arith.constant 0 : i32
    return %c0_i32, %c0_i32_0 : i32, i32
  }
  func.func @transform_9(%arg0: i32) -> (i32, i32) {
    %c0_i32 = arith.constant 0 : i32
    %c0_i32_0 = arith.constant 0 : i32
    %c0_i32_1 = arith.constant 0 : i32
    return %c0_i32, %c0_i32_0 : i32, i32
  }
  func.func @transform_10(%arg0: i32) -> (i32, i32) {
    %c0_i32 = arith.constant 0 : i32
    %c0_i32_0 = arith.constant 0 : i32
    %c0_i32_1 = arith.constant 0 : i32
    return %c0_i32, %c0_i32_0 : i32, i32
  }
  func.func @transform_11(%arg0: i32) -> (i32, i32) {
    %c0_i32 = arith.constant 0 : i32
    %c0_i32_0 = arith.constant 0 : i32
    %c0_i32_1 = arith.constant 0 : i32
    return %c0_i32, %c0_i32_0 : i32, i32
  }
  func.func @transform_12(%arg0: i32) -> (i32, i32) {
    %c0_i32 = arith.constant 0 : i32
    %c0_i32_0 = arith.constant 0 : i32
    %c0_i32_1 = arith.constant 0 : i32
    return %c0_i32, %c0_i32_0 : i32, i32
  }
  func.func @transform_13(%arg0: i32) -> (i32, i32) {
    %c0_i32 = arith.constant 0 : i32
    %c0_i32_0 = arith.constant 0 : i32
    %c0_i32_1 = arith.constant 0 : i32
    return %c0_i32, %c0_i32_0 : i32, i32
  }
  func.func @transform_14(%arg0: i32) -> (i32, i32) {
    %c0_i32 = arith.constant 0 : i32
    %c0_i32_0 = arith.constant 0 : i32
    %c0_i32_1 = arith.constant 0 : i32
    return %c0_i32, %c0_i32_0 : i32, i32
  }
  func.func @transform_15(%arg0: i32) -> (i32, i32) {
    %c0_i32 = arith.constant 0 : i32
    %c0_i32_0 = arith.constant 0 : i32
    %c0_i32_1 = arith.constant 0 : i32
    return %c0_i32, %c0_i32_0 : i32, i32
  }
  func.func @transform_16(%arg0: i32) -> (i32, i32) {
    %c0_i32 = arith.constant 0 : i32
    %c0_i32_0 = arith.constant 0 : i32
    %c0_i32_1 = arith.constant 0 : i32
    return %c0_i32, %c0_i32_0 : i32, i32
  }
  func.func @transform_17(%arg0: i32) -> (i32, i32) {
    %c0_i32 = arith.constant 0 : i32
    %c0_i32_0 = arith.constant 0 : i32
    %c0_i32_1 = arith.constant 0 : i32
    return %c0_i32, %c0_i32_0 : i32, i32
  }
  func.func @transform_18(%arg0: i32) -> (i32, i32) {
    %c0_i32 = arith.constant 0 : i32
    %c0_i32_0 = arith.constant 0 : i32
    %c0_i32_1 = arith.constant 0 : i32
    return %c0_i32, %c0_i32_0 : i32, i32
  }
  func.func @transform_19(%arg0: i32) -> (i32, i32) {
    %c0_i32 = arith.constant 0 : i32
    %c0_i32_0 = arith.constant 0 : i32
    %c0_i32_1 = arith.constant 0 : i32
    return %c0_i32, %c0_i32_0 : i32, i32
  }
  func.func @transform_20(%arg0: i32) -> (i32, i32) {
    %c0_i32 = arith.constant 0 : i32
    %c0_i32_0 = arith.constant 0 : i32
    %c0_i32_1 = arith.constant 0 : i32
    return %c0_i32, %c0_i32_0 : i32, i32
  }
  func.func @transform_21(%arg0: i32) -> (i32, i32) {
    %c0_i32 = arith.constant 0 : i32
    %c0_i32_0 = arith.constant 0 : i32
    return %arg0, %c0_i32 : i32, i32
  }
}

module attributes {stable_mosaic.version = 14 : i64} {
  func.func @_aggstats_kernel(%arg0: i32, %arg1: memref<2000x128xf32, #tpu.memory_space<vmem>>, %arg2: memref<2000x128xf32, #tpu.memory_space<vmem>>, %arg3: memref<2x128xf32, #tpu.memory_space<vmem>>, %arg4: memref<3x128xf32, #tpu.memory_space<vmem>>) attributes {dimension_semantics = [#tpu.dimension_semantics<arbitrary>], iteration_bounds = array<i64: 5>, scalar_prefetch = 0 : i64, scratch_operands = 1 : i64, tpu.core_type = #tpu.core_type<tc>, window_params = [{transform_indices = @transform_0, window_bounds = array<i64: 2000, 128>}, {transform_indices = @transform_1, window_bounds = array<i64: 2000, 128>}, {pipeline_mode = #tpu.pipeline_mode<synchronous>, transform_indices = @transform_2, window_bounds = array<i64: 2, 128>}]} {
    %get3A = arith.constant 0 : index
    %get3A_0 = arith.constant 0 : index
    %get3A_1 = vector.load %arg1[%get3A, %get3A_0] : memref<2000x128xf32, #tpu.memory_space<vmem>>, vector<2000x128xf32>
    %get3A_2 = arith.constant 0 : index
    %get3A_3 = arith.constant 0 : index
    %get3A_4 = vector.load %arg2[%get3A_2, %get3A_3] : memref<2000x128xf32, #tpu.memory_space<vmem>>, vector<2000x128xf32>
    %add3A = arith.addf %get3A_1, %get3A_4 : vector<2000x128xf32>
    %broadcast_in_dim3A = arith.constant 1.000000e+00 : f32
    %broadcast_in_dim3A_5 = vector.broadcast %broadcast_in_dim3A : f32 to vector<2000x1xf32>
    %reduce_sum3A = arith.constant dense<0.000000e+00> : vector<128xf32>
    %reduce_sum3A_6 = vector.multi_reduction <add>, %add3A, %reduce_sum3A [0] : vector<2000x128xf32> to vector<128xf32>
    %broadcast_in_dim3A_7 = vector.shape_cast %reduce_sum3A_6 : vector<128xf32> to vector<1x128xf32>
    %max3A = arith.constant 2.000000e+03 : f32
    %max3A_8 = arith.constant 1.000000e+00 : f32
    %max3A_9 = arith.maximumf %max3A, %max3A_8 : f32
    %div3A = vector.broadcast %max3A_9 : f32 to vector<1x128xf32>
    %div3A_10 = arith.divf %broadcast_in_dim3A_7, %div3A : vector<1x128xf32>
    %sub3A = vector.broadcast %div3A_10 : vector<1x128xf32> to vector<2000x128xf32>
    %sub3A_11 = arith.subf %add3A, %sub3A : vector<2000x128xf32>
    %mul3A = vector.broadcast %broadcast_in_dim3A_5 : vector<2000x1xf32> to vector<2000x128xf32>
    %mul3A_12 = arith.mulf %sub3A_11, %mul3A : vector<2000x128xf32>
    %mul3A_13 = arith.mulf %mul3A_12, %mul3A_12 : vector<2000x128xf32>
    %reduce_sum3A_14 = arith.constant dense<0.000000e+00> : vector<128xf32>
    %reduce_sum3A_15 = vector.multi_reduction <add>, %mul3A_13, %reduce_sum3A_14 [0] : vector<2000x128xf32> to vector<128xf32>
    %broadcast_in_dim3A_16 = vector.shape_cast %reduce_sum3A_15 : vector<128xf32> to vector<1x128xf32>
    %eq3A = arith.constant 0 : i32
    %eq3A_17 = arith.cmpi eq, %arg0, %eq3A : i32
    %convert_element_type3A = arith.extui %eq3A_17 : i1 to i32
    %cond3A = arith.constant 0 : i32
    %cond3A_18 = arith.cmpi ne, %convert_element_type3A, %cond3A : i32
    scf.if %cond3A_18 {
      %broadcast_in_dim3A_58 = arith.constant 0.000000e+00 : f32
      %broadcast_in_dim3A_59 = vector.broadcast %broadcast_in_dim3A_58 : f32 to vector<3x128xf32>
      %swap3A_60 = arith.constant 0 : index
      %swap3A_61 = arith.constant 0 : index
      %swap3A_62 = vector.load %arg4[%swap3A_60, %swap3A_61] : memref<3x128xf32, #tpu.memory_space<vmem>>, vector<3x128xf32>
      tpu.vector_store %arg4[%swap3A_60, %swap3A_61], %broadcast_in_dim3A_59 {strides = array<i32>} : memref<3x128xf32, #tpu.memory_space<vmem>>, vector<3x128xf32>,
    } else {
    }
    %get3A_19 = arith.constant 0 : index
    %get3A_20 = arith.constant 0 : index
    %get3A_21 = vector.load %arg4[%get3A_19, %get3A_20] : memref<3x128xf32, #tpu.memory_space<vmem>>, vector<1x128xf32>
    %get3A_22 = arith.constant 1 : index
    %get3A_23 = arith.constant 0 : index
    %get3A_24 = vector.load %arg4[%get3A_22, %get3A_23] : memref<3x128xf32, #tpu.memory_space<vmem>>, vector<1x128xf32>
    %get3A_25 = arith.constant 2 : index
    %get3A_26 = arith.constant 0 : index
    %get3A_27 = vector.load %arg4[%get3A_25, %get3A_26] : memref<3x128xf32, #tpu.memory_space<vmem>>, vector<1x128xf32>
    %add3A_28 = arith.constant 2.000000e+03 : f32
    %add3A_29 = vector.broadcast %add3A_28 : f32 to vector<1x128xf32>
    %add3A_30 = arith.addf %get3A_21, %add3A_29 : vector<1x128xf32>
    %max3A_31 = arith.constant 1.000000e+00 : f32
    %max3A_32 = vector.broadcast %max3A_31 : f32 to vector<1x128xf32>
    %max3A_33 = arith.maximumf %add3A_30, %max3A_32 : vector<1x128xf32>
    %div3A_34 = arith.constant 2.000000e+03 : f32
    %div3A_35 = vector.broadcast %div3A_34 : f32 to vector<1x128xf32>
    %div3A_36 = arith.divf %div3A_35, %max3A_33 : vector<1x128xf32>
    %sub3A_37 = arith.subf %div3A_10, %get3A_24 : vector<1x128xf32>
    %swap3A = arith.constant 0 : index
    %swap3A_38 = arith.constant 0 : index
    %swap3A_39 = vector.load %arg4[%swap3A, %swap3A_38] : memref<3x128xf32, #tpu.memory_space<vmem>>, vector<1x128xf32>
    tpu.vector_store %arg4[%swap3A, %swap3A_38], %add3A_30 {strides = array<i32>} : memref<3x128xf32, #tpu.memory_space<vmem>>, vector<1x128xf32>,
    %mul3A_40 = arith.mulf %sub3A_37, %div3A_36 : vector<1x128xf32>
    %add3A_41 = arith.addf %get3A_24, %mul3A_40 : vector<1x128xf32>
    %swap3A_42 = arith.constant 1 : index
    %swap3A_43 = arith.constant 0 : index
    %swap3A_44 = vector.load %arg4[%swap3A_42, %swap3A_43] : memref<3x128xf32, #tpu.memory_space<vmem>>, vector<1x128xf32>
    tpu.vector_store %arg4[%swap3A_42, %swap3A_43], %add3A_41 {strides = array<i32>} : memref<3x128xf32, #tpu.memory_space<vmem>>, vector<1x128xf32>,
    %add3A_45 = arith.addf %get3A_27, %broadcast_in_dim3A_16 : vector<1x128xf32>
    %mul3A_46 = arith.mulf %sub3A_37, %sub3A_37 : vector<1x128xf32>
    %mul3A_47 = arith.mulf %mul3A_46, %get3A_21 : vector<1x128xf32>
    %mul3A_48 = arith.mulf %mul3A_47, %div3A_36 : vector<1x128xf32>
    %add3A_49 = arith.addf %add3A_45, %mul3A_48 : vector<1x128xf32>
    %swap3A_50 = arith.constant 2 : index
    %swap3A_51 = arith.constant 0 : index
    %swap3A_52 = vector.load %arg4[%swap3A_50, %swap3A_51] : memref<3x128xf32, #tpu.memory_space<vmem>>, vector<1x128xf32>
    tpu.vector_store %arg4[%swap3A_50, %swap3A_51], %add3A_49 {strides = array<i32>} : memref<3x128xf32, #tpu.memory_space<vmem>>, vector<1x128xf32>,
    %eq3A_53 = arith.constant 4 : i32
    %eq3A_54 = arith.cmpi eq, %arg0, %eq3A_53 : i32
    %convert_element_type3A_55 = arith.extui %eq3A_54 : i1 to i32
    %cond3A_56 = arith.constant 0 : i32
    %cond3A_57 = arith.cmpi ne, %convert_element_type3A_55, %cond3A_56 : i32
    scf.if %cond3A_57 {
      %get3A_58 = arith.constant 1 : index
      %get3A_59 = arith.constant 0 : index
      %get3A_60 = vector.load %arg4[%get3A_58, %get3A_59] : memref<3x128xf32, #tpu.memory_space<vmem>>, vector<1x128xf32>
      %swap3A_61 = arith.constant 0 : index
      %swap3A_62 = arith.constant 0 : index
      %swap3A_63 = vector.load %arg3[%swap3A_61, %swap3A_62] : memref<2x128xf32, #tpu.memory_space<vmem>>, vector<1x128xf32>
      tpu.vector_store %arg3[%swap3A_61, %swap3A_62], %get3A_60 {strides = array<i32>} : memref<2x128xf32, #tpu.memory_space<vmem>>, vector<1x128xf32>,
      %get3A_64 = arith.constant 2 : index
      %get3A_65 = arith.constant 0 : index
      %get3A_66 = vector.load %arg4[%get3A_64, %get3A_65] : memref<3x128xf32, #tpu.memory_space<vmem>>, vector<1x128xf32>
      %div3A_67 = arith.constant 1.000000e+04 : f32
      %div3A_68 = vector.broadcast %div3A_67 : f32 to vector<1x128xf32>
      %div3A_69 = arith.divf %get3A_66, %div3A_68 : vector<1x128xf32>
      %swap3A_70 = arith.constant 1 : index
      %swap3A_71 = arith.constant 0 : index
      %swap3A_72 = vector.load %arg3[%swap3A_70, %swap3A_71] : memref<2x128xf32, #tpu.memory_space<vmem>>, vector<1x128xf32>
      tpu.vector_store %arg3[%swap3A_70, %swap3A_71], %div3A_69 {strides = array<i32>} : memref<2x128xf32, #tpu.memory_space<vmem>>, vector<1x128xf32>,
    } else {
    }
    return
  }
  func.func @transform_0(%arg0: i32) -> (i32, i32) {
    %c0_i32 = arith.constant 0 : i32
    %c0_i32_0 = arith.constant 0 : i32
    return %arg0, %c0_i32 : i32, i32
  }
  func.func @transform_1(%arg0: i32) -> (i32, i32) {
    %c0_i32 = arith.constant 0 : i32
    %c0_i32_0 = arith.constant 0 : i32
    return %arg0, %c0_i32 : i32, i32
  }
  func.func @transform_2(%arg0: i32) -> (i32, i32) {
    %c0_i32 = arith.constant 0 : i32
    %c0_i32_0 = arith.constant 0 : i32
    %c0_i32_1 = arith.constant 0 : i32
    return %c0_i32, %c0_i32_0 : i32, i32
  }
}

module attributes {stable_mosaic.version = 14 : i64} {
  func.func @_update_kernel(%arg0: i32, %arg1: memref<2000x128xf32, #tpu.memory_space<vmem>>, %arg2: memref<2000x128xf32, #tpu.memory_space<vmem>>, %arg3: memref<2000x128xf32, #tpu.memory_space<vmem>>, %arg4: memref<2x128xf32, #tpu.memory_space<vmem>>, %arg5: memref<1x128xf32, #tpu.memory_space<vmem>>, %arg6: memref<1x128xf32, #tpu.memory_space<vmem>>, %arg7: memref<2000x128xf32, #tpu.memory_space<vmem>>) attributes {dimension_semantics = [#tpu.dimension_semantics<arbitrary>], iteration_bounds = array<i64: 5>, scalar_prefetch = 0 : i64, scratch_operands = 0 : i64, tpu.core_type = #tpu.core_type<tc>, window_params = [{transform_indices = @transform_0, window_bounds = array<i64: 2000, 128>}, {transform_indices = @transform_1, window_bounds = array<i64: 2000, 128>}, {transform_indices = @transform_2, window_bounds = array<i64: 2000, 128>}, {pipeline_mode = #tpu.pipeline_mode<synchronous>, transform_indices = @transform_3, window_bounds = array<i64: 2, 128>}, {pipeline_mode = #tpu.pipeline_mode<synchronous>, transform_indices = @transform_4, window_bounds = array<i64: 1, 128>}, {pipeline_mode = #tpu.pipeline_mode<synchronous>, transform_indices = @transform_5, window_bounds = array<i64: 1, 128>}, {transform_indices = @transform_6, window_bounds = array<i64: 2000, 128>}]} {
    %get3A = arith.constant 0 : index
    %get3A_0 = arith.constant 0 : index
    %get3A_1 = vector.load %arg2[%get3A, %get3A_0] : memref<2000x128xf32, #tpu.memory_space<vmem>>, vector<2000x128xf32>
    %get3A_2 = arith.constant 0 : index
    %get3A_3 = arith.constant 0 : index
    %get3A_4 = vector.load %arg3[%get3A_2, %get3A_3] : memref<2000x128xf32, #tpu.memory_space<vmem>>, vector<2000x128xf32>
    %add3A = arith.addf %get3A_1, %get3A_4 : vector<2000x128xf32>
    %get3A_5 = arith.constant 0 : index
    %get3A_6 = arith.constant 0 : index
    %get3A_7 = vector.load %arg4[%get3A_5, %get3A_6] : memref<2x128xf32, #tpu.memory_space<vmem>>, vector<1x128xf32>
    %get3A_8 = arith.constant 1 : index
    %get3A_9 = arith.constant 0 : index
    %get3A_10 = vector.load %arg4[%get3A_8, %get3A_9] : memref<2x128xf32, #tpu.memory_space<vmem>>, vector<1x128xf32>
    %add3A_11 = arith.constant 9.99999974E-6 : f32
    %add3A_12 = vector.broadcast %add3A_11 : f32 to vector<1x128xf32>
    %add3A_13 = arith.addf %get3A_10, %add3A_12 : vector<1x128xf32>
    %sqrt3A = math.sqrt %add3A_13 : vector<1x128xf32>
    %div3A = arith.constant 1.000000e+00 : f32
    %div3A_14 = vector.broadcast %div3A : f32 to vector<1x128xf32>
    %div3A_15 = arith.divf %div3A_14, %sqrt3A : vector<1x128xf32>
    %get3A_16 = arith.constant 0 : index
    %get3A_17 = arith.constant 0 : index
    %get3A_18 = vector.load %arg1[%get3A_16, %get3A_17] : memref<2000x128xf32, #tpu.memory_space<vmem>>, vector<2000x128xf32>
    %get3A_19 = arith.constant 0 : index
    %get3A_20 = arith.constant 0 : index
    %get3A_21 = vector.load %arg5[%get3A_19, %get3A_20] : memref<1x128xf32, #tpu.memory_space<vmem>>, vector<1x128xf32>
    %sub3A = vector.broadcast %get3A_7 : vector<1x128xf32> to vector<2000x128xf32>
    %sub3A_22 = arith.subf %add3A, %sub3A : vector<2000x128xf32>
    %mul3A = vector.broadcast %get3A_21 : vector<1x128xf32> to vector<2000x128xf32>
    %mul3A_23 = arith.mulf %mul3A, %sub3A_22 : vector<2000x128xf32>
    %mul3A_24 = vector.broadcast %div3A_15 : vector<1x128xf32> to vector<2000x128xf32>
    %mul3A_25 = arith.mulf %mul3A_23, %mul3A_24 : vector<2000x128xf32>
    %add3A_26 = arith.addf %get3A_18, %mul3A_25 : vector<2000x128xf32>
    %get3A_27 = arith.constant 0 : index
    %get3A_28 = arith.constant 0 : index
    %get3A_29 = vector.load %arg6[%get3A_27, %get3A_28] : memref<1x128xf32, #tpu.memory_space<vmem>>, vector<1x128xf32>
    %add3A_30 = vector.broadcast %get3A_29 : vector<1x128xf32> to vector<2000x128xf32>
    %add3A_31 = arith.addf %add3A_26, %add3A_30 : vector<2000x128xf32>
    %max3A = arith.constant 0.000000e+00 : f32
    %max3A_32 = vector.broadcast %max3A : f32 to vector<2000x128xf32>
    %max3A_33 = arith.maximumf %add3A_31, %max3A_32 : vector<2000x128xf32>
    %swap3A = arith.constant 0 : index
    %swap3A_34 = arith.constant 0 : index
    %swap3A_35 = vector.load %arg7[%swap3A, %swap3A_34] : memref<2000x128xf32, #tpu.memory_space<vmem>>, vector<2000x128xf32>
    tpu.vector_store %arg7[%swap3A, %swap3A_34], %max3A_33 {strides = array<i32>} : memref<2000x128xf32, #tpu.memory_space<vmem>>, vector<2000x128xf32>,
    return
  }
  func.func @transform_0(%arg0: i32) -> (i32, i32) {
    %c0_i32 = arith.constant 0 : i32
    %c0_i32_0 = arith.constant 0 : i32
    return %arg0, %c0_i32 : i32, i32
  }
  func.func @transform_1(%arg0: i32) -> (i32, i32) {
    %c0_i32 = arith.constant 0 : i32
    %c0_i32_0 = arith.constant 0 : i32
    return %arg0, %c0_i32 : i32, i32
  }
  func.func @transform_2(%arg0: i32) -> (i32, i32) {
    %c0_i32 = arith.constant 0 : i32
    %c0_i32_0 = arith.constant 0 : i32
    return %arg0, %c0_i32 : i32, i32
  }
  func.func @transform_3(%arg0: i32) -> (i32, i32) {
    %c0_i32 = arith.constant 0 : i32
    %c0_i32_0 = arith.constant 0 : i32
    %c0_i32_1 = arith.constant 0 : i32
    return %c0_i32, %c0_i32_0 : i32, i32
  }
  func.func @transform_4(%arg0: i32) -> (i32, i32) {
    %c0_i32 = arith.constant 0 : i32
    %c0_i32_0 = arith.constant 0 : i32
    %c0_i32_1 = arith.constant 0 : i32
    return %c0_i32, %c0_i32_0 : i32, i32
  }
  func.func @transform_5(%arg0: i32) -> (i32, i32) {
    %c0_i32 = arith.constant 0 : i32
    %c0_i32_0 = arith.constant 0 : i32
    %c0_i32_1 = arith.constant 0 : i32
    return %c0_i32, %c0_i32_0 : i32, i32
  }
  func.func @transform_6(%arg0: i32) -> (i32, i32) {
    %c0_i32 = arith.constant 0 : i32
    %c0_i32_0 = arith.constant 0 : i32
    return %arg0, %c0_i32 : i32, i32
  }
}

module attributes {stable_mosaic.version = 14 : i64} {
  func.func @_head_kernel(%arg0: i32, %arg1: memref<2000x128xf32, #tpu.memory_space<vmem>>, %arg2: memref<2000x1xi32, #tpu.memory_space<vmem>>, %arg3: memref<128x128xf32, #tpu.memory_space<vmem>>, %arg4: memref<1x128xf32, #tpu.memory_space<vmem>>, %arg5: memref<1x128xf32, #tpu.memory_space<vmem>>, %arg6: memref<64x1xf32, #tpu.memory_space<vmem>>, %arg7: memref<64x128xf32, #tpu.memory_space<vmem>>, %arg8: memref<64x1xf32, #tpu.memory_space<vmem>>) attributes {dimension_semantics = [#tpu.dimension_semantics<arbitrary>], iteration_bounds = array<i64: 5>, scalar_prefetch = 0 : i64, scratch_operands = 2 : i64, tpu.core_type = #tpu.core_type<tc>, window_params = [{transform_indices = @transform_0, window_bounds = array<i64: 2000, 128>}, {transform_indices = @transform_1, window_bounds = array<i64: 2000, 1>}, {pipeline_mode = #tpu.pipeline_mode<synchronous>, transform_indices = @transform_2, window_bounds = array<i64: 128, 128>}, {pipeline_mode = #tpu.pipeline_mode<synchronous>, transform_indices = @transform_3, window_bounds = array<i64: 1, 128>}, {pipeline_mode = #tpu.pipeline_mode<synchronous>, transform_indices = @transform_4, window_bounds = array<i64: 1, 128>}, {pipeline_mode = #tpu.pipeline_mode<synchronous>, transform_indices = @transform_5, window_bounds = array<i64: 64, 1>}]} {
    %get3A = arith.constant 0 : index
    %get3A_0 = arith.constant 0 : index
    %get3A_1 = vector.load %arg2[%get3A, %get3A_0] : memref<2000x1xi32, #tpu.memory_space<vmem>>, vector<2000x1xi32>
    %iota3A = tpu.iota {dimensions = array<i32: 1>} : vector<1x64xi32>
    %eq3A = vector.broadcast %get3A_1 : vector<2000x1xi32> to vector<2000x64xi32>
    %eq3A_2 = vector.broadcast %iota3A : vector<1x64xi32> to vector<2000x64xi32>
    %eq3A_3 = arith.cmpi eq, %eq3A, %eq3A_2 : vector<2000x64xi32>
    %convert_element_type3A = arith.extui %eq3A_3 : vector<2000x64xi1> to vector<2000x64xi32>
    %convert_element_type3A_4 = arith.sitofp %convert_element_type3A : vector<2000x64xi32> to vector<2000x64xf32>
    %get3A_5 = arith.constant 0 : index
    %get3A_6 = arith.constant 0 : index
    %get3A_7 = vector.load %arg1[%get3A_5, %get3A_6] : memref<2000x128xf32, #tpu.memory_space<vmem>>, vector<2000x128xf32>
    %dot_general3A = arith.constant dense<0.000000e+00> : vector<64x128xf32>
    %dot_general3A_8 = tpu.matmul %convert_element_type3A_4, %get3A_7, %dot_general3A {dimension_numbers = #tpu.dot_dimension_numbers<[0], [0], [1], [1], [0, 1, 1, 1], [], []>, precision = #tpu.contract_precision<fp32>, transpose_lhs_hint = false} : vector<2000x64xf32>, vector<2000x128xf32>, vector<64x128xf32> -> vector<64x128xf32>
    %broadcast_in_dim3A = arith.constant 1.000000e+00 : f32
    %broadcast_in_dim3A_9 = vector.broadcast %broadcast_in_dim3A : f32 to vector<2000x1xf32>
    %dot_general3A_10 = arith.constant dense<0.000000e+00> : vector<64x1xf32>
    %dot_general3A_11 = tpu.matmul %convert_element_type3A_4, %broadcast_in_dim3A_9, %dot_general3A_10 {dimension_numbers = #tpu.dot_dimension_numbers<[0], [0], [1], [1], [0, 1, 1, 1], [], []>, precision = #tpu.contract_precision<fp32>, transpose_lhs_hint = false} : vector<2000x64xf32>, vector<2000x1xf32>, vector<64x1xf32> -> vector<64x1xf32>
    %eq3A_12 = arith.constant 0 : i32
    %eq3A_13 = arith.cmpi eq, %arg0, %eq3A_12 : i32
    %convert_element_type3A_14 = arith.extui %eq3A_13 : i1 to i32
    %cond3A = arith.constant 0 : i32
    %cond3A_15 = arith.cmpi ne, %convert_element_type3A_14, %cond3A : i32
    scf.if %cond3A_15 {
      %broadcast_in_dim3A_33 = arith.constant 0.000000e+00 : f32
      %broadcast_in_dim3A_34 = vector.broadcast %broadcast_in_dim3A_33 : f32 to vector<64x128xf32>
      %swap3A_35 = arith.constant 0 : index
      %swap3A_36 = arith.constant 0 : index
      %swap3A_37 = vector.load %arg7[%swap3A_35, %swap3A_36] : memref<64x128xf32, #tpu.memory_space<vmem>>, vector<64x128xf32>
      tpu.vector_store %arg7[%swap3A_35, %swap3A_36], %broadcast_in_dim3A_34 {strides = array<i32>} : memref<64x128xf32, #tpu.memory_space<vmem>>, vector<64x128xf32>,
      %broadcast_in_dim3A_38 = arith.constant 0.000000e+00 : f32
      %broadcast_in_dim3A_39 = vector.broadcast %broadcast_in_dim3A_38 : f32 to vector<64x1xf32>
      %swap3A_40 = arith.constant 0 : index
      %swap3A_41 = arith.constant 0 : index
      %swap3A_42 = vector.load %arg8[%swap3A_40, %swap3A_41] : memref<64x1xf32, #tpu.memory_space<vmem>>, vector<64x1xf32>
      tpu.vector_store %arg8[%swap3A_40, %swap3A_41], %broadcast_in_dim3A_39 {strides = array<i32>} : memref<64x1xf32, #tpu.memory_space<vmem>>, vector<64x1xf32>,
    } else {
    }
    %get3A_16 = arith.constant 0 : index
    %get3A_17 = arith.constant 0 : index
    %get3A_18 = vector.load %arg7[%get3A_16, %get3A_17] : memref<64x128xf32, #tpu.memory_space<vmem>>, vector<64x128xf32>
    %add3A = arith.addf %get3A_18, %dot_general3A_8 : vector<64x128xf32>
    %swap3A = arith.constant 0 : index
    %swap3A_19 = arith.constant 0 : index
    %swap3A_20 = vector.load %arg7[%swap3A, %swap3A_19] : memref<64x128xf32, #tpu.memory_space<vmem>>, vector<64x128xf32>
    tpu.vector_store %arg7[%swap3A, %swap3A_19], %add3A {strides = array<i32>} : memref<64x128xf32, #tpu.memory_space<vmem>>, vector<64x128xf32>,
    %get3A_21 = arith.constant 0 : index
    %get3A_22 = arith.constant 0 : index
    %get3A_23 = vector.load %arg8[%get3A_21, %get3A_22] : memref<64x1xf32, #tpu.memory_space<vmem>>, vector<64x1xf32>
    %add3A_24 = arith.addf %get3A_23, %dot_general3A_11 : vector<64x1xf32>
    %swap3A_25 = arith.constant 0 : index
    %swap3A_26 = arith.constant 0 : index
    %swap3A_27 = vector.load %arg8[%swap3A_25, %swap3A_26] : memref<64x1xf32, #tpu.memory_space<vmem>>, vector<64x1xf32>
    tpu.vector_store %arg8[%swap3A_25, %swap3A_26], %add3A_24 {strides = array<i32>} : memref<64x1xf32, #tpu.memory_space<vmem>>, vector<64x1xf32>,
    %eq3A_28 = arith.constant 4 : i32
    %eq3A_29 = arith.cmpi eq, %arg0, %eq3A_28 : i32
    %convert_element_type3A_30 = arith.extui %eq3A_29 : i1 to i32
    %cond3A_31 = arith.constant 0 : i32
    %cond3A_32 = arith.cmpi ne, %convert_element_type3A_30, %cond3A_31 : i32
    scf.if %cond3A_32 {
      %get3A_33 = arith.constant 0 : index
      %get3A_34 = arith.constant 0 : index
      %get3A_35 = vector.load %arg7[%get3A_33, %get3A_34] : memref<64x128xf32, #tpu.memory_space<vmem>>, vector<64x128xf32>
      %get3A_36 = arith.constant 0 : index
      %get3A_37 = arith.constant 0 : index
      %get3A_38 = vector.load %arg8[%get3A_36, %get3A_37] : memref<64x1xf32, #tpu.memory_space<vmem>>, vector<64x1xf32>
      %max3A = arith.constant 1.000000e+00 : f32
      %max3A_39 = vector.broadcast %max3A : f32 to vector<64x1xf32>
      %max3A_40 = arith.maximumf %get3A_38, %max3A_39 : vector<64x1xf32>
      %div3A = vector.broadcast %max3A_40 : vector<64x1xf32> to vector<64x128xf32>
      %div3A_41 = arith.divf %get3A_35, %div3A : vector<64x128xf32>
      %get3A_42 = arith.constant 0 : index
      %get3A_43 = arith.constant 0 : index
      %get3A_44 = vector.load %arg3[%get3A_42, %get3A_43] : memref<128x128xf32, #tpu.memory_space<vmem>>, vector<128x128xf32>
      %dot_general3A_45 = arith.constant dense<0.000000e+00> : vector<64x128xf32>
      %dot_general3A_46 = tpu.matmul %div3A_41, %get3A_44, %dot_general3A_45 {dimension_numbers = #tpu.dot_dimension_numbers<[1], [0], [0], [1], [0, 0, 1, 1], [], []>, precision = #tpu.contract_precision<fp32>, transpose_lhs_hint = false} : vector<64x128xf32>, vector<128x128xf32>, vector<64x128xf32> -> vector<64x128xf32>
      %get3A_47 = arith.constant 0 : index
      %get3A_48 = arith.constant 0 : index
      %get3A_49 = vector.load %arg4[%get3A_47, %get3A_48] : memref<1x128xf32, #tpu.memory_space<vmem>>, vector<1x128xf32>
      %add3A_50 = vector.broadcast %get3A_49 : vector<1x128xf32> to vector<64x128xf32>
      %add3A_51 = arith.addf %dot_general3A_46, %add3A_50 : vector<64x128xf32>
      %custom_jvp_call3A = arith.constant 0.000000e+00 : f32
      %max3A_52 = vector.broadcast %custom_jvp_call3A : f32 to vector<64x128xf32>
      %max3A_53 = arith.maximumf %add3A_51, %max3A_52 : vector<64x128xf32>
      %sub3A = vector.broadcast %custom_jvp_call3A : f32 to vector<64x128xf32>
      %sub3A_54 = arith.subf %add3A_51, %sub3A : vector<64x128xf32>
      %ne3A = arith.cmpf one, %sub3A_54, %sub3A_54 : vector<64x128xf32>
      %add3A_55 = vector.broadcast %custom_jvp_call3A : f32 to vector<64x128xf32>
      %add3A_56 = arith.addf %add3A_51, %add3A_55 : vector<64x128xf32>
      %abs3A = math.absf %sub3A_54 : vector<64x128xf32>
      %neg3A = arith.constant 0.000000e+00 : f32
      %neg3A_57 = vector.broadcast %neg3A : f32 to vector<64x128xf32>
      %neg3A_58 = arith.subf %neg3A_57, %abs3A : vector<64x128xf32>
      %exp3A = math.exp %neg3A_58 : vector<64x128xf32>
      %log1p3A = math.log1p %exp3A : vector<64x128xf32>
      %add3A_59 = arith.addf %max3A_53, %log1p3A : vector<64x128xf32>
      %select_n3A = arith.select %ne3A, %add3A_56, %add3A_59 : vector<64x128xi1>, vector<64x128xf32>
      %sub3A_60 = arith.constant 0.693147182 : f32
      %sub3A_61 = vector.broadcast %sub3A_60 : f32 to vector<64x128xf32>
      %sub3A_62 = arith.subf %select_n3A, %sub3A_61 : vector<64x128xf32>
      %get3A_63 = arith.constant 0 : index
      %get3A_64 = arith.constant 0 : index
      %get3A_65 = vector.load %arg5[%get3A_63, %get3A_64] : memref<1x128xf32, #tpu.memory_space<vmem>>, vector<1x128xf32>
      %mul3A = vector.broadcast %get3A_65 : vector<1x128xf32> to vector<64x128xf32>
      %mul3A_66 = arith.mulf %sub3A_62, %mul3A : vector<64x128xf32>
      %reduce_sum3A = arith.constant dense<0.000000e+00> : vector<64xf32>
      %reduce_sum3A_67 = vector.multi_reduction <add>, %mul3A_66, %reduce_sum3A [1] : vector<64x128xf32> to vector<64xf32>
      %broadcast_in_dim3A_68 = vector.shape_cast %reduce_sum3A_67 : vector<64xf32> to vector<64x1xf32>
      %swap3A_69 = arith.constant 0 : index
      %swap3A_70 = arith.constant 0 : index
      %swap3A_71 = vector.load %arg6[%swap3A_69, %swap3A_70] : memref<64x1xf32, #tpu.memory_space<vmem>>, vector<64x1xf32>
      tpu.vector_store %arg6[%swap3A_69, %swap3A_70], %broadcast_in_dim3A_68 {strides = array<i32>} : memref<64x1xf32, #tpu.memory_space<vmem>>, vector<64x1xf32>,
    } else {
    }
    return
  }
  func.func @transform_0(%arg0: i32) -> (i32, i32) {
    %c0_i32 = arith.constant 0 : i32
    %c0_i32_0 = arith.constant 0 : i32
    return %arg0, %c0_i32 : i32, i32
  }
  func.func @transform_1(%arg0: i32) -> (i32, i32) {
    %c0_i32 = arith.constant 0 : i32
    %c0_i32_0 = arith.constant 0 : i32
    return %arg0, %c0_i32 : i32, i32
  }
  func.func @transform_2(%arg0: i32) -> (i32, i32) {
    %c0_i32 = arith.constant 0 : i32
    %c0_i32_0 = arith.constant 0 : i32
    %c0_i32_1 = arith.constant 0 : i32
    return %c0_i32, %c0_i32_0 : i32, i32
  }
  func.func @transform_3(%arg0: i32) -> (i32, i32) {
    %c0_i32 = arith.constant 0 : i32
    %c0_i32_0 = arith.constant 0 : i32
    %c0_i32_1 = arith.constant 0 : i32
    return %c0_i32, %c0_i32_0 : i32, i32
  }
  func.func @transform_4(%arg0: i32) -> (i32, i32) {
    %c0_i32 = arith.constant 0 : i32
    %c0_i32_0 = arith.constant 0 : i32
    %c0_i32_1 = arith.constant 0 : i32
    return %c0_i32, %c0_i32_0 : i32, i32
  }
  func.func @transform_5(%arg0: i32) -> (i32, i32) {
    %c0_i32 = arith.constant 0 : i32
    %c0_i32_0 = arith.constant 0 : i32
    %c0_i32_1 = arith.constant 0 : i32
    return %c0_i32, %c0_i32_0 : i32, i32
  }
}

</mosaic_0001>

<sc_bundles>
// kernel: kernel.23.cloned.1.call-start
scs
__scs_entry_jumppad:
0x0: {  	(pc) =	sbr.rel $0x88, $3  }
0x1: {  	(tag) =	ssettag $0x0;
	lr =	simm.s32 $0x1  }
0x2: {  	[smem:$0x3F82] =	sst lr;
	_ =	strace $0xD0000000  }
0x3: {  	_ = 	snop  }
0x4: {  	_ = 	snop  }
0x5: {  	_ = 	snop  }
0x6: {  	_ = 	snop  }
0x7: {  	_ = 	snop  }
__scs_overlays_trampoline_lowered:
0x8: {  	[smem:$0x3F91] =	sst s0  }
0x9: {  	[smem:$0x3F92] =	sst s1  }
0xa: {  	[smem:$0x3F93] =	sst s2  }
0xb: {  	[smem:$0x3F94] =	sst s3  }
0xc: {  	[smem:$0x3F95] =	sst s4  }
0xd: {  	[smem:$0x3F96] =	sst s5  }
0xe: {  	[smem:$0x3F97] =	sst s6  }
0xf: {  	[smem:$0x3F98] =	sst s7  }
0x10: {  	[smem:$0x3F99] =	sst s8  }
0x11: {  	[smem:$0x3F9A] =	sst s9;
	s0 =	simm.s32 @!p0 $0x0  }
0x12: {  	s1 =	sld [smem:$0x3F80];
	s0 =	simm.s32 @p0 $0x1  }
0x13: {  	[smem:$0x3F9B] =	sst s0;
	s0 =	simm.s32 @!p1 $0x0  }
0x14: {  	s2 =	sld [smem:$0x3F7F];
	s0 =	simm.s32 @p1 $0x1  }
0x15: {  	[smem:$0x3F9C] =	sst s0;
	s0 =	simm.s32 @!p2 $0x0  }
0x16: {  	s3 =	sld [smem:$0x3FDB];
	s0 =	simm.s32 @p2 $0x1  }
0x17: {  	s4 =	simm.s32 $0x1BF5;
	[smem:$0x3F9E] =	sst s0  }
0x18: {  	s0 =	sld [smem:$0x3F81];
	_ =	swait.ge [sflag:s4], $0x0  }
0x19: {  	s7 =	sld [smem:$0x3F82]  }
0x1a: {  	s8 =	sadd.s32 $0xFFFFE003, lr  }
0x1b: {  	s9 =	sadd.s32 $0xFFFFFEF7, lr;
	s5 =	simm.s32 $0xFFFFFFFF;
	p2 =	slt.u32 s8, $0xFFFFF086  }
0x1c: {  	p1 =	slt.u32 s9, $0xF7A;
	s5 =	simm.s32 @!p2 $0x0  }
0x1d: {  	s5 =	simm.s32 @p1 $0x1;
	p0 =	seq.s32 s7, s2  }
0x1e: {  	s7 =	smul.u32 @!p0 $0xF7A, s2;
	p2 =	seq.s32 @!p0 s5, $0x0  }
0x1f: {  	s9 =	smul.u32 $0xF7A, s1;
	s8 =	simm.s32 @!p0 $0x1BF5;
	p2 =	por !p2, p0  }
0x20: {  	[sflag:s8] =	ssyncset.s32 @!p0 $0xFFFFF086;
	s6 =	sadd.s32 @!p0 s3, s7;
	s7 =	simm.s32 @!p0 $0x108  }
0x21: {  	s3 =	sadd.s32 s3, s9;
	s6 =	sadd.s32 @!p0 $0x88, s6;
	s7 =	simm.s32 @p2 $0x1082  }
0x22: {  	[simem:s7], [sflag:s8] =	dma.local @!p0 [hbm:s6], $0xF7A  }
0x23: {  	s9 =	sor.u32 $0xD0000000, s2;
	s6 =	simm.s32 $0x108;
	_ =	swait.ge @!p0 [sflag:s8], $0x0  }
0x24: {  	s3 =	sadd.s32 $0x88, s3;
	s6 =	simm.s32 @!p1 $0x1082;
	[sflag:s4] =	ssyncset.s32 $0xFFFFF086  }
0x25: {  	[simem:s6], [sflag:s4] =	dma.local [hbm:s3], $0xF7A  }
0x26: {  	[smem:$0x3F82] =	sst s1;
	(tag) =	ssettag s2;
	_ =	strace s9  }
0x27: {  	s1 =	sld [smem:$0x3F92]  }
0x28: {  	s2 =	sld [smem:$0x3F93]  }
0x29: {  	s4 =	sld [smem:$0x3F95]  }
0x2a: {  	p0 =	seq.s32 s5, $0x0;
	s5 =	sld [smem:$0x3F96]  }
0x2b: {  	s6 =	sld [smem:$0x3F97]  }
0x2c: {  	s7 =	sld [smem:$0x3F98]  }
0x2d: {  	s3 =	simm.s32 $0x108;
	s8 =	sld [smem:$0x3F99]  }
0x2e: {  	s3 =	simm.s32 @!p0 $0x1082;
	s9 =	sld [smem:$0x3F9A]  }
0x2f: {  	lr =	sadd.s32 s0, s3;
	s0 =	sld [smem:$0x3F91]  }
0x30: {  	s3 =	sld [smem:$0x3F94]  }
0x31: {  	[smem:$0x3F9D] =	sst s10  }
0x32: {  	s10 =	sld [smem:$0x3F9B];
	_ =	sdelay $0x3  }
0x33: {  	p0 =	seq.s32 s10, $0x1;
	s10 =	sld [smem:$0x3F9D];
	_ =	sdelay $0x3  }
0x34: {  	[smem:$0x3F9D] =	sst s10  }
0x35: {  	s10 =	sld [smem:$0x3F9C];
	_ =	sdelay $0x3  }
0x36: {  	p1 =	seq.s32 s10, $0x1;
	s10 =	sld [smem:$0x3F9D];
	_ =	sdelay $0x3  }
0x37: {  	[smem:$0x3F9D] =	sst s10  }
0x38: {  	s10 =	sld [smem:$0x3F9E]  }
0x39: {  	_ = 	snop;
	(pc) =	sbr.ind lr, $3  }
0x3a: {  	_ = 	snop  }
0x3b: {  	_ = 	snop  }
0x3c: {  	p2 =	seq.s32 s10, $0x1;
	s10 =	sld [smem:$0x3F9D]  }
0x3d: {  	_ =	shalt  }
0x3e: {  	_ =	shalt  }
0x3f: {  	_ =	shalt  }
0x40: {  	_ =	shalt  }
0x41: {  	_ =	shalt  }
0x42: {  	_ =	shalt  }
0x43: {  	_ =	shalt  }
0x44: {  	_ =	shalt  }
0x45: {  	_ =	shalt  }
0x46: {  	_ =	shalt  }
0x47: {  	_ =	shalt  }
0x48: {  	_ =	shalt  }
0x49: {  	_ =	shalt  }
0x4a: {  	_ =	shalt  }
0x4b: {  	_ =	shalt  }
0x4c: {  	_ =	shalt  }
0x4d: {  	_ =	shalt  }
0x4e: {  	_ =	shalt  }
0x4f: {  	_ =	shalt  }
0x50: {  	_ =	shalt  }
0x51: {  	_ =	shalt  }
0x52: {  	_ =	shalt  }
0x53: {  	_ =	shalt  }
0x54: {  	_ =	shalt  }
0x55: {  	_ =	shalt  }
0x56: {  	_ =	shalt  }
0x57: {  	_ =	shalt  }
0x58: {  	_ =	shalt  }
0x59: {  	_ =	shalt  }
0x5a: {  	_ =	shalt  }
0x5b: {  	_ =	shalt  }
0x5c: {  	_ =	shalt  }
0x5d: {  	_ =	shalt  }
0x5e: {  	_ =	shalt  }
0x5f: {  	_ =	shalt  }
0x60: {  	_ =	shalt  }
0x61: {  	_ =	shalt  }
0x62: {  	_ =	shalt  }
0x63: {  	_ =	shalt  }
0x64: {  	_ =	shalt  }
0x65: {  	_ =	shalt  }
0x66: {  	_ =	shalt  }
0x67: {  	_ =	shalt  }
0x68: {  	_ =	shalt  }
0x69: {  	_ =	shalt  }
0x6a: {  	_ =	shalt  }
0x6b: {  	_ =	shalt  }
0x6c: {  	_ =	shalt  }
0x6d: {  	_ =	shalt  }
0x6e: {  	_ =	shalt  }
0x6f: {  	_ =	shalt  }
0x70: {  	_ =	shalt  }
0x71: {  	_ =	shalt  }
0x72: {  	_ =	shalt  }
0x73: {  	_ =	shalt  }
0x74: {  	_ =	shalt  }
0x75: {  	_ =	shalt  }
0x76: {  	_ =	shalt  }
0x77: {  	_ =	shalt  }
0x78: {  	_ =	shalt  }
0x79: {  	_ =	shalt  }
0x7a: {  	_ =	shalt  }
0x7b: {  	_ =	shalt  }
0x7c: {  	_ =	shalt  }
0x7d: {  	_ =	shalt  }
0x7e: {  	_ =	shalt  }
0x7f: {  	_ =	shalt  }
0x80: {  	_ =	shalt  }
0x81: {  	_ =	shalt  }
0x82: {  	_ =	shalt  }
0x83: {  	_ =	shalt  }
0x84: {  	_ =	shalt  }
0x85: {  	_ =	shalt  }
0x86: {  	_ =	shalt  }
0x87: {  	_ =	shalt  }
.Lfunc_end0:
.L_simem_size_0:
called_computation_lowered:
.L_overlay_start_0:
0x88: {  	s2 =	sld [smem:$0x3FD9]  }
0x89: {  	s3 =	sld [smem:$0x3FFE];
	_ =	sdelay $0x1  }
0x8a: {  	s1 =	srdreg.scid  }
0x8b: {  	s0 =	sand.u32 $0x1, s1  }
0x8c: {  	s16 =	sshll.u32 s0, $0xA;
	s2 =	sadd.s32 s3, s2  }
0x8d: {  	s2 =	sadd.s32 s2, s16  }
0x8e: {  	[smem:$0x3FA9] =	sst s2  }
0x8f: {  	_ = 	snop  }
0x90: {  	(tm) =	ssettm $0x1  }
0x91: {  	s17 =	sld [smem:$0x3FFB];
	_ =	sdelay $0x3  }
0x92: {  	_ =	strace s17  }
0x93: {  	s2 =	sld [smem:$0x3FFC];
	_ =	sdelay $0x3  }
0x94: {  	_ =	strace s2  }
0x95: {  	s2 =	sld [smem:$0x3FFD];
	_ =	sdelay $0x3  }
0x96: {  	_ =	strace s2  }
0x97: {  	_ =	strace $0x8FFFFFFF  }
0x98: {  	s18 =	sld [smem:$0x3FDB];
	_ =	sdelay $0x1  }
0x99: {  	s19 =	simm.s32 $_scs_section_size  }
0x9a: {  	s4 =	simm.s32 $_size__tile_overlayer_lowered;
	s5 =	simm.s32 $_tile_overlayer_lowered  }
0x9b: {  	s22 =	simm.s32 $0x1BFF;
	s21 =	sshll.u32 s5, $0x1;
	s2 =	sadd.s32 s19, s18  }
0x9c: {  	s6 =	simm.s32 $0x0;
	s20 =	sshll.u32 s4, $0x1;
	s4 =	sadd.s32 s21, s2  }
0x9d: {  	[timem:s6], [sflag:s22] =	dma.local [hbm:s4], s20  }
0x9e: {  	_ =	swait.ge [sflag:s22], s20  }
0x9f: {  	s3 =	ssub.s32 $0x0, s20;
	[sflag:s22] =	ssyncset.done $0x0  }
0xa0: {  	[sflag:s22] =	ssyncadd.s32 s3;
	_ =	sdelay $0x1  }
0xa1: {  	s23 =	simm.s32 $0x1B8B  }
0xa2: {  	_ =	swait.ge [sflag:s23], $0x1  }
0xa3: {  	[sflag:s23] =	ssyncset.done $0x0  }
0xa4: {  	s25 =	simm.s32 $0x1B8E;
	s24 =	sld [smem:$0x3FFE];
	[sflag:s23] =	ssyncadd.s32 $0xFFFFFFFF  }
0xa5: {  	s26 =	simm.s32 $execute0_lowered;
	[smem:$0x3FD2] =	sst s25  }
0xa6: {  	s4 =	sshll.u32 s26, $0x1;
	_ =	strace $0x80000046;
	[dreg:$0x1] =	wrdreg $0xFFFFFFFF  }
0xa7: {  	s28 =	simm.s32 $_size_execute0_lowered;
	s2 =	sadd.s32 s2, s4;
	[dreg:$0x0] =	wrdreg $0x0  }
0xa8: {  	s4 =	sshll.u32 s28, $0x1;
	[dreg:$0x2] =	wrdreg s2  }
0xa9: {  	[dreg:$0x3] =	wrdreg s4  }
0xaa: {  	[dreg:$0x4] =	wrdreg $0xC0  }
0xab: {  	_ =	task [dreg:s6], $0x5FFFF  }
0xac: {  	[dreg:$0x1] =	wrdreg $0xFFFFFFFF  }
0xad: {  	[dreg:$0x0] =	wrdreg $0x60  }
0xae: {  	[dreg:$0x2] =	wrdreg s24  }
0xaf: {  	[dreg:$0x3] =	wrdreg $0x9  }
0xb0: {  	_ =	task.clear_ibuf [dreg:s6], $0x4FFFF;
	_ =	strace $0x90000046  }
0xb1: {  	s29 =	simm.s32 $0x9;
	_ =	strace $0x80000048  }
0xb2: {  	_ =	swait.ge [sflag:s29], $0x1  }
0xb3: {  	[sflag:s29] =	ssyncadd.s32 $0xFFFFFFFF  }
0xb4: {  	_ =	strace $0x90000048  }
0xb5: {  	_ =	sfence  }
0xb6: {  	s30 =	sld [smem:$0x0];
	_ =	sdelay $0x2  }
0xb7: {  	s31 =	sshll.u32 s1, $0xD;
	s1 =	sshrl.u32 s1, $0x2  }
0xb8: {  	s3 =	sand.u32 $0x4000, s31;
	s1 =	sadd.s32 s1, s30  }
0xb9: {  	s0 =	sor.u32 s3, s0;
	s1 =	sshll.u32 s1, $0x11  }
0xba: {  	s0 =	sor.u32 s1, s0  }
0xbb: {  	s0 =	sadd.s32 $0x8F2B, s0  }
0xbc: {  	[sflag:s0] =	ssyncadd.remote.s32 $0x1  }
0xbd: {  	_ =	sfence.sel $0xFFFF  }
0xbe: {  	[dreg:$0x0] =	wrdreg $0xFFFFFFFF;
	(pc) =	sbr.abs _section_cstart, $3  }
0xbf: {  	[dreg:$0x1] =	wrdreg $0xFFFFFFFF  }
0xc0: {  	_ =	task.clear_ibuf [dreg:s6], $0x2FFFF;
	_ =	strace $0x9FFFFFFF  }
0xc1: {  	(tm) =	ssettm $0x7FFFFFFF  }
tec
execute0_lowered:
.L_overlay_start_1:
0x0: {  	(tag) =	ssettag $0x1  }
0x1: {  	s1 =	srdreg.scid  }
0x2: {  	s0 =	stileid.u32;
	s4 =	rddreg [dreg:$0x0]  }
0x3: {  	s2 =	simm.s32 $0x0;
	s10 =	simm.s32 $0x2800;
	s11 =	simm.s32 $0x80  }
0x4: {  	s12 =	simm.s32 $0x5000;
	s13 =	simm.s32 $0x9000;
	s14 =	simm.s32 $0x1  }
0x5: {  	s15 =	simm.s32 $0x2;
	s16 =	simm.s32 $0x0;
	s5 =	sand.u32 $0x1, s1  }
0x6: {  	s3 =	sshll.u32 s0, $0x1;
	[smem:$0x7FF] =	sst s2;
	s7 =	smul.u32 $0x4F000, s0  }
0x7: {  	s3 =	sor.u32 s5, s3;
	s8 =	ssub.s32 $0x2, s5;
	s5 =	smul.u32 $0x27800, s5  }
0x8: {  	s1 =	rddreg [dreg:$0x1];
	_ =	strace $0x80000047;
	s6 =	smul.u32 $0x500, s3  }
0x9: {  	s3 =	sadd.s32 $0x1F400, s4;
	s7 =	sadd.s32 s7, s4;
	s31 =	sshrl.u32 s8, $0x1  }
0xa: {  	s8 =	ssub.s32 s8, s31;
	s9 =	sadd.s32 s5, s7;
	s6 =	sadd.s32 s6, s4  }
0xb: {  	s7 =	sadd.s32 $0x46600, s9;
	s4 =	sadd.s32 $0xB400, s6;
	s5 =	sadd.s32 $0x15400, s6  }
0xc: {  	s6 =	smax.u32 s8, $0x1;
	s8 =	sadd.s32 $0x536600, s9;
	s9 =	simm.s32 $0x3  }
.LBB2_1:
0xd: {  	[tilespmem:s2], [sflag:$0x3] =	stream.linear.gather [hbm4b:s4+s2], $0x2780, $0x38;
	[tilespmem:$0xD000] =	vst v63  }
0xe: {  	_ =	swait.ge [sflag:s9], $0x2780  }
0xf: {  	[sflag:s9] =	ssyncset.done $0x0  }
0x10: {  	[sflag:s9] =	ssyncadd.s32 $0xFFFFD880  }
0x11: {  	[tilespmem:s10], [sflag:$0x3] =	stream.linear.gather [hbm4b:s5+s2], $0x2780, $0x38;
	[tilespmem:$0xD000] =	vst v63  }
0x12: {  	_ =	swait.ge [sflag:s9], $0x2780  }
0x13: {  	[sflag:s9] =	ssyncset.done $0x0  }
0x14: {  	s17 =	simm.s32 $0x0;
	[sflag:s9] =	ssyncadd.s32 $0xFFFFD880  }
0x15: {  	[tilespmem:s12], [sflag:$0x1] =	stream.indirect.gather [hbm4b:s3+s11], $0x80, s17, s11, $0xb8;
	[tilespmem:$0xD000] =	vst v63  }
0x16: {  	s31 =	simm.s32 $0x2800  }
0x17: {  	[tilespmem:s13], [sflag:$0x2] =	stream.indirect.gather [hbm4b:s3+s11], $0x80, s31, s11, $0xb8;
	[tilespmem:$0xD000] =	vst v63  }
0x18: {  	_ =	swait.ge [sflag:s14], $0x4000  }
0x19: {  	[sflag:s14] =	ssyncset.done $0x0  }
0x1a: {  	[sflag:s14] =	ssyncadd.s32 $0xFFFFC000  }
0x1b: {  	[hbm4b:s7+s2] =	stream.linear.scatter [tilespmem:s12], [sflag:$0x3], $0x4000, $0x38;
	[tilespmem:$0xD000] =	vst v63  }
0x1c: {  	_ =	swait.ge [sflag:s9], $0x4000  }
0x1d: {  	[sflag:s9] =	ssyncset.done $0x0  }
0x1e: {  	[sflag:s9] =	ssyncadd.s32 $0xFFFFC000  }
0x1f: {  	_ =	swait.ge [sflag:s15], $0x4000  }
0x20: {  	[sflag:s15] =	ssyncset.done $0x0  }
0x21: {  	[sflag:s15] =	ssyncadd.s32 $0xFFFFC000  }
0x22: {  	[hbm4b:s8+s2] =	stream.linear.scatter [tilespmem:s13], [sflag:$0x3], $0x4000, $0x38;
	[tilespmem:$0xD000] =	vst v63  }
0x23: {  	s19 =	simm.s32 $0x200;
	s20 =	simm.s32 $0x400;
	_ =	swait.ge [sflag:s9], $0x4000  }
0x24: {  	s18 =	sadd.s32 $0x800, s7;
	s17 =	sadd.s32 $0x800, s8;
	[sflag:s9] =	ssyncset.done $0x0  }
.LBB2_2:
0x25: {  	s21 =	sshra.s32 s19, $0x2  }
0x26: {  	[sflag:s9] =	ssyncadd.s32 $0xFFFFC000;
	s19 =	smov.u32 s20;
	s22 =	sadd.s32 $0x200, s20  }
0x27: {  	[tilespmem:s12], [sflag:$0x1] =	stream.indirect.gather [hbm4b:s3+s11], $0x80, s21, s11, $0xb8;
	[tilespmem:$0xD000] =	vst v63  }
0x28: {  	p0 =	sne.s32 s20, $0x9C00;
	s20 =	sadd.s32 $0x2800, s21  }
0x29: {  	[tilespmem:s13], [sflag:$0x2] =	stream.indirect.gather [hbm4b:s3+s11], $0x80, s20, s11, $0xb8;
	[tilespmem:$0xD000] =	vst v63  }
0x2a: {  	_ =	swait.ge [sflag:s14], $0x4000  }
0x2b: {  	[sflag:s14] =	ssyncset.done $0x0  }
0x2c: {  	[sflag:s14] =	ssyncadd.s32 $0xFFFFC000  }
0x2d: {  	[hbm4b:s18+s2] =	stream.linear.scatter [tilespmem:s12], [sflag:$0x3], $0x4000, $0x38;
	[tilespmem:$0xD000] =	vst v63  }
0x2e: {  	_ =	swait.ge [sflag:s9], $0x4000  }
0x2f: {  	[sflag:s9] =	ssyncset.done $0x0  }
0x30: {  	[sflag:s9] =	ssyncadd.s32 $0xFFFFC000  }
0x31: {  	_ =	swait.ge [sflag:s15], $0x4000  }
.Ltmp0:
0x32: {  	[sflag:s15] =	ssyncset.done $0x0;
	(pc) =	sbr.rel @p0 .LBB2_2-.Ltmp0, $4  }
0x33: {  	[sflag:s15] =	ssyncadd.s32 $0xFFFFC000  }
0x34: {  	[hbm4b:s17+s2] =	stream.linear.scatter [tilespmem:s13], [sflag:$0x3], $0x4000, $0x38;
	[tilespmem:$0xD000] =	vst v63  }
0x35: {  	s20 =	smov.u32 s22;
	_ =	swait.ge [sflag:s9], $0x4000  }
0x36: {  	s18 =	sadd.s32 $0x800, s18;
	s17 =	sadd.s32 $0x800, s17;
	[sflag:s9] =	ssyncset.done $0x0  }
0x37: {  	s19 =	sshra.s32 s19, $0x2;
	[sflag:s9] =	ssyncadd.s32 $0xFFFFC000  }
0x38: {  	[tilespmem:s12], [sflag:$0x1] =	stream.indirect.gather [hbm4b:s3+s11], $0x80, s19, s11, $0xb8;
	[tilespmem:$0xD000] =	vst v63  }
0x39: {  	s19 =	sadd.s32 $0x2800, s19  }
0x3a: {  	[tilespmem:s13], [sflag:$0x2] =	stream.indirect.gather [hbm4b:s3+s11], $0x80, s19, s11, $0xb8;
	[tilespmem:$0xD000] =	vst v63  }
0x3b: {  	_ =	swait.ge [sflag:s14], $0x4000  }
0x3c: {  	[sflag:s14] =	ssyncset.done $0x0  }
0x3d: {  	[sflag:s14] =	ssyncadd.s32 $0xFFFFC000  }
0x3e: {  	[hbm4b:s18+s2] =	stream.linear.scatter [tilespmem:s12], [sflag:$0x3], $0x4000, $0x38;
	[tilespmem:$0xD000] =	vst v63  }
0x3f: {  	_ =	swait.ge [sflag:s9], $0x4000  }
0x40: {  	[sflag:s9] =	ssyncset.done $0x0  }
0x41: {  	[sflag:s9] =	ssyncadd.s32 $0xFFFFC000  }
0x42: {  	s16 =	sadd.s32 $0x1, s16;
	_ =	swait.ge [sflag:s15], $0x4000  }
0x43: {  	p0 =	sne.s32 s16, s6;
	[sflag:s15] =	ssyncset.done $0x0  }
.Ltmp1:
0x44: {  	[sflag:s15] =	ssyncadd.s32 $0xFFFFC000;
	(pc) =	sbr.rel @p0 .LBB2_1-.Ltmp1, $4  }
0x45: {  	[hbm4b:s17+s2] =	stream.linear.scatter [tilespmem:s13], [sflag:$0x3], $0x4000, $0x38;
	[tilespmem:$0xD000] =	vst v63  }
0x46: {  	_ =	swait.ge [sflag:s9], $0x4000  }
0x47: {  	[sflag:s9] =	ssyncset.done $0x0  }
0x48: {  	[sflag:s9] =	ssyncadd.s32 $0xFFFFC000  }
0x49: {  	_ =	sfence.sel $0x180000  }
0x4a: {  	[bflag:$0x0] =	sbarrier.arrive $0xFFFF  }
0x4b: {  	p0 =	sne.s32 s0, $0x0;
	_ =	strace $0x90000047  }
0x4c: {  	s0 =	sadd.s32 @!p0 $0x100000, s1;
	[bflag:$0x2] =	sbarrier.arrive $0xFFFF  }
0x4d: {  	[sflag:s0] =	ssyncadd.tile.s32 @!p0 $0x1;
	_ =	shalt  }
.Lfunc_end2:
_tile_overlayer_lowered:
.L_overlay_start_2:
0x4e: {  	(tag) =	ssettag $0x2  }
0x4f: {  	s0 =	rddreg [dreg:$0x0];
	s2 =	stileid.u32  }
0x50: {  	s1 =	rddreg [dreg:$0x1];
	p0 =	sne.s32 s2, $0x0  }
0x51: {  	s3 =	rddreg [dreg:$0x2];
	[bflag:$0x3] =	sbarrier.arrive $0xFFFF;
	s2 =	simm.s32 @!p0 $0x1C03  }
0x52: {  	[timem:s3], [sflag:s2] =	dma.local @!p0 [hbm:s0], s1  }
0x53: {  	s0 =	simm.s32 @!p0 $0x3  }
0x54: {  	_ =	swait.ge @!p0 [sflag:s0], s1  }
0x55: {  	s1 =	ssub.s32 @!p0 $0x0, s1;
	[sflag:s0] =	ssyncset.done @!p0 $0x0  }
0x56: {  	[sflag:s0] =	ssyncadd.s32 @!p0 s1  }
0x57: {  	[bflag:$0x3] =	sbarrier.arrive $0xFFFF  }
0x58: {  	_ =	shalt  }

// kernel: kernel.26.cloned.1.call-start
scs
__scs_entry_jumppad:
0x0: {  	(pc) =	sbr.rel $0x88, $3  }
0x1: {  	(tag) =	ssettag $0x0;
	lr =	simm.s32 $0x1  }
0x2: {  	[smem:$0x3F82] =	sst lr;
	_ =	strace $0xD0000000  }
0x3: {  	_ = 	snop  }
0x4: {  	_ = 	snop  }
0x5: {  	_ = 	snop  }
0x6: {  	_ = 	snop  }
0x7: {  	_ = 	snop  }
__scs_overlays_trampoline_lowered:
0x8: {  	[smem:$0x3F91] =	sst s0  }
0x9: {  	[smem:$0x3F92] =	sst s1  }
0xa: {  	[smem:$0x3F93] =	sst s2  }
0xb: {  	[smem:$0x3F94] =	sst s3  }
0xc: {  	[smem:$0x3F95] =	sst s4  }
0xd: {  	[smem:$0x3F96] =	sst s5  }
0xe: {  	[smem:$0x3F97] =	sst s6  }
0xf: {  	[smem:$0x3F98] =	sst s7  }
0x10: {  	[smem:$0x3F99] =	sst s8  }
0x11: {  	[smem:$0x3F9A] =	sst s9;
	s0 =	simm.s32 @!p0 $0x0  }
0x12: {  	s1 =	sld [smem:$0x3F80];
	s0 =	simm.s32 @p0 $0x1  }
0x13: {  	[smem:$0x3F9B] =	sst s0;
	s0 =	simm.s32 @!p1 $0x0  }
0x14: {  	s2 =	sld [smem:$0x3F7F];
	s0 =	simm.s32 @p1 $0x1  }
0x15: {  	[smem:$0x3F9C] =	sst s0;
	s0 =	simm.s32 @!p2 $0x0  }
0x16: {  	s3 =	sld [smem:$0x3FDB];
	s0 =	simm.s32 @p2 $0x1  }
0x17: {  	s4 =	simm.s32 $0x1BF5;
	[smem:$0x3F9E] =	sst s0  }
0x18: {  	s0 =	sld [smem:$0x3F81];
	_ =	swait.ge [sflag:s4], $0x0  }
0x19: {  	s7 =	sld [smem:$0x3F82]  }
0x1a: {  	s8 =	sadd.s32 $0xFFFFE003, lr  }
0x1b: {  	s9 =	sadd.s32 $0xFFFFFEF7, lr;
	s5 =	simm.s32 $0xFFFFFFFF;
	p2 =	slt.u32 s8, $0xFFFFF086  }
0x1c: {  	p1 =	slt.u32 s9, $0xF7A;
	s5 =	simm.s32 @!p2 $0x0  }
0x1d: {  	s5 =	simm.s32 @p1 $0x1;
	p0 =	seq.s32 s7, s2  }
0x1e: {  	s7 =	smul.u32 @!p0 $0xF7A, s2;
	p2 =	seq.s32 @!p0 s5, $0x0  }
0x1f: {  	s9 =	smul.u32 $0xF7A, s1;
	s8 =	simm.s32 @!p0 $0x1BF5;
	p2 =	por !p2, p0  }
0x20: {  	[sflag:s8] =	ssyncset.s32 @!p0 $0xFFFFF086;
	s6 =	sadd.s32 @!p0 s3, s7;
	s7 =	simm.s32 @!p0 $0x108  }
0x21: {  	s3 =	sadd.s32 s3, s9;
	s6 =	sadd.s32 @!p0 $0x88, s6;
	s7 =	simm.s32 @p2 $0x1082  }
0x22: {  	[simem:s7], [sflag:s8] =	dma.local @!p0 [hbm:s6], $0xF7A  }
0x23: {  	s9 =	sor.u32 $0xD0000000, s2;
	s6 =	simm.s32 $0x108;
	_ =	swait.ge @!p0 [sflag:s8], $0x0  }
0x24: {  	s3 =	sadd.s32 $0x88, s3;
	s6 =	simm.s32 @!p1 $0x1082;
	[sflag:s4] =	ssyncset.s32 $0xFFFFF086  }
0x25: {  	[simem:s6], [sflag:s4] =	dma.local [hbm:s3], $0xF7A  }
0x26: {  	[smem:$0x3F82] =	sst s1;
	(tag) =	ssettag s2;
	_ =	strace s9  }
0x27: {  	s1 =	sld [smem:$0x3F92]  }
0x28: {  	s2 =	sld [smem:$0x3F93]  }
0x29: {  	s4 =	sld [smem:$0x3F95]  }
0x2a: {  	p0 =	seq.s32 s5, $0x0;
	s5 =	sld [smem:$0x3F96]  }
0x2b: {  	s6 =	sld [smem:$0x3F97]  }
0x2c: {  	s7 =	sld [smem:$0x3F98]  }
0x2d: {  	s3 =	simm.s32 $0x108;
	s8 =	sld [smem:$0x3F99]  }
0x2e: {  	s3 =	simm.s32 @!p0 $0x1082;
	s9 =	sld [smem:$0x3F9A]  }
0x2f: {  	lr =	sadd.s32 s0, s3;
	s0 =	sld [smem:$0x3F91]  }
0x30: {  	s3 =	sld [smem:$0x3F94]  }
0x31: {  	[smem:$0x3F9D] =	sst s10  }
0x32: {  	s10 =	sld [smem:$0x3F9B];
	_ =	sdelay $0x3  }
0x33: {  	p0 =	seq.s32 s10, $0x1;
	s10 =	sld [smem:$0x3F9D];
	_ =	sdelay $0x3  }
0x34: {  	[smem:$0x3F9D] =	sst s10  }
0x35: {  	s10 =	sld [smem:$0x3F9C];
	_ =	sdelay $0x3  }
0x36: {  	p1 =	seq.s32 s10, $0x1;
	s10 =	sld [smem:$0x3F9D];
	_ =	sdelay $0x3  }
0x37: {  	[smem:$0x3F9D] =	sst s10  }
0x38: {  	s10 =	sld [smem:$0x3F9E]  }
0x39: {  	_ = 	snop;
	(pc) =	sbr.ind lr, $3  }
0x3a: {  	_ = 	snop  }
0x3b: {  	_ = 	snop  }
0x3c: {  	p2 =	seq.s32 s10, $0x1;
	s10 =	sld [smem:$0x3F9D]  }
0x3d: {  	_ =	shalt  }
0x3e: {  	_ =	shalt  }
0x3f: {  	_ =	shalt  }
0x40: {  	_ =	shalt  }
0x41: {  	_ =	shalt  }
0x42: {  	_ =	shalt  }
0x43: {  	_ =	shalt  }
0x44: {  	_ =	shalt  }
0x45: {  	_ =	shalt  }
0x46: {  	_ =	shalt  }
0x47: {  	_ =	shalt  }
0x48: {  	_ =	shalt  }
0x49: {  	_ =	shalt  }
0x4a: {  	_ =	shalt  }
0x4b: {  	_ =	shalt  }
0x4c: {  	_ =	shalt  }
0x4d: {  	_ =	shalt  }
0x4e: {  	_ =	shalt  }
0x4f: {  	_ =	shalt  }
0x50: {  	_ =	shalt  }
0x51: {  	_ =	shalt  }
0x52: {  	_ =	shalt  }
0x53: {  	_ =	shalt  }
0x54: {  	_ =	shalt  }
0x55: {  	_ =	shalt  }
0x56: {  	_ =	shalt  }
0x57: {  	_ =	shalt  }
0x58: {  	_ =	shalt  }
0x59: {  	_ =	shalt  }
0x5a: {  	_ =	shalt  }
0x5b: {  	_ =	shalt  }
0x5c: {  	_ =	shalt  }
0x5d: {  	_ =	shalt  }
0x5e: {  	_ =	shalt  }
0x5f: {  	_ =	shalt  }
0x60: {  	_ =	shalt  }
0x61: {  	_ =	shalt  }
0x62: {  	_ =	shalt  }
0x63: {  	_ =	shalt  }
0x64: {  	_ =	shalt  }
0x65: {  	_ =	shalt  }
0x66: {  	_ =	shalt  }
0x67: {  	_ =	shalt  }
0x68: {  	_ =	shalt  }
0x69: {  	_ =	shalt  }
0x6a: {  	_ =	shalt  }
0x6b: {  	_ =	shalt  }
0x6c: {  	_ =	shalt  }
0x6d: {  	_ =	shalt  }
0x6e: {  	_ =	shalt  }
0x6f: {  	_ =	shalt  }
0x70: {  	_ =	shalt  }
0x71: {  	_ =	shalt  }
0x72: {  	_ =	shalt  }
0x73: {  	_ =	shalt  }
0x74: {  	_ =	shalt  }
0x75: {  	_ =	shalt  }
0x76: {  	_ =	shalt  }
0x77: {  	_ =	shalt  }
0x78: {  	_ =	shalt  }
0x79: {  	_ =	shalt  }
0x7a: {  	_ =	shalt  }
0x7b: {  	_ =	shalt  }
0x7c: {  	_ =	shalt  }
0x7d: {  	_ =	shalt  }
0x7e: {  	_ =	shalt  }
0x7f: {  	_ =	shalt  }
0x80: {  	_ =	shalt  }
0x81: {  	_ =	shalt  }
0x82: {  	_ =	shalt  }
0x83: {  	_ =	shalt  }
0x84: {  	_ =	shalt  }
0x85: {  	_ =	shalt  }
0x86: {  	_ =	shalt  }
0x87: {  	_ =	shalt  }
.Lfunc_end0:
.L_simem_size_0:
called_computation.1_lowered:
.L_overlay_start_0:
0x88: {  	s2 =	sld [smem:$0x3FD9]  }
0x89: {  	s3 =	sld [smem:$0x3FFE];
	_ =	sdelay $0x1  }
0x8a: {  	s1 =	srdreg.scid  }
0x8b: {  	s0 =	sand.u32 $0x1, s1  }
0x8c: {  	s16 =	sshll.u32 s0, $0xA;
	s2 =	sadd.s32 s3, s2  }
0x8d: {  	s2 =	sadd.s32 s2, s16  }
0x8e: {  	[smem:$0x3FA9] =	sst s2  }
0x8f: {  	_ = 	snop  }
0x90: {  	(tm) =	ssettm $0x1  }
0x91: {  	s17 =	sld [smem:$0x3FFB];
	_ =	sdelay $0x3  }
0x92: {  	_ =	strace s17  }
0x93: {  	s2 =	sld [smem:$0x3FFC];
	_ =	sdelay $0x3  }
0x94: {  	_ =	strace s2  }
0x95: {  	s2 =	sld [smem:$0x3FFD];
	_ =	sdelay $0x3  }
0x96: {  	_ =	strace s2  }
0x97: {  	_ =	strace $0x8FFFFFFF  }
0x98: {  	s18 =	sld [smem:$0x3FDB];
	_ =	sdelay $0x1  }
0x99: {  	s19 =	simm.s32 $_scs_section_size  }
0x9a: {  	s4 =	simm.s32 $_size__tile_overlayer_lowered;
	s5 =	simm.s32 $_tile_overlayer_lowered  }
0x9b: {  	s22 =	simm.s32 $0x1BFF;
	s21 =	sshll.u32 s5, $0x1;
	s2 =	sadd.s32 s19, s18  }
0x9c: {  	s6 =	simm.s32 $0x0;
	s20 =	sshll.u32 s4, $0x1;
	s4 =	sadd.s32 s21, s2  }
0x9d: {  	[timem:s6], [sflag:s22] =	dma.local [hbm:s4], s20  }
0x9e: {  	_ =	swait.ge [sflag:s22], s20  }
0x9f: {  	s3 =	ssub.s32 $0x0, s20;
	[sflag:s22] =	ssyncset.done $0x0  }
0xa0: {  	[sflag:s22] =	ssyncadd.s32 s3;
	_ =	sdelay $0x1  }
0xa1: {  	s23 =	simm.s32 $0x1B8B  }
0xa2: {  	_ =	swait.ge [sflag:s23], $0x1  }
0xa3: {  	[sflag:s23] =	ssyncset.done $0x0  }
0xa4: {  	s25 =	simm.s32 $0x1B8E;
	s24 =	sld [smem:$0x3FFE];
	[sflag:s23] =	ssyncadd.s32 $0xFFFFFFFF  }
0xa5: {  	s26 =	simm.s32 $execute0_lowered;
	[smem:$0x3FD2] =	sst s25  }
0xa6: {  	s4 =	sshll.u32 s26, $0x1;
	_ =	strace $0x80000049;
	[dreg:$0x1] =	wrdreg $0xFFFFFFFF  }
0xa7: {  	s28 =	simm.s32 $_size_execute0_lowered;
	s2 =	sadd.s32 s2, s4;
	[dreg:$0x0] =	wrdreg $0x0  }
0xa8: {  	s4 =	sshll.u32 s28, $0x1;
	[dreg:$0x2] =	wrdreg s2  }
0xa9: {  	[dreg:$0x3] =	wrdreg s4  }
0xaa: {  	[dreg:$0x4] =	wrdreg $0xC0  }
0xab: {  	_ =	task [dreg:s6], $0x5FFFF  }
0xac: {  	[dreg:$0x1] =	wrdreg $0xFFFFFFFF  }
0xad: {  	[dreg:$0x0] =	wrdreg $0x60  }
0xae: {  	[dreg:$0x2] =	wrdreg s24  }
0xaf: {  	[dreg:$0x3] =	wrdreg $0x68000  }
0xb0: {  	[dreg:$0x4] =	wrdreg $0x9  }
0xb1: {  	_ =	task.clear_ibuf [dreg:s6], $0x5FFFF;
	_ =	strace $0x90000049  }
0xb2: {  	s29 =	simm.s32 $0x9;
	_ =	strace $0x8000004B  }
0xb3: {  	_ =	swait.ge [sflag:s29], $0x1  }
0xb4: {  	[sflag:s29] =	ssyncadd.s32 $0xFFFFFFFF  }
0xb5: {  	_ =	strace $0x9000004B  }
0xb6: {  	_ =	sfence  }
0xb7: {  	s30 =	sld [smem:$0x0];
	_ =	sdelay $0x2  }
0xb8: {  	s31 =	sshll.u32 s1, $0xD;
	s1 =	sshrl.u32 s1, $0x2  }
0xb9: {  	s3 =	sand.u32 $0x4000, s31;
	s1 =	sadd.s32 s1, s30  }
0xba: {  	s0 =	sor.u32 s3, s0;
	s1 =	sshll.u32 s1, $0x11  }
0xbb: {  	s0 =	sor.u32 s1, s0  }
0xbc: {  	s0 =	sadd.s32 $0x8F2B, s0  }
0xbd: {  	[sflag:s0] =	ssyncadd.remote.s32 $0x1  }
0xbe: {  	_ =	sfence.sel $0xFFFF  }
0xbf: {  	[dreg:$0x0] =	wrdreg $0xFFFFFFFF;
	(pc) =	sbr.abs _section_cstart, $3  }
0xc0: {  	[dreg:$0x1] =	wrdreg $0xFFFFFFFF  }
0xc1: {  	_ =	task.clear_ibuf [dreg:s6], $0x2FFFF;
	_ =	strace $0x9FFFFFFF  }
0xc2: {  	(tm) =	ssettm $0x7FFFFFFF  }
0xc3: {  	_ =	shalt  }
tec
execute0_lowered:
.L_overlay_start_1:
0x0: {  	(tag) =	ssettag $0x1  }
0x1: {  	s4 =	rddreg [dreg:$0x0]  }
0x2: {  	s1 =	rddreg [dreg:$0x1];
	s14 =	stileid.u32  }
0x3: {  	s2 =	srdreg.scid;
	s0 =	rddreg [dreg:$0x2];
	s16 =	simm.s32 $0x0  }
0x4: {  	s5 =	sand.u32 $0x1, s2;
	s3 =	sshll.u32 s14, $0x1;
	s6 =	smul.u32 $0x4F000, s14  }
0x5: {  	s2 =	simm.s32 $0x0;
	s10 =	smul.u32 $0x13800, s14;
	s11 =	sadd.s32 $0xA57000, s4  }
0x6: {  	s12 =	smul.u32 $0x4E000, s14;
	s13 =	sadd.s32 $0x124800, s1;
	p0 =	sne.s32 s14, $0x0  }
0x7: {  	p1 =	seq.s32 s14, $0xF;
	s3 =	sor.u32 s5, s3;
	s25 =	smul.u32 $0x138800, s5  }
0x8: {  	[smem:$0x7FF] =	sst s2;
	s9 =	ssub.s32 $0x2, s5;
	s30 =	smul.u32 $0x27800, s5  }
0x9: {  	s13 =	sshrl.u32 @p1 s13, $0x3;
	s14 =	sshll.u32 @!p1 s14, $0x6;
	s3 =	smul.u32 $0x500, s3  }
0xa: {  	_ =	strace $0x8000004A;
	s7 =	sadd.s32 s6, s4;
	s26 =	sshrl.u32 s9, $0x1  }
0xb: {  	s29 =	sshrl.u32 s12, $0x2;
	s12 =	simm.s32 $0x80;
	s14 =	sor.u32 @!p1 $0x1C01, s14  }
0xc: {  	s9 =	ssub.s32 s9, s26;
	s10 =	sadd.s32 s10, s25;
	s6 =	sshrl.u32 s25, $0x3  }
0xd: {  	s15 =	sadd.s32 s29, s1;
	s31 =	sadd.s32 s30, s7;
	s8 =	sadd.s32 s3, s4  }
0xe: {  	s3 =	sadd.s32 $0xA2FE00, s4;
	s28 =	sshrl.u32 s10, $0x3;
	s6 =	sadd.s32 s11, s6  }
0xf: {  	s7 =	smax.u32 s9, $0x1;
	s9 =	sshrl.u32 @!p0 s1, $0x3;
	s10 =	simm.s32 $0x1  }
0x10: {  	s15 =	sshrl.u32 @!p1 s15, $0x3;
	s4 =	sadd.s32 $0xB400, s8;
	s5 =	sadd.s32 s11, s28  }
0x11: {  	s6 =	sadd.s32 $0x24900, s6;
	s8 =	sadd.s32 $0x1406600, s31;
	s11 =	simm.s32 $0x2800  }
.LBB2_1:
0x12: {  	s17 =	simm.s32 @!p0 $0x1C01  }
0x13: {  	[spmem:s9], [sflag:s17] =	dma.local @!p0 [hbm:s3], $0x27100  }
0x14: {  	s17 =	simm.s32 @!p0 $0x1  }
0x15: {  	_ =	swait.ge @!p0 [sflag:s17], $0x27100  }
0x16: {  	[sflag:s17] =	ssyncset.done @!p0 $0x0  }
0x17: {  	[sflag:s17] =	ssyncadd.s32 @!p0 $0xFFFD8F00  }
0x18: {  	[bflag:$0x0] =	sbarrier.arrive $0xFFFF  }
0x19: {  	[tilespmem:s2], [sflag:$0x1] =	stream.linear.gather [hbm4b:s4+s2], $0x2780, $0x38;
	[tilespmem:$0x1A080] =	vst v63  }
0x1a: {  	_ =	swait.ge [sflag:s10], $0x2780  }
0x1b: {  	[sflag:s10] =	ssyncset.done $0x0  }
0x1c: {  	[sflag:s10] =	ssyncadd.s32 $0xFFFFD880  }
0x1d: {  	[tilespmem:s11], [sflag:$0x1] =	stream.linear.gather [hbm4b:s8+s2], $0x4000, $0x38;
	[tilespmem:$0x1A080] =	vst v63  }
0x1e: {  	_ =	swait.ge [sflag:s10], $0x4000  }
0x1f: {  	[sflag:s10] =	ssyncset.done $0x0  }
0x20: {  	s31 =	simm.s32 $0x0;
	[sflag:s10] =	ssyncadd.s32 $0xFFFFC000  }
0x21: {  	[spmem:s1] =	stream.indirect.scatter.add.f32 [tilespmem:s11], [sflag:$0x1], $0x80, s31, s12, $0xb8;
	[tilespmem:$0x1A080] =	vst v63  }
0x22: {  	_ =	swait.ge [sflag:s10], $0x4000  }
0x23: {  	s18 =	smov.u32 s8;
	s17 =	simm.s32 $0x200;
	[sflag:s10] =	ssyncset.done $0x0  }
.LBB2_2:
0x24: {  	p2 =	sne.s32 s17, $0x9C00;
	[sflag:s10] =	ssyncadd.s32 $0xFFFFC000;
	s18 =	sadd.s32 $0x800, s18  }
0x25: {  	[tilespmem:s11], [sflag:$0x1] =	stream.linear.gather [hbm4b:s18+s2], $0x4000, $0x38;
	[tilespmem:$0x1A080] =	vst v63  }
0x26: {  	s19 =	smov.u32 s17;
	s17 =	sadd.s32 $0x200, s17;
	_ =	swait.ge [sflag:s10], $0x4000  }
.Ltmp0:
0x27: {  	[sflag:s10] =	ssyncset.done $0x0;
	(pc) =	sbr.rel @p2 .LBB2_2-.Ltmp0, $4  }
0x28: {  	s19 =	sshra.s32 s19, $0x2;
	[sflag:s10] =	ssyncadd.s32 $0xFFFFC000  }
0x29: {  	[spmem:s1] =	stream.indirect.scatter.add.f32 [tilespmem:s11], [sflag:$0x1], $0x80, s19, s12, $0xb8;
	[tilespmem:$0x1A080] =	vst v63  }
0x2a: {  	_ =	swait.ge [sflag:s10], $0x4000  }
0x2b: {  	[sflag:s10] =	ssyncset.done $0x0  }
0x2c: {  	[sflag:s10] =	ssyncadd.s32 $0xFFFFC000  }
0x2d: {  	s17 =	simm.s32 @p1 $0x1FC1;
	[bflag:$0x0] =	sbarrier.arrive $0xFFFF  }
0x2e: {  	[hbm:s6], [sflag:s17] =	dma.local @p1 [spmem:s13], $0x2800  }
0x2f: {  	s17 =	simm.s32 @p1 $0x1  }
0x30: {  	s16 =	sadd.s32 $0x1, s16;
	_ =	swait.ge @p1 [sflag:s17], $0x2800  }
0x31: {  	p2 =	sne.s32 s16, s7;
	[sflag:s17] =	ssyncset.done @p1 $0x0  }
.Ltmp1:
0x32: {  	[sflag:s17] =	ssyncadd.s32 @p1 $0xFFFFD800;
	s17 =	simm.s32 @!p1 $0x1;
	(pc) =	sbr.rel @p2 .LBB2_1-.Ltmp1, $4  }
0x33: {  	[hbm:s5], [sflag:s14] =	dma.local @!p1 [spmem:s15], $0x2700  }
0x34: {  	_ =	swait.ge @!p1 [sflag:s17], $0x2700  }
0x35: {  	[sflag:s17] =	ssyncset.done @!p1 $0x0  }
0x36: {  	[sflag:s17] =	ssyncadd.s32 @!p1 $0xFFFFD900  }
0x37: {  	_ =	sfence.sel $0x180000  }
0x38: {  	[bflag:$0x0] =	sbarrier.arrive $0xFFFF  }
0x39: {  	_ =	strace $0x9000004A  }
0x3a: {  	s0 =	sadd.s32 @!p0 $0x100000, s0;
	[bflag:$0x2] =	sbarrier.arrive $0xFFFF  }
0x3b: {  	[sflag:s0] =	ssyncadd.tile.s32 @!p0 $0x1;
	_ =	shalt  }
.Lfunc_end2:
_tile_overlayer_lowered:
.L_overlay_start_2:
0x3c: {  	(tag) =	ssettag $0x2  }
0x3d: {  	s0 =	rddreg [dreg:$0x0];
	s2 =	stileid.u32  }
0x3e: {  	s1 =	rddreg [dreg:$0x1];
	p0 =	sne.s32 s2, $0x0  }
0x3f: {  	s3 =	rddreg [dreg:$0x2];
	[bflag:$0x3] =	sbarrier.arrive $0xFFFF;
	s2 =	simm.s32 @!p0 $0x1C01  }
0x40: {  	[timem:s3], [sflag:s2] =	dma.local @!p0 [hbm:s0], s1  }
0x41: {  	s0 =	simm.s32 @!p0 $0x1  }
0x42: {  	_ =	swait.ge @!p0 [sflag:s0], s1  }
0x43: {  	s1 =	ssub.s32 @!p0 $0x0, s1;
	[sflag:s0] =	ssyncset.done @!p0 $0x0  }
0x44: {  	[sflag:s0] =	ssyncadd.s32 @!p0 s1  }
0x45: {  	[bflag:$0x3] =	sbarrier.arrive $0xFFFF  }
0x46: {  	_ =	shalt  }

// kernel: kernel.29.cloned.1.call-start
scs
__scs_entry_jumppad:
0x0: {  	(pc) =	sbr.rel $0x88, $3  }
0x1: {  	(tag) =	ssettag $0x0;
	lr =	simm.s32 $0x1  }
0x2: {  	[smem:$0x3F82] =	sst lr;
	_ =	strace $0xD0000000  }
0x3: {  	_ = 	snop  }
0x4: {  	_ = 	snop  }
0x5: {  	_ = 	snop  }
0x6: {  	_ = 	snop  }
0x7: {  	_ = 	snop  }
__scs_overlays_trampoline_lowered:
0x8: {  	[smem:$0x3F91] =	sst s0  }
0x9: {  	[smem:$0x3F92] =	sst s1  }
0xa: {  	[smem:$0x3F93] =	sst s2  }
0xb: {  	[smem:$0x3F94] =	sst s3  }
0xc: {  	[smem:$0x3F95] =	sst s4  }
0xd: {  	[smem:$0x3F96] =	sst s5  }
0xe: {  	[smem:$0x3F97] =	sst s6  }
0xf: {  	[smem:$0x3F98] =	sst s7  }
0x10: {  	[smem:$0x3F99] =	sst s8  }
0x11: {  	[smem:$0x3F9A] =	sst s9;
	s0 =	simm.s32 @!p0 $0x0  }
0x12: {  	s1 =	sld [smem:$0x3F80];
	s0 =	simm.s32 @p0 $0x1  }
0x13: {  	[smem:$0x3F9B] =	sst s0;
	s0 =	simm.s32 @!p1 $0x0  }
0x14: {  	s2 =	sld [smem:$0x3F7F];
	s0 =	simm.s32 @p1 $0x1  }
0x15: {  	[smem:$0x3F9C] =	sst s0;
	s0 =	simm.s32 @!p2 $0x0  }
0x16: {  	s3 =	sld [smem:$0x3FDB];
	s0 =	simm.s32 @p2 $0x1  }
0x17: {  	s4 =	simm.s32 $0x1BF5;
	[smem:$0x3F9E] =	sst s0  }
0x18: {  	s0 =	sld [smem:$0x3F81];
	_ =	swait.ge [sflag:s4], $0x0  }
0x19: {  	s7 =	sld [smem:$0x3F82]  }
0x1a: {  	s8 =	sadd.s32 $0xFFFFE003, lr  }
0x1b: {  	s9 =	sadd.s32 $0xFFFFFEF7, lr;
	s5 =	simm.s32 $0xFFFFFFFF;
	p2 =	slt.u32 s8, $0xFFFFF086  }
0x1c: {  	p1 =	slt.u32 s9, $0xF7A;
	s5 =	simm.s32 @!p2 $0x0  }
0x1d: {  	s5 =	simm.s32 @p1 $0x1;
	p0 =	seq.s32 s7, s2  }
0x1e: {  	s7 =	smul.u32 @!p0 $0xF7A, s2;
	p2 =	seq.s32 @!p0 s5, $0x0  }
0x1f: {  	s9 =	smul.u32 $0xF7A, s1;
	s8 =	simm.s32 @!p0 $0x1BF5;
	p2 =	por !p2, p0  }
0x20: {  	[sflag:s8] =	ssyncset.s32 @!p0 $0xFFFFF086;
	s6 =	sadd.s32 @!p0 s3, s7;
	s7 =	simm.s32 @!p0 $0x108  }
0x21: {  	s3 =	sadd.s32 s3, s9;
	s6 =	sadd.s32 @!p0 $0x88, s6;
	s7 =	simm.s32 @p2 $0x1082  }
0x22: {  	[simem:s7], [sflag:s8] =	dma.local @!p0 [hbm:s6], $0xF7A  }
0x23: {  	s9 =	sor.u32 $0xD0000000, s2;
	s6 =	simm.s32 $0x108;
	_ =	swait.ge @!p0 [sflag:s8], $0x0  }
0x24: {  	s3 =	sadd.s32 $0x88, s3;
	s6 =	simm.s32 @!p1 $0x1082;
	[sflag:s4] =	ssyncset.s32 $0xFFFFF086  }
0x25: {  	[simem:s6], [sflag:s4] =	dma.local [hbm:s3], $0xF7A  }
0x26: {  	[smem:$0x3F82] =	sst s1;
	(tag) =	ssettag s2;
	_ =	strace s9  }
0x27: {  	s1 =	sld [smem:$0x3F92]  }
0x28: {  	s2 =	sld [smem:$0x3F93]  }
0x29: {  	s4 =	sld [smem:$0x3F95]  }
0x2a: {  	p0 =	seq.s32 s5, $0x0;
	s5 =	sld [smem:$0x3F96]  }
0x2b: {  	s6 =	sld [smem:$0x3F97]  }
0x2c: {  	s7 =	sld [smem:$0x3F98]  }
0x2d: {  	s3 =	simm.s32 $0x108;
	s8 =	sld [smem:$0x3F99]  }
0x2e: {  	s3 =	simm.s32 @!p0 $0x1082;
	s9 =	sld [smem:$0x3F9A]  }
0x2f: {  	lr =	sadd.s32 s0, s3;
	s0 =	sld [smem:$0x3F91]  }
0x30: {  	s3 =	sld [smem:$0x3F94]  }
0x31: {  	[smem:$0x3F9D] =	sst s10  }
0x32: {  	s10 =	sld [smem:$0x3F9B];
	_ =	sdelay $0x3  }
0x33: {  	p0 =	seq.s32 s10, $0x1;
	s10 =	sld [smem:$0x3F9D];
	_ =	sdelay $0x3  }
0x34: {  	[smem:$0x3F9D] =	sst s10  }
0x35: {  	s10 =	sld [smem:$0x3F9C];
	_ =	sdelay $0x3  }
0x36: {  	p1 =	seq.s32 s10, $0x1;
	s10 =	sld [smem:$0x3F9D];
	_ =	sdelay $0x3  }
0x37: {  	[smem:$0x3F9D] =	sst s10  }
0x38: {  	s10 =	sld [smem:$0x3F9E]  }
0x39: {  	_ = 	snop;
	(pc) =	sbr.ind lr, $3  }
0x3a: {  	_ = 	snop  }
0x3b: {  	_ = 	snop  }
0x3c: {  	p2 =	seq.s32 s10, $0x1;
	s10 =	sld [smem:$0x3F9D]  }
0x3d: {  	_ =	shalt  }
0x3e: {  	_ =	shalt  }
0x3f: {  	_ =	shalt  }
0x40: {  	_ =	shalt  }
0x41: {  	_ =	shalt  }
0x42: {  	_ =	shalt  }
0x43: {  	_ =	shalt  }
0x44: {  	_ =	shalt  }
0x45: {  	_ =	shalt  }
0x46: {  	_ =	shalt  }
0x47: {  	_ =	shalt  }
0x48: {  	_ =	shalt  }
0x49: {  	_ =	shalt  }
0x4a: {  	_ =	shalt  }
0x4b: {  	_ =	shalt  }
0x4c: {  	_ =	shalt  }
0x4d: {  	_ =	shalt  }
0x4e: {  	_ =	shalt  }
0x4f: {  	_ =	shalt  }
0x50: {  	_ =	shalt  }
0x51: {  	_ =	shalt  }
0x52: {  	_ =	shalt  }
0x53: {  	_ =	shalt  }
0x54: {  	_ =	shalt  }
0x55: {  	_ =	shalt  }
0x56: {  	_ =	shalt  }
0x57: {  	_ =	shalt  }
0x58: {  	_ =	shalt  }
0x59: {  	_ =	shalt  }
0x5a: {  	_ =	shalt  }
0x5b: {  	_ =	shalt  }
0x5c: {  	_ =	shalt  }
0x5d: {  	_ =	shalt  }
0x5e: {  	_ =	shalt  }
0x5f: {  	_ =	shalt  }
0x60: {  	_ =	shalt  }
0x61: {  	_ =	shalt  }
0x62: {  	_ =	shalt  }
0x63: {  	_ =	shalt  }
0x64: {  	_ =	shalt  }
0x65: {  	_ =	shalt  }
0x66: {  	_ =	shalt  }
0x67: {  	_ =	shalt  }
0x68: {  	_ =	shalt  }
0x69: {  	_ =	shalt  }
0x6a: {  	_ =	shalt  }
0x6b: {  	_ =	shalt  }
0x6c: {  	_ =	shalt  }
0x6d: {  	_ =	shalt  }
0x6e: {  	_ =	shalt  }
0x6f: {  	_ =	shalt  }
0x70: {  	_ =	shalt  }
0x71: {  	_ =	shalt  }
0x72: {  	_ =	shalt  }
0x73: {  	_ =	shalt  }
0x74: {  	_ =	shalt  }
0x75: {  	_ =	shalt  }
0x76: {  	_ =	shalt  }
0x77: {  	_ =	shalt  }
0x78: {  	_ =	shalt  }
0x79: {  	_ =	shalt  }
0x7a: {  	_ =	shalt  }
0x7b: {  	_ =	shalt  }
0x7c: {  	_ =	shalt  }
0x7d: {  	_ =	shalt  }
0x7e: {  	_ =	shalt  }
0x7f: {  	_ =	shalt  }
0x80: {  	_ =	shalt  }
0x81: {  	_ =	shalt  }
0x82: {  	_ =	shalt  }
0x83: {  	_ =	shalt  }
0x84: {  	_ =	shalt  }
0x85: {  	_ =	shalt  }
0x86: {  	_ =	shalt  }
0x87: {  	_ =	shalt  }
.Lfunc_end0:
.L_simem_size_0:
called_computation.2_lowered:
.L_overlay_start_0:
0x88: {  	s2 =	sld [smem:$0x3FD9]  }
0x89: {  	s3 =	sld [smem:$0x3FFE];
	_ =	sdelay $0x1  }
0x8a: {  	s1 =	srdreg.scid  }
0x8b: {  	s0 =	sand.u32 $0x1, s1  }
0x8c: {  	s16 =	sshll.u32 s0, $0xA;
	s2 =	sadd.s32 s3, s2  }
0x8d: {  	s2 =	sadd.s32 s2, s16  }
0x8e: {  	[smem:$0x3FA9] =	sst s2  }
0x8f: {  	_ = 	snop  }
0x90: {  	(tm) =	ssettm $0x1  }
0x91: {  	s17 =	sld [smem:$0x3FFB];
	_ =	sdelay $0x3  }
0x92: {  	_ =	strace s17  }
0x93: {  	s2 =	sld [smem:$0x3FFC];
	_ =	sdelay $0x3  }
0x94: {  	_ =	strace s2  }
0x95: {  	s2 =	sld [smem:$0x3FFD];
	_ =	sdelay $0x3  }
0x96: {  	_ =	strace s2  }
0x97: {  	_ =	strace $0x8FFFFFFF  }
0x98: {  	s18 =	sld [smem:$0x3FDB];
	_ =	sdelay $0x1  }
0x99: {  	s19 =	simm.s32 $_scs_section_size  }
0x9a: {  	s4 =	simm.s32 $_size__tile_overlayer_lowered;
	s5 =	simm.s32 $_tile_overlayer_lowered  }
0x9b: {  	s22 =	simm.s32 $0x1BFF;
	s21 =	sshll.u32 s5, $0x1;
	s2 =	sadd.s32 s19, s18  }
0x9c: {  	s6 =	simm.s32 $0x0;
	s20 =	sshll.u32 s4, $0x1;
	s4 =	sadd.s32 s21, s2  }
0x9d: {  	[timem:s6], [sflag:s22] =	dma.local [hbm:s4], s20  }
0x9e: {  	_ =	swait.ge [sflag:s22], s20  }
0x9f: {  	s3 =	ssub.s32 $0x0, s20;
	[sflag:s22] =	ssyncset.done $0x0  }
0xa0: {  	[sflag:s22] =	ssyncadd.s32 s3;
	_ =	sdelay $0x1  }
0xa1: {  	s23 =	simm.s32 $0x1B8B  }
0xa2: {  	_ =	swait.ge [sflag:s23], $0x1  }
0xa3: {  	[sflag:s23] =	ssyncset.done $0x0  }
0xa4: {  	s25 =	simm.s32 $0x1B8E;
	s24 =	sld [smem:$0x3FFE];
	[sflag:s23] =	ssyncadd.s32 $0xFFFFFFFF  }
0xa5: {  	s26 =	simm.s32 $execute0_lowered;
	[smem:$0x3FD2] =	sst s25  }
0xa6: {  	s4 =	sshll.u32 s26, $0x1;
	_ =	strace $0x8000004C;
	[dreg:$0x1] =	wrdreg $0xFFFFFFFF  }
0xa7: {  	s28 =	simm.s32 $_size_execute0_lowered;
	s2 =	sadd.s32 s2, s4;
	[dreg:$0x0] =	wrdreg $0x0  }
0xa8: {  	s4 =	sshll.u32 s28, $0x1;
	[dreg:$0x2] =	wrdreg s2  }
0xa9: {  	[dreg:$0x3] =	wrdreg s4  }
0xaa: {  	[dreg:$0x4] =	wrdreg $0xC0  }
0xab: {  	_ =	task [dreg:s6], $0x5FFFF  }
0xac: {  	[dreg:$0x1] =	wrdreg $0xFFFFFFFF  }
0xad: {  	[dreg:$0x0] =	wrdreg $0x60  }
0xae: {  	[dreg:$0x2] =	wrdreg s24  }
0xaf: {  	[dreg:$0x3] =	wrdreg $0x9  }
0xb0: {  	_ =	task.clear_ibuf [dreg:s6], $0x4FFFF;
	_ =	strace $0x9000004C  }
0xb1: {  	s29 =	simm.s32 $0x9;
	_ =	strace $0x8000004E  }
0xb2: {  	_ =	swait.ge [sflag:s29], $0x1  }
0xb3: {  	[sflag:s29] =	ssyncadd.s32 $0xFFFFFFFF  }
0xb4: {  	_ =	strace $0x9000004E  }
0xb5: {  	_ =	sfence  }
0xb6: {  	s30 =	sld [smem:$0x0];
	_ =	sdelay $0x2  }
0xb7: {  	s31 =	sshll.u32 s1, $0xD;
	s1 =	sshrl.u32 s1, $0x2  }
0xb8: {  	s3 =	sand.u32 $0x4000, s31;
	s1 =	sadd.s32 s1, s30  }
0xb9: {  	s0 =	sor.u32 s3, s0;
	s1 =	sshll.u32 s1, $0x11  }
0xba: {  	s0 =	sor.u32 s1, s0  }
0xbb: {  	s0 =	sadd.s32 $0x8F2B, s0  }
0xbc: {  	[sflag:s0] =	ssyncadd.remote.s32 $0x1  }
0xbd: {  	_ =	sfence.sel $0xFFFF  }
0xbe: {  	[dreg:$0x0] =	wrdreg $0xFFFFFFFF;
	(pc) =	sbr.abs _section_cstart, $3  }
0xbf: {  	[dreg:$0x1] =	wrdreg $0xFFFFFFFF  }
0xc0: {  	_ =	task.clear_ibuf [dreg:s6], $0x2FFFF;
	_ =	strace $0x9FFFFFFF  }
0xc1: {  	(tm) =	ssettm $0x7FFFFFFF  }
tec
execute0_lowered:
.L_overlay_start_1:
0x0: {  	(tag) =	ssettag $0x1  }
0x1: {  	s1 =	srdreg.scid  }
0x2: {  	s0 =	stileid.u32;
	s4 =	rddreg [dreg:$0x0]  }
0x3: {  	s2 =	simm.s32 $0x0;
	s10 =	simm.s32 $0x2800;
	s11 =	simm.s32 $0x80  }
0x4: {  	s12 =	simm.s32 $0x5000;
	s13 =	simm.s32 $0x9000;
	s14 =	simm.s32 $0x1  }
0x5: {  	s15 =	simm.s32 $0x2;
	s16 =	simm.s32 $0x0;
	s5 =	sand.u32 $0x1, s1  }
0x6: {  	s3 =	sshll.u32 s0, $0x1;
	[smem:$0x7FF] =	sst s2;
	s7 =	smul.u32 $0x4F000, s0  }
0x7: {  	s3 =	sor.u32 s5, s3;
	s8 =	ssub.s32 $0x2, s5;
	s5 =	smul.u32 $0x27800, s5  }
0x8: {  	s1 =	rddreg [dreg:$0x1];
	_ =	strace $0x8000004D;
	s6 =	smul.u32 $0x500, s3  }
0x9: {  	s3 =	sadd.s32 $0xA57000, s4;
	s7 =	sadd.s32 s7, s4;
	s31 =	sshrl.u32 s8, $0x1  }
0xa: {  	s8 =	ssub.s32 s8, s31;
	s9 =	sadd.s32 s5, s7;
	s6 =	sadd.s32 s6, s4  }
0xb: {  	s7 =	sadd.s32 $0x1F400, s9;
	s4 =	sadd.s32 $0xB400, s6;
	s5 =	sadd.s32 $0x15400, s6  }
0xc: {  	s6 =	smax.u32 s8, $0x1;
	s8 =	sadd.s32 $0x50F400, s9;
	s9 =	simm.s32 $0x3  }
.LBB2_1:
0xd: {  	[tilespmem:s2], [sflag:$0x3] =	stream.linear.gather [hbm4b:s4+s2], $0x2780, $0x38;
	[tilespmem:$0xD000] =	vst v63  }
0xe: {  	_ =	swait.ge [sflag:s9], $0x2780  }
0xf: {  	[sflag:s9] =	ssyncset.done $0x0  }
0x10: {  	[sflag:s9] =	ssyncadd.s32 $0xFFFFD880  }
0x11: {  	[tilespmem:s10], [sflag:$0x3] =	stream.linear.gather [hbm4b:s5+s2], $0x2780, $0x38;
	[tilespmem:$0xD000] =	vst v63  }
0x12: {  	_ =	swait.ge [sflag:s9], $0x2780  }
0x13: {  	[sflag:s9] =	ssyncset.done $0x0  }
0x14: {  	s17 =	simm.s32 $0x0;
	[sflag:s9] =	ssyncadd.s32 $0xFFFFD880  }
0x15: {  	[tilespmem:s12], [sflag:$0x1] =	stream.indirect.gather [hbm4b:s3+s11], $0x80, s17, s11, $0xb8;
	[tilespmem:$0xD000] =	vst v63  }
0x16: {  	s31 =	simm.s32 $0x2800  }
0x17: {  	[tilespmem:s13], [sflag:$0x2] =	stream.indirect.gather [hbm4b:s3+s11], $0x80, s31, s11, $0xb8;
	[tilespmem:$0xD000] =	vst v63  }
0x18: {  	_ =	swait.ge [sflag:s14], $0x4000  }
0x19: {  	[sflag:s14] =	ssyncset.done $0x0  }
0x1a: {  	[sflag:s14] =	ssyncadd.s32 $0xFFFFC000  }
0x1b: {  	[hbm4b:s7+s2] =	stream.linear.scatter [tilespmem:s12], [sflag:$0x3], $0x4000, $0x38;
	[tilespmem:$0xD000] =	vst v63  }
0x1c: {  	_ =	swait.ge [sflag:s9], $0x4000  }
0x1d: {  	[sflag:s9] =	ssyncset.done $0x0  }
0x1e: {  	[sflag:s9] =	ssyncadd.s32 $0xFFFFC000  }
0x1f: {  	_ =	swait.ge [sflag:s15], $0x4000  }
0x20: {  	[sflag:s15] =	ssyncset.done $0x0  }
0x21: {  	[sflag:s15] =	ssyncadd.s32 $0xFFFFC000  }
0x22: {  	[hbm4b:s8+s2] =	stream.linear.scatter [tilespmem:s13], [sflag:$0x3], $0x4000, $0x38;
	[tilespmem:$0xD000] =	vst v63  }
0x23: {  	s19 =	simm.s32 $0x200;
	s20 =	simm.s32 $0x400;
	_ =	swait.ge [sflag:s9], $0x4000  }
0x24: {  	s18 =	sadd.s32 $0x800, s7;
	s17 =	sadd.s32 $0x800, s8;
	[sflag:s9] =	ssyncset.done $0x0  }
.LBB2_2:
0x25: {  	s21 =	sshra.s32 s19, $0x2  }
0x26: {  	[sflag:s9] =	ssyncadd.s32 $0xFFFFC000;
	s19 =	smov.u32 s20;
	s22 =	sadd.s32 $0x200, s20  }
0x27: {  	[tilespmem:s12], [sflag:$0x1] =	stream.indirect.gather [hbm4b:s3+s11], $0x80, s21, s11, $0xb8;
	[tilespmem:$0xD000] =	vst v63  }
0x28: {  	p0 =	sne.s32 s20, $0x9C00;
	s20 =	sadd.s32 $0x2800, s21  }
0x29: {  	[tilespmem:s13], [sflag:$0x2] =	stream.indirect.gather [hbm4b:s3+s11], $0x80, s20, s11, $0xb8;
	[tilespmem:$0xD000] =	vst v63  }
0x2a: {  	_ =	swait.ge [sflag:s14], $0x4000  }
0x2b: {  	[sflag:s14] =	ssyncset.done $0x0  }
0x2c: {  	[sflag:s14] =	ssyncadd.s32 $0xFFFFC000  }
0x2d: {  	[hbm4b:s18+s2] =	stream.linear.scatter [tilespmem:s12], [sflag:$0x3], $0x4000, $0x38;
	[tilespmem:$0xD000] =	vst v63  }
0x2e: {  	_ =	swait.ge [sflag:s9], $0x4000  }
0x2f: {  	[sflag:s9] =	ssyncset.done $0x0  }
0x30: {  	[sflag:s9] =	ssyncadd.s32 $0xFFFFC000  }
0x31: {  	_ =	swait.ge [sflag:s15], $0x4000  }
.Ltmp0:
0x32: {  	[sflag:s15] =	ssyncset.done $0x0;
	(pc) =	sbr.rel @p0 .LBB2_2-.Ltmp0, $4  }
0x33: {  	[sflag:s15] =	ssyncadd.s32 $0xFFFFC000  }
0x34: {  	[hbm4b:s17+s2] =	stream.linear.scatter [tilespmem:s13], [sflag:$0x3], $0x4000, $0x38;
	[tilespmem:$0xD000] =	vst v63  }
0x35: {  	s20 =	smov.u32 s22;
	_ =	swait.ge [sflag:s9], $0x4000  }
0x36: {  	s18 =	sadd.s32 $0x800, s18;
	s17 =	sadd.s32 $0x800, s17;
	[sflag:s9] =	ssyncset.done $0x0  }
0x37: {  	s19 =	sshra.s32 s19, $0x2;
	[sflag:s9] =	ssyncadd.s32 $0xFFFFC000  }
0x38: {  	[tilespmem:s12], [sflag:$0x1] =	stream.indirect.gather [hbm4b:s3+s11], $0x80, s19, s11, $0xb8;
	[tilespmem:$0xD000] =	vst v63  }
0x39: {  	s19 =	sadd.s32 $0x2800, s19  }
0x3a: {  	[tilespmem:s13], [sflag:$0x2] =	stream.indirect.gather [hbm4b:s3+s11], $0x80, s19, s11, $0xb8;
	[tilespmem:$0xD000] =	vst v63  }
0x3b: {  	_ =	swait.ge [sflag:s14], $0x4000  }
0x3c: {  	[sflag:s14] =	ssyncset.done $0x0  }
0x3d: {  	[sflag:s14] =	ssyncadd.s32 $0xFFFFC000  }
0x3e: {  	[hbm4b:s18+s2] =	stream.linear.scatter [tilespmem:s12], [sflag:$0x3], $0x4000, $0x38;
	[tilespmem:$0xD000] =	vst v63  }
0x3f: {  	_ =	swait.ge [sflag:s9], $0x4000  }
0x40: {  	[sflag:s9] =	ssyncset.done $0x0  }
0x41: {  	[sflag:s9] =	ssyncadd.s32 $0xFFFFC000  }
0x42: {  	s16 =	sadd.s32 $0x1, s16;
	_ =	swait.ge [sflag:s15], $0x4000  }
0x43: {  	p0 =	sne.s32 s16, s6;
	[sflag:s15] =	ssyncset.done $0x0  }
.Ltmp1:
0x44: {  	[sflag:s15] =	ssyncadd.s32 $0xFFFFC000;
	(pc) =	sbr.rel @p0 .LBB2_1-.Ltmp1, $4  }
0x45: {  	[hbm4b:s17+s2] =	stream.linear.scatter [tilespmem:s13], [sflag:$0x3], $0x4000, $0x38;
	[tilespmem:$0xD000] =	vst v63  }
0x46: {  	_ =	swait.ge [sflag:s9], $0x4000  }
0x47: {  	[sflag:s9] =	ssyncset.done $0x0  }
0x48: {  	[sflag:s9] =	ssyncadd.s32 $0xFFFFC000  }
0x49: {  	_ =	sfence.sel $0x180000  }
0x4a: {  	[bflag:$0x0] =	sbarrier.arrive $0xFFFF  }
0x4b: {  	p0 =	sne.s32 s0, $0x0;
	_ =	strace $0x9000004D  }
0x4c: {  	s0 =	sadd.s32 @!p0 $0x100000, s1;
	[bflag:$0x2] =	sbarrier.arrive $0xFFFF  }
0x4d: {  	[sflag:s0] =	ssyncadd.tile.s32 @!p0 $0x1;
	_ =	shalt  }
.Lfunc_end2:
_tile_overlayer_lowered:
.L_overlay_start_2:
0x4e: {  	(tag) =	ssettag $0x2  }
0x4f: {  	s0 =	rddreg [dreg:$0x0];
	s2 =	stileid.u32  }
0x50: {  	s1 =	rddreg [dreg:$0x1];
	p0 =	sne.s32 s2, $0x0  }
0x51: {  	s3 =	rddreg [dreg:$0x2];
	[bflag:$0x3] =	sbarrier.arrive $0xFFFF;
	s2 =	simm.s32 @!p0 $0x1C03  }
0x52: {  	[timem:s3], [sflag:s2] =	dma.local @!p0 [hbm:s0], s1  }
0x53: {  	s0 =	simm.s32 @!p0 $0x3  }
0x54: {  	_ =	swait.ge @!p0 [sflag:s0], s1  }
0x55: {  	s1 =	ssub.s32 @!p0 $0x0, s1;
	[sflag:s0] =	ssyncset.done @!p0 $0x0  }
0x56: {  	[sflag:s0] =	ssyncadd.s32 @!p0 s1  }
0x57: {  	[bflag:$0x3] =	sbarrier.arrive $0xFFFF  }
0x58: {  	_ =	shalt  }

// kernel: kernel.32.cloned.1.call-start
scs
__scs_entry_jumppad:
0x0: {  	(pc) =	sbr.rel $0x88, $3  }
0x1: {  	(tag) =	ssettag $0x0;
	lr =	simm.s32 $0x1  }
0x2: {  	[smem:$0x3F82] =	sst lr;
	_ =	strace $0xD0000000  }
0x3: {  	_ = 	snop  }
0x4: {  	_ = 	snop  }
0x5: {  	_ = 	snop  }
0x6: {  	_ = 	snop  }
0x7: {  	_ = 	snop  }
__scs_overlays_trampoline_lowered:
0x8: {  	[smem:$0x3F91] =	sst s0  }
0x9: {  	[smem:$0x3F92] =	sst s1  }
0xa: {  	[smem:$0x3F93] =	sst s2  }
0xb: {  	[smem:$0x3F94] =	sst s3  }
0xc: {  	[smem:$0x3F95] =	sst s4  }
0xd: {  	[smem:$0x3F96] =	sst s5  }
0xe: {  	[smem:$0x3F97] =	sst s6  }
0xf: {  	[smem:$0x3F98] =	sst s7  }
0x10: {  	[smem:$0x3F99] =	sst s8  }
0x11: {  	[smem:$0x3F9A] =	sst s9;
	s0 =	simm.s32 @!p0 $0x0  }
0x12: {  	s1 =	sld [smem:$0x3F80];
	s0 =	simm.s32 @p0 $0x1  }
0x13: {  	[smem:$0x3F9B] =	sst s0;
	s0 =	simm.s32 @!p1 $0x0  }
0x14: {  	s2 =	sld [smem:$0x3F7F];
	s0 =	simm.s32 @p1 $0x1  }
0x15: {  	[smem:$0x3F9C] =	sst s0;
	s0 =	simm.s32 @!p2 $0x0  }
0x16: {  	s3 =	sld [smem:$0x3FDB];
	s0 =	simm.s32 @p2 $0x1  }
0x17: {  	s4 =	simm.s32 $0x1BF5;
	[smem:$0x3F9E] =	sst s0  }
0x18: {  	s0 =	sld [smem:$0x3F81];
	_ =	swait.ge [sflag:s4], $0x0  }
0x19: {  	s7 =	sld [smem:$0x3F82]  }
0x1a: {  	s8 =	sadd.s32 $0xFFFFE003, lr  }
0x1b: {  	s9 =	sadd.s32 $0xFFFFFEF7, lr;
	s5 =	simm.s32 $0xFFFFFFFF;
	p2 =	slt.u32 s8, $0xFFFFF086  }
0x1c: {  	p1 =	slt.u32 s9, $0xF7A;
	s5 =	simm.s32 @!p2 $0x0  }
0x1d: {  	s5 =	simm.s32 @p1 $0x1;
	p0 =	seq.s32 s7, s2  }
0x1e: {  	s7 =	smul.u32 @!p0 $0xF7A, s2;
	p2 =	seq.s32 @!p0 s5, $0x0  }
0x1f: {  	s9 =	smul.u32 $0xF7A, s1;
	s8 =	simm.s32 @!p0 $0x1BF5;
	p2 =	por !p2, p0  }
0x20: {  	[sflag:s8] =	ssyncset.s32 @!p0 $0xFFFFF086;
	s6 =	sadd.s32 @!p0 s3, s7;
	s7 =	simm.s32 @!p0 $0x108  }
0x21: {  	s3 =	sadd.s32 s3, s9;
	s6 =	sadd.s32 @!p0 $0x88, s6;
	s7 =	simm.s32 @p2 $0x1082  }
0x22: {  	[simem:s7], [sflag:s8] =	dma.local @!p0 [hbm:s6], $0xF7A  }
0x23: {  	s9 =	sor.u32 $0xD0000000, s2;
	s6 =	simm.s32 $0x108;
	_ =	swait.ge @!p0 [sflag:s8], $0x0  }
0x24: {  	s3 =	sadd.s32 $0x88, s3;
	s6 =	simm.s32 @!p1 $0x1082;
	[sflag:s4] =	ssyncset.s32 $0xFFFFF086  }
0x25: {  	[simem:s6], [sflag:s4] =	dma.local [hbm:s3], $0xF7A  }
0x26: {  	[smem:$0x3F82] =	sst s1;
	(tag) =	ssettag s2;
	_ =	strace s9  }
0x27: {  	s1 =	sld [smem:$0x3F92]  }
0x28: {  	s2 =	sld [smem:$0x3F93]  }
0x29: {  	s4 =	sld [smem:$0x3F95]  }
0x2a: {  	p0 =	seq.s32 s5, $0x0;
	s5 =	sld [smem:$0x3F96]  }
0x2b: {  	s6 =	sld [smem:$0x3F97]  }
0x2c: {  	s7 =	sld [smem:$0x3F98]  }
0x2d: {  	s3 =	simm.s32 $0x108;
	s8 =	sld [smem:$0x3F99]  }
0x2e: {  	s3 =	simm.s32 @!p0 $0x1082;
	s9 =	sld [smem:$0x3F9A]  }
0x2f: {  	lr =	sadd.s32 s0, s3;
	s0 =	sld [smem:$0x3F91]  }
0x30: {  	s3 =	sld [smem:$0x3F94]  }
0x31: {  	[smem:$0x3F9D] =	sst s10  }
0x32: {  	s10 =	sld [smem:$0x3F9B];
	_ =	sdelay $0x3  }
0x33: {  	p0 =	seq.s32 s10, $0x1;
	s10 =	sld [smem:$0x3F9D];
	_ =	sdelay $0x3  }
0x34: {  	[smem:$0x3F9D] =	sst s10  }
0x35: {  	s10 =	sld [smem:$0x3F9C];
	_ =	sdelay $0x3  }
0x36: {  	p1 =	seq.s32 s10, $0x1;
	s10 =	sld [smem:$0x3F9D];
	_ =	sdelay $0x3  }
0x37: {  	[smem:$0x3F9D] =	sst s10  }
0x38: {  	s10 =	sld [smem:$0x3F9E]  }
0x39: {  	_ = 	snop;
	(pc) =	sbr.ind lr, $3  }
0x3a: {  	_ = 	snop  }
0x3b: {  	_ = 	snop  }
0x3c: {  	p2 =	seq.s32 s10, $0x1;
	s10 =	sld [smem:$0x3F9D]  }
0x3d: {  	_ =	shalt  }
0x3e: {  	_ =	shalt  }
0x3f: {  	_ =	shalt  }
0x40: {  	_ =	shalt  }
0x41: {  	_ =	shalt  }
0x42: {  	_ =	shalt  }
0x43: {  	_ =	shalt  }
0x44: {  	_ =	shalt  }
0x45: {  	_ =	shalt  }
0x46: {  	_ =	shalt  }
0x47: {  	_ =	shalt  }
0x48: {  	_ =	shalt  }
0x49: {  	_ =	shalt  }
0x4a: {  	_ =	shalt  }
0x4b: {  	_ =	shalt  }
0x4c: {  	_ =	shalt  }
0x4d: {  	_ =	shalt  }
0x4e: {  	_ =	shalt  }
0x4f: {  	_ =	shalt  }
0x50: {  	_ =	shalt  }
0x51: {  	_ =	shalt  }
0x52: {  	_ =	shalt  }
0x53: {  	_ =	shalt  }
0x54: {  	_ =	shalt  }
0x55: {  	_ =	shalt  }
0x56: {  	_ =	shalt  }
0x57: {  	_ =	shalt  }
0x58: {  	_ =	shalt  }
0x59: {  	_ =	shalt  }
0x5a: {  	_ =	shalt  }
0x5b: {  	_ =	shalt  }
0x5c: {  	_ =	shalt  }
0x5d: {  	_ =	shalt  }
0x5e: {  	_ =	shalt  }
0x5f: {  	_ =	shalt  }
0x60: {  	_ =	shalt  }
0x61: {  	_ =	shalt  }
0x62: {  	_ =	shalt  }
0x63: {  	_ =	shalt  }
0x64: {  	_ =	shalt  }
0x65: {  	_ =	shalt  }
0x66: {  	_ =	shalt  }
0x67: {  	_ =	shalt  }
0x68: {  	_ =	shalt  }
0x69: {  	_ =	shalt  }
0x6a: {  	_ =	shalt  }
0x6b: {  	_ =	shalt  }
0x6c: {  	_ =	shalt  }
0x6d: {  	_ =	shalt  }
0x6e: {  	_ =	shalt  }
0x6f: {  	_ =	shalt  }
0x70: {  	_ =	shalt  }
0x71: {  	_ =	shalt  }
0x72: {  	_ =	shalt  }
0x73: {  	_ =	shalt  }
0x74: {  	_ =	shalt  }
0x75: {  	_ =	shalt  }
0x76: {  	_ =	shalt  }
0x77: {  	_ =	shalt  }
0x78: {  	_ =	shalt  }
0x79: {  	_ =	shalt  }
0x7a: {  	_ =	shalt  }
0x7b: {  	_ =	shalt  }
0x7c: {  	_ =	shalt  }
0x7d: {  	_ =	shalt  }
0x7e: {  	_ =	shalt  }
0x7f: {  	_ =	shalt  }
0x80: {  	_ =	shalt  }
0x81: {  	_ =	shalt  }
0x82: {  	_ =	shalt  }
0x83: {  	_ =	shalt  }
0x84: {  	_ =	shalt  }
0x85: {  	_ =	shalt  }
0x86: {  	_ =	shalt  }
0x87: {  	_ =	shalt  }
.Lfunc_end0:
.L_simem_size_0:
called_computation.3_lowered:
.L_overlay_start_0:
0x88: {  	s2 =	sld [smem:$0x3FD9]  }
0x89: {  	s3 =	sld [smem:$0x3FFE];
	_ =	sdelay $0x1  }
0x8a: {  	s1 =	srdreg.scid  }
0x8b: {  	s0 =	sand.u32 $0x1, s1  }
0x8c: {  	s16 =	sshll.u32 s0, $0xA;
	s2 =	sadd.s32 s3, s2  }
0x8d: {  	s2 =	sadd.s32 s2, s16  }
0x8e: {  	[smem:$0x3FA9] =	sst s2  }
0x8f: {  	_ = 	snop  }
0x90: {  	(tm) =	ssettm $0x1  }
0x91: {  	s17 =	sld [smem:$0x3FFB];
	_ =	sdelay $0x3  }
0x92: {  	_ =	strace s17  }
0x93: {  	s2 =	sld [smem:$0x3FFC];
	_ =	sdelay $0x3  }
0x94: {  	_ =	strace s2  }
0x95: {  	s2 =	sld [smem:$0x3FFD];
	_ =	sdelay $0x3  }
0x96: {  	_ =	strace s2  }
0x97: {  	_ =	strace $0x8FFFFFFF  }
0x98: {  	s18 =	sld [smem:$0x3FDB];
	_ =	sdelay $0x1  }
0x99: {  	s19 =	simm.s32 $_scs_section_size  }
0x9a: {  	s4 =	simm.s32 $_size__tile_overlayer_lowered;
	s5 =	simm.s32 $_tile_overlayer_lowered  }
0x9b: {  	s22 =	simm.s32 $0x1BFF;
	s21 =	sshll.u32 s5, $0x1;
	s2 =	sadd.s32 s19, s18  }
0x9c: {  	s6 =	simm.s32 $0x0;
	s20 =	sshll.u32 s4, $0x1;
	s4 =	sadd.s32 s21, s2  }
0x9d: {  	[timem:s6], [sflag:s22] =	dma.local [hbm:s4], s20  }
0x9e: {  	_ =	swait.ge [sflag:s22], s20  }
0x9f: {  	s3 =	ssub.s32 $0x0, s20;
	[sflag:s22] =	ssyncset.done $0x0  }
0xa0: {  	[sflag:s22] =	ssyncadd.s32 s3;
	_ =	sdelay $0x1  }
0xa1: {  	s23 =	simm.s32 $0x1B8B  }
0xa2: {  	_ =	swait.ge [sflag:s23], $0x1  }
0xa3: {  	[sflag:s23] =	ssyncset.done $0x0  }
0xa4: {  	s25 =	simm.s32 $0x1B8E;
	s24 =	sld [smem:$0x3FFE];
	[sflag:s23] =	ssyncadd.s32 $0xFFFFFFFF  }
0xa5: {  	s26 =	simm.s32 $execute0_lowered;
	[smem:$0x3FD2] =	sst s25  }
0xa6: {  	s4 =	sshll.u32 s26, $0x1;
	_ =	strace $0x8000004F;
	[dreg:$0x1] =	wrdreg $0xFFFFFFFF  }
0xa7: {  	s28 =	simm.s32 $_size_execute0_lowered;
	s2 =	sadd.s32 s2, s4;
	[dreg:$0x0] =	wrdreg $0x0  }
0xa8: {  	s4 =	sshll.u32 s28, $0x1;
	[dreg:$0x2] =	wrdreg s2  }
0xa9: {  	[dreg:$0x3] =	wrdreg s4  }
0xaa: {  	[dreg:$0x4] =	wrdreg $0xC0  }
0xab: {  	_ =	task [dreg:s6], $0x5FFFF  }
0xac: {  	[dreg:$0x1] =	wrdreg $0xFFFFFFFF  }
0xad: {  	[dreg:$0x0] =	wrdreg $0x60  }
0xae: {  	[dreg:$0x2] =	wrdreg s24  }
0xaf: {  	[dreg:$0x3] =	wrdreg $0x68000  }
0xb0: {  	[dreg:$0x4] =	wrdreg $0x9  }
0xb1: {  	_ =	task.clear_ibuf [dreg:s6], $0x5FFFF;
	_ =	strace $0x9000004F  }
0xb2: {  	s29 =	simm.s32 $0x9;
	_ =	strace $0x80000051  }
0xb3: {  	_ =	swait.ge [sflag:s29], $0x1  }
0xb4: {  	[sflag:s29] =	ssyncadd.s32 $0xFFFFFFFF  }
0xb5: {  	_ =	strace $0x90000051  }
0xb6: {  	_ =	sfence  }
0xb7: {  	s30 =	sld [smem:$0x0];
	_ =	sdelay $0x2  }
0xb8: {  	s31 =	sshll.u32 s1, $0xD;
	s1 =	sshrl.u32 s1, $0x2  }
0xb9: {  	s3 =	sand.u32 $0x4000, s31;
	s1 =	sadd.s32 s1, s30  }
0xba: {  	s0 =	sor.u32 s3, s0;
	s1 =	sshll.u32 s1, $0x11  }
0xbb: {  	s0 =	sor.u32 s1, s0  }
0xbc: {  	s0 =	sadd.s32 $0x8F2B, s0  }
0xbd: {  	[sflag:s0] =	ssyncadd.remote.s32 $0x1  }
0xbe: {  	_ =	sfence.sel $0xFFFF  }
0xbf: {  	[dreg:$0x0] =	wrdreg $0xFFFFFFFF;
	(pc) =	sbr.abs _section_cstart, $3  }
0xc0: {  	[dreg:$0x1] =	wrdreg $0xFFFFFFFF  }
0xc1: {  	_ =	task.clear_ibuf [dreg:s6], $0x2FFFF;
	_ =	strace $0x9FFFFFFF  }
0xc2: {  	(tm) =	ssettm $0x7FFFFFFF  }
0xc3: {  	_ =	shalt  }
tec
execute0_lowered:
.L_overlay_start_1:
0x0: {  	(tag) =	ssettag $0x1  }
0x1: {  	s4 =	rddreg [dreg:$0x0]  }
0x2: {  	s1 =	rddreg [dreg:$0x1];
	s14 =	stileid.u32  }
0x3: {  	s2 =	srdreg.scid;
	s0 =	rddreg [dreg:$0x2];
	s16 =	simm.s32 $0x0  }
0x4: {  	s5 =	sand.u32 $0x1, s2;
	s3 =	sshll.u32 s14, $0x1;
	s6 =	smul.u32 $0x4F000, s14  }
0x5: {  	s2 =	simm.s32 $0x0;
	s10 =	smul.u32 $0x13800, s14;
	s11 =	sadd.s32 $0xAA5A00, s4  }
0x6: {  	s12 =	smul.u32 $0x4E000, s14;
	s13 =	sadd.s32 $0x124800, s1;
	p0 =	sne.s32 s14, $0x0  }
0x7: {  	p1 =	seq.s32 s14, $0xF;
	s3 =	sor.u32 s5, s3;
	s25 =	smul.u32 $0x138800, s5  }
0x8: {  	[smem:$0x7FF] =	sst s2;
	s9 =	ssub.s32 $0x2, s5;
	s30 =	smul.u32 $0x27800, s5  }
0x9: {  	s13 =	sshrl.u32 @p1 s13, $0x3;
	s14 =	sshll.u32 @!p1 s14, $0x6;
	s3 =	smul.u32 $0x500, s3  }
0xa: {  	_ =	strace $0x80000050;
	s7 =	sadd.s32 s6, s4;
	s26 =	sshrl.u32 s9, $0x1  }
0xb: {  	s29 =	sshrl.u32 s12, $0x2;
	s12 =	simm.s32 $0x80;
	s14 =	sor.u32 @!p1 $0x1C01, s14  }
0xc: {  	s9 =	ssub.s32 s9, s26;
	s10 =	sadd.s32 s10, s25;
	s6 =	sshrl.u32 s25, $0x3  }
0xd: {  	s15 =	sadd.s32 s29, s1;
	s31 =	sadd.s32 s30, s7;
	s8 =	sadd.s32 s3, s4  }
0xe: {  	s3 =	sadd.s32 $0xA2FE00, s4;
	s28 =	sshrl.u32 s10, $0x3;
	s6 =	sadd.s32 s11, s6  }
0xf: {  	s7 =	smax.u32 s9, $0x1;
	s9 =	sshrl.u32 @!p0 s1, $0x3;
	s10 =	simm.s32 $0x1  }
0x10: {  	s15 =	sshrl.u32 @!p1 s15, $0x3;
	s4 =	sadd.s32 $0xB400, s8;
	s5 =	sadd.s32 s11, s28  }
0x11: {  	s6 =	sadd.s32 $0x24900, s6;
	s8 =	sadd.s32 $0x1406600, s31;
	s11 =	simm.s32 $0x2800  }
.LBB2_1:
0x12: {  	s17 =	simm.s32 @!p0 $0x1C01  }
0x13: {  	[spmem:s9], [sflag:s17] =	dma.local @!p0 [hbm:s3], $0x27100  }
0x14: {  	s17 =	simm.s32 @!p0 $0x1  }
0x15: {  	_ =	swait.ge @!p0 [sflag:s17], $0x27100  }
0x16: {  	[sflag:s17] =	ssyncset.done @!p0 $0x0  }
0x17: {  	[sflag:s17] =	ssyncadd.s32 @!p0 $0xFFFD8F00  }
0x18: {  	[bflag:$0x0] =	sbarrier.arrive $0xFFFF  }
0x19: {  	[tilespmem:s2], [sflag:$0x1] =	stream.linear.gather [hbm4b:s4+s2], $0x2780, $0x38;
	[tilespmem:$0x1A080] =	vst v63  }
0x1a: {  	_ =	swait.ge [sflag:s10], $0x2780  }
0x1b: {  	[sflag:s10] =	ssyncset.done $0x0  }
0x1c: {  	[sflag:s10] =	ssyncadd.s32 $0xFFFFD880  }
0x1d: {  	[tilespmem:s11], [sflag:$0x1] =	stream.linear.gather [hbm4b:s8+s2], $0x4000, $0x38;
	[tilespmem:$0x1A080] =	vst v63  }
0x1e: {  	_ =	swait.ge [sflag:s10], $0x4000  }
0x1f: {  	[sflag:s10] =	ssyncset.done $0x0  }
0x20: {  	s31 =	simm.s32 $0x0;
	[sflag:s10] =	ssyncadd.s32 $0xFFFFC000  }
0x21: {  	[spmem:s1] =	stream.indirect.scatter.add.f32 [tilespmem:s11], [sflag:$0x1], $0x80, s31, s12, $0xb8;
	[tilespmem:$0x1A080] =	vst v63  }
0x22: {  	_ =	swait.ge [sflag:s10], $0x4000  }
0x23: {  	s18 =	smov.u32 s8;
	s17 =	simm.s32 $0x200;
	[sflag:s10] =	ssyncset.done $0x0  }
.LBB2_2:
0x24: {  	p2 =	sne.s32 s17, $0x9C00;
	[sflag:s10] =	ssyncadd.s32 $0xFFFFC000;
	s18 =	sadd.s32 $0x800, s18  }
0x25: {  	[tilespmem:s11], [sflag:$0x1] =	stream.linear.gather [hbm4b:s18+s2], $0x4000, $0x38;
	[tilespmem:$0x1A080] =	vst v63  }
0x26: {  	s19 =	smov.u32 s17;
	s17 =	sadd.s32 $0x200, s17;
	_ =	swait.ge [sflag:s10], $0x4000  }
.Ltmp0:
0x27: {  	[sflag:s10] =	ssyncset.done $0x0;
	(pc) =	sbr.rel @p2 .LBB2_2-.Ltmp0, $4  }
0x28: {  	s19 =	sshra.s32 s19, $0x2;
	[sflag:s10] =	ssyncadd.s32 $0xFFFFC000  }
0x29: {  	[spmem:s1] =	stream.indirect.scatter.add.f32 [tilespmem:s11], [sflag:$0x1], $0x80, s19, s12, $0xb8;
	[tilespmem:$0x1A080] =	vst v63  }
0x2a: {  	_ =	swait.ge [sflag:s10], $0x4000  }
0x2b: {  	[sflag:s10] =	ssyncset.done $0x0  }
0x2c: {  	[sflag:s10] =	ssyncadd.s32 $0xFFFFC000  }
0x2d: {  	s17 =	simm.s32 @p1 $0x1FC1;
	[bflag:$0x0] =	sbarrier.arrive $0xFFFF  }
0x2e: {  	[hbm:s6], [sflag:s17] =	dma.local @p1 [spmem:s13], $0x2800  }
0x2f: {  	s17 =	simm.s32 @p1 $0x1  }
0x30: {  	s16 =	sadd.s32 $0x1, s16;
	_ =	swait.ge @p1 [sflag:s17], $0x2800  }
0x31: {  	p2 =	sne.s32 s16, s7;
	[sflag:s17] =	ssyncset.done @p1 $0x0  }
.Ltmp1:
0x32: {  	[sflag:s17] =	ssyncadd.s32 @p1 $0xFFFFD800;
	s17 =	simm.s32 @!p1 $0x1;
	(pc) =	sbr.rel @p2 .LBB2_1-.Ltmp1, $4  }
0x33: {  	[hbm:s5], [sflag:s14] =	dma.local @!p1 [spmem:s15], $0x2700  }
0x34: {  	_ =	swait.ge @!p1 [sflag:s17], $0x2700  }
0x35: {  	[sflag:s17] =	ssyncset.done @!p1 $0x0  }
0x36: {  	[sflag:s17] =	ssyncadd.s32 @!p1 $0xFFFFD900  }
0x37: {  	_ =	sfence.sel $0x180000  }
0x38: {  	[bflag:$0x0] =	sbarrier.arrive $0xFFFF  }
0x39: {  	_ =	strace $0x90000050  }
0x3a: {  	s0 =	sadd.s32 @!p0 $0x100000, s0;
	[bflag:$0x2] =	sbarrier.arrive $0xFFFF  }
0x3b: {  	[sflag:s0] =	ssyncadd.tile.s32 @!p0 $0x1;
	_ =	shalt  }
.Lfunc_end2:
_tile_overlayer_lowered:
.L_overlay_start_2:
0x3c: {  	(tag) =	ssettag $0x2  }
0x3d: {  	s0 =	rddreg [dreg:$0x0];
	s2 =	stileid.u32  }
0x3e: {  	s1 =	rddreg [dreg:$0x1];
	p0 =	sne.s32 s2, $0x0  }
0x3f: {  	s3 =	rddreg [dreg:$0x2];
	[bflag:$0x3] =	sbarrier.arrive $0xFFFF;
	s2 =	simm.s32 @!p0 $0x1C01  }
0x40: {  	[timem:s3], [sflag:s2] =	dma.local @!p0 [hbm:s0], s1  }
0x41: {  	s0 =	simm.s32 @!p0 $0x1  }
0x42: {  	_ =	swait.ge @!p0 [sflag:s0], s1  }
0x43: {  	s1 =	ssub.s32 @!p0 $0x0, s1;
	[sflag:s0] =	ssyncset.done @!p0 $0x0  }
0x44: {  	[sflag:s0] =	ssyncadd.s32 @!p0 s1  }
0x45: {  	[bflag:$0x3] =	sbarrier.arrive $0xFFFF  }
0x46: {  	_ =	shalt  }

// kernel: kernel.35.cloned.1.call-start
scs
__scs_entry_jumppad:
0x0: {  	(pc) =	sbr.rel $0x88, $3  }
0x1: {  	(tag) =	ssettag $0x0;
	lr =	simm.s32 $0x1  }
0x2: {  	[smem:$0x3F82] =	sst lr;
	_ =	strace $0xD0000000  }
0x3: {  	_ = 	snop  }
0x4: {  	_ = 	snop  }
0x5: {  	_ = 	snop  }
0x6: {  	_ = 	snop  }
0x7: {  	_ = 	snop  }
__scs_overlays_trampoline_lowered:
0x8: {  	[smem:$0x3F91] =	sst s0  }
0x9: {  	[smem:$0x3F92] =	sst s1  }
0xa: {  	[smem:$0x3F93] =	sst s2  }
0xb: {  	[smem:$0x3F94] =	sst s3  }
0xc: {  	[smem:$0x3F95] =	sst s4  }
0xd: {  	[smem:$0x3F96] =	sst s5  }
0xe: {  	[smem:$0x3F97] =	sst s6  }
0xf: {  	[smem:$0x3F98] =	sst s7  }
0x10: {  	[smem:$0x3F99] =	sst s8  }
0x11: {  	[smem:$0x3F9A] =	sst s9;
	s0 =	simm.s32 @!p0 $0x0  }
0x12: {  	s1 =	sld [smem:$0x3F80];
	s0 =	simm.s32 @p0 $0x1  }
0x13: {  	[smem:$0x3F9B] =	sst s0;
	s0 =	simm.s32 @!p1 $0x0  }
0x14: {  	s2 =	sld [smem:$0x3F7F];
	s0 =	simm.s32 @p1 $0x1  }
0x15: {  	[smem:$0x3F9C] =	sst s0;
	s0 =	simm.s32 @!p2 $0x0  }
0x16: {  	s3 =	sld [smem:$0x3FDB];
	s0 =	simm.s32 @p2 $0x1  }
0x17: {  	s4 =	simm.s32 $0x1BF5;
	[smem:$0x3F9E] =	sst s0  }
0x18: {  	s0 =	sld [smem:$0x3F81];
	_ =	swait.ge [sflag:s4], $0x0  }
0x19: {  	s7 =	sld [smem:$0x3F82]  }
0x1a: {  	s8 =	sadd.s32 $0xFFFFE003, lr  }
0x1b: {  	s9 =	sadd.s32 $0xFFFFFEF7, lr;
	s5 =	simm.s32 $0xFFFFFFFF;
	p2 =	slt.u32 s8, $0xFFFFF086  }
0x1c: {  	p1 =	slt.u32 s9, $0xF7A;
	s5 =	simm.s32 @!p2 $0x0  }
0x1d: {  	s5 =	simm.s32 @p1 $0x1;
	p0 =	seq.s32 s7, s2  }
0x1e: {  	s7 =	smul.u32 @!p0 $0xF7A, s2;
	p2 =	seq.s32 @!p0 s5, $0x0  }
0x1f: {  	s9 =	smul.u32 $0xF7A, s1;
	s8 =	simm.s32 @!p0 $0x1BF5;
	p2 =	por !p2, p0  }
0x20: {  	[sflag:s8] =	ssyncset.s32 @!p0 $0xFFFFF086;
	s6 =	sadd.s32 @!p0 s3, s7;
	s7 =	simm.s32 @!p0 $0x108  }
0x21: {  	s3 =	sadd.s32 s3, s9;
	s6 =	sadd.s32 @!p0 $0x88, s6;
	s7 =	simm.s32 @p2 $0x1082  }
0x22: {  	[simem:s7], [sflag:s8] =	dma.local @!p0 [hbm:s6], $0xF7A  }
0x23: {  	s9 =	sor.u32 $0xD0000000, s2;
	s6 =	simm.s32 $0x108;
	_ =	swait.ge @!p0 [sflag:s8], $0x0  }
0x24: {  	s3 =	sadd.s32 $0x88, s3;
	s6 =	simm.s32 @!p1 $0x1082;
	[sflag:s4] =	ssyncset.s32 $0xFFFFF086  }
0x25: {  	[simem:s6], [sflag:s4] =	dma.local [hbm:s3], $0xF7A  }
0x26: {  	[smem:$0x3F82] =	sst s1;
	(tag) =	ssettag s2;
	_ =	strace s9  }
0x27: {  	s1 =	sld [smem:$0x3F92]  }
0x28: {  	s2 =	sld [smem:$0x3F93]  }
0x29: {  	s4 =	sld [smem:$0x3F95]  }
0x2a: {  	p0 =	seq.s32 s5, $0x0;
	s5 =	sld [smem:$0x3F96]  }
0x2b: {  	s6 =	sld [smem:$0x3F97]  }
0x2c: {  	s7 =	sld [smem:$0x3F98]  }
0x2d: {  	s3 =	simm.s32 $0x108;
	s8 =	sld [smem:$0x3F99]  }
0x2e: {  	s3 =	simm.s32 @!p0 $0x1082;
	s9 =	sld [smem:$0x3F9A]  }
0x2f: {  	lr =	sadd.s32 s0, s3;
	s0 =	sld [smem:$0x3F91]  }
0x30: {  	s3 =	sld [smem:$0x3F94]  }
0x31: {  	[smem:$0x3F9D] =	sst s10  }
0x32: {  	s10 =	sld [smem:$0x3F9B];
	_ =	sdelay $0x3  }
0x33: {  	p0 =	seq.s32 s10, $0x1;
	s10 =	sld [smem:$0x3F9D];
	_ =	sdelay $0x3  }
0x34: {  	[smem:$0x3F9D] =	sst s10  }
0x35: {  	s10 =	sld [smem:$0x3F9C];
	_ =	sdelay $0x3  }
0x36: {  	p1 =	seq.s32 s10, $0x1;
	s10 =	sld [smem:$0x3F9D];
	_ =	sdelay $0x3  }
0x37: {  	[smem:$0x3F9D] =	sst s10  }
0x38: {  	s10 =	sld [smem:$0x3F9E]  }
0x39: {  	_ = 	snop;
	(pc) =	sbr.ind lr, $3  }
0x3a: {  	_ = 	snop  }
0x3b: {  	_ = 	snop  }
0x3c: {  	p2 =	seq.s32 s10, $0x1;
	s10 =	sld [smem:$0x3F9D]  }
0x3d: {  	_ =	shalt  }
0x3e: {  	_ =	shalt  }
0x3f: {  	_ =	shalt  }
0x40: {  	_ =	shalt  }
0x41: {  	_ =	shalt  }
0x42: {  	_ =	shalt  }
0x43: {  	_ =	shalt  }
0x44: {  	_ =	shalt  }
0x45: {  	_ =	shalt  }
0x46: {  	_ =	shalt  }
0x47: {  	_ =	shalt  }
0x48: {  	_ =	shalt  }
0x49: {  	_ =	shalt  }
0x4a: {  	_ =	shalt  }
0x4b: {  	_ =	shalt  }
0x4c: {  	_ =	shalt  }
0x4d: {  	_ =	shalt  }
0x4e: {  	_ =	shalt  }
0x4f: {  	_ =	shalt  }
0x50: {  	_ =	shalt  }
0x51: {  	_ =	shalt  }
0x52: {  	_ =	shalt  }
0x53: {  	_ =	shalt  }
0x54: {  	_ =	shalt  }
0x55: {  	_ =	shalt  }
0x56: {  	_ =	shalt  }
0x57: {  	_ =	shalt  }
0x58: {  	_ =	shalt  }
0x59: {  	_ =	shalt  }
0x5a: {  	_ =	shalt  }
0x5b: {  	_ =	shalt  }
0x5c: {  	_ =	shalt  }
0x5d: {  	_ =	shalt  }
0x5e: {  	_ =	shalt  }
0x5f: {  	_ =	shalt  }
0x60: {  	_ =	shalt  }
0x61: {  	_ =	shalt  }
0x62: {  	_ =	shalt  }
0x63: {  	_ =	shalt  }
0x64: {  	_ =	shalt  }
0x65: {  	_ =	shalt  }
0x66: {  	_ =	shalt  }
0x67: {  	_ =	shalt  }
0x68: {  	_ =	shalt  }
0x69: {  	_ =	shalt  }
0x6a: {  	_ =	shalt  }
0x6b: {  	_ =	shalt  }
0x6c: {  	_ =	shalt  }
0x6d: {  	_ =	shalt  }
0x6e: {  	_ =	shalt  }
0x6f: {  	_ =	shalt  }
0x70: {  	_ =	shalt  }
0x71: {  	_ =	shalt  }
0x72: {  	_ =	shalt  }
0x73: {  	_ =	shalt  }
0x74: {  	_ =	shalt  }
0x75: {  	_ =	shalt  }
0x76: {  	_ =	shalt  }
0x77: {  	_ =	shalt  }
0x78: {  	_ =	shalt  }
0x79: {  	_ =	shalt  }
0x7a: {  	_ =	shalt  }
0x7b: {  	_ =	shalt  }
0x7c: {  	_ =	shalt  }
0x7d: {  	_ =	shalt  }
0x7e: {  	_ =	shalt  }
0x7f: {  	_ =	shalt  }
0x80: {  	_ =	shalt  }
0x81: {  	_ =	shalt  }
0x82: {  	_ =	shalt  }
0x83: {  	_ =	shalt  }
0x84: {  	_ =	shalt  }
0x85: {  	_ =	shalt  }
0x86: {  	_ =	shalt  }
0x87: {  	_ =	shalt  }
.Lfunc_end0:
.L_simem_size_0:
called_computation.4_lowered:
.L_overlay_start_0:
0x88: {  	s2 =	sld [smem:$0x3FD9]  }
0x89: {  	s3 =	sld [smem:$0x3FFE];
	_ =	sdelay $0x1  }
0x8a: {  	s1 =	srdreg.scid  }
0x8b: {  	s0 =	sand.u32 $0x1, s1  }
0x8c: {  	s16 =	sshll.u32 s0, $0xA;
	s2 =	sadd.s32 s3, s2  }
0x8d: {  	s2 =	sadd.s32 s2, s16  }
0x8e: {  	[smem:$0x3FA9] =	sst s2  }
0x8f: {  	_ = 	snop  }
0x90: {  	(tm) =	ssettm $0x1  }
0x91: {  	s17 =	sld [smem:$0x3FFB];
	_ =	sdelay $0x3  }
0x92: {  	_ =	strace s17  }
0x93: {  	s2 =	sld [smem:$0x3FFC];
	_ =	sdelay $0x3  }
0x94: {  	_ =	strace s2  }
0x95: {  	s2 =	sld [smem:$0x3FFD];
	_ =	sdelay $0x3  }
0x96: {  	_ =	strace s2  }
0x97: {  	_ =	strace $0x8FFFFFFF  }
0x98: {  	s18 =	sld [smem:$0x3FDB];
	_ =	sdelay $0x1  }
0x99: {  	s19 =	simm.s32 $_scs_section_size  }
0x9a: {  	s4 =	simm.s32 $_size__tile_overlayer_lowered;
	s5 =	simm.s32 $_tile_overlayer_lowered  }
0x9b: {  	s22 =	simm.s32 $0x1BFF;
	s21 =	sshll.u32 s5, $0x1;
	s2 =	sadd.s32 s19, s18  }
0x9c: {  	s6 =	simm.s32 $0x0;
	s20 =	sshll.u32 s4, $0x1;
	s4 =	sadd.s32 s21, s2  }
0x9d: {  	[timem:s6], [sflag:s22] =	dma.local [hbm:s4], s20  }
0x9e: {  	_ =	swait.ge [sflag:s22], s20  }
0x9f: {  	s3 =	ssub.s32 $0x0, s20;
	[sflag:s22] =	ssyncset.done $0x0  }
0xa0: {  	[sflag:s22] =	ssyncadd.s32 s3;
	_ =	sdelay $0x1  }
0xa1: {  	s23 =	simm.s32 $0x1B8B  }
0xa2: {  	_ =	swait.ge [sflag:s23], $0x1  }
0xa3: {  	[sflag:s23] =	ssyncset.done $0x0  }
0xa4: {  	s25 =	simm.s32 $0x1B8E;
	s24 =	sld [smem:$0x3FFE];
	[sflag:s23] =	ssyncadd.s32 $0xFFFFFFFF  }
0xa5: {  	s26 =	simm.s32 $execute0_lowered;
	[smem:$0x3FD2] =	sst s25  }
0xa6: {  	s4 =	sshll.u32 s26, $0x1;
	_ =	strace $0x80000052;
	[dreg:$0x1] =	wrdreg $0xFFFFFFFF  }
0xa7: {  	s28 =	simm.s32 $_size_execute0_lowered;
	s2 =	sadd.s32 s2, s4;
	[dreg:$0x0] =	wrdreg $0x0  }
0xa8: {  	s4 =	sshll.u32 s28, $0x1;
	[dreg:$0x2] =	wrdreg s2  }
0xa9: {  	[dreg:$0x3] =	wrdreg s4  }
0xaa: {  	[dreg:$0x4] =	wrdreg $0xC0  }
0xab: {  	_ =	task [dreg:s6], $0x5FFFF  }
0xac: {  	[dreg:$0x1] =	wrdreg $0xFFFFFFFF  }
0xad: {  	[dreg:$0x0] =	wrdreg $0x60  }
0xae: {  	[dreg:$0x2] =	wrdreg s24  }
0xaf: {  	[dreg:$0x3] =	wrdreg $0x9  }
0xb0: {  	_ =	task.clear_ibuf [dreg:s6], $0x4FFFF;
	_ =	strace $0x90000052  }
0xb1: {  	s29 =	simm.s32 $0x9;
	_ =	strace $0x80000054  }
0xb2: {  	_ =	swait.ge [sflag:s29], $0x1  }
0xb3: {  	[sflag:s29] =	ssyncadd.s32 $0xFFFFFFFF  }
0xb4: {  	_ =	strace $0x90000054  }
0xb5: {  	_ =	sfence  }
0xb6: {  	s30 =	sld [smem:$0x0];
	_ =	sdelay $0x2  }
0xb7: {  	s31 =	sshll.u32 s1, $0xD;
	s1 =	sshrl.u32 s1, $0x2  }
0xb8: {  	s3 =	sand.u32 $0x4000, s31;
	s1 =	sadd.s32 s1, s30  }
0xb9: {  	s0 =	sor.u32 s3, s0;
	s1 =	sshll.u32 s1, $0x11  }
0xba: {  	s0 =	sor.u32 s1, s0  }
0xbb: {  	s0 =	sadd.s32 $0x8F2B, s0  }
0xbc: {  	[sflag:s0] =	ssyncadd.remote.s32 $0x1  }
0xbd: {  	_ =	sfence.sel $0xFFFF  }
0xbe: {  	[dreg:$0x0] =	wrdreg $0xFFFFFFFF;
	(pc) =	sbr.abs _section_cstart, $3  }
0xbf: {  	[dreg:$0x1] =	wrdreg $0xFFFFFFFF  }
0xc0: {  	_ =	task.clear_ibuf [dreg:s6], $0x2FFFF;
	_ =	strace $0x9FFFFFFF  }
0xc1: {  	(tm) =	ssettm $0x7FFFFFFF  }
tec
execute0_lowered:
.L_overlay_start_1:
0x0: {  	(tag) =	ssettag $0x1  }
0x1: {  	s1 =	srdreg.scid  }
0x2: {  	s0 =	stileid.u32;
	s4 =	rddreg [dreg:$0x0]  }
0x3: {  	s2 =	simm.s32 $0x0;
	s10 =	simm.s32 $0x2800;
	s11 =	simm.s32 $0x80  }
0x4: {  	s12 =	simm.s32 $0x5000;
	s13 =	simm.s32 $0x9000;
	s14 =	simm.s32 $0x1  }
0x5: {  	s15 =	simm.s32 $0x2;
	s16 =	simm.s32 $0x0;
	s5 =	sand.u32 $0x1, s1  }
0x6: {  	s3 =	sshll.u32 s0, $0x1;
	[smem:$0x7FF] =	sst s2;
	s7 =	smul.u32 $0x4F000, s0  }
0x7: {  	s3 =	sor.u32 s5, s3;
	s8 =	ssub.s32 $0x2, s5;
	s5 =	smul.u32 $0x27800, s5  }
0x8: {  	s1 =	rddreg [dreg:$0x1];
	_ =	strace $0x80000053;
	s6 =	smul.u32 $0x500, s3  }
0x9: {  	s3 =	sadd.s32 $0xA57000, s4;
	s7 =	sadd.s32 s7, s4;
	s31 =	sshrl.u32 s8, $0x1  }
0xa: {  	s8 =	ssub.s32 s8, s31;
	s9 =	sadd.s32 s5, s7;
	s6 =	sadd.s32 s6, s4  }
0xb: {  	s7 =	sadd.s32 $0x1F400, s9;
	s4 =	sadd.s32 $0xB400, s6;
	s5 =	sadd.s32 $0x15400, s6  }
0xc: {  	s6 =	smax.u32 s8, $0x1;
	s8 =	sadd.s32 $0x50F400, s9;
	s9 =	simm.s32 $0x3  }
.LBB2_1:
0xd: {  	[tilespmem:s2], [sflag:$0x3] =	stream.linear.gather [hbm4b:s4+s2], $0x2780, $0x38;
	[tilespmem:$0xD000] =	vst v63  }
0xe: {  	_ =	swait.ge [sflag:s9], $0x2780  }
0xf: {  	[sflag:s9] =	ssyncset.done $0x0  }
0x10: {  	[sflag:s9] =	ssyncadd.s32 $0xFFFFD880  }
0x11: {  	[tilespmem:s10], [sflag:$0x3] =	stream.linear.gather [hbm4b:s5+s2], $0x2780, $0x38;
	[tilespmem:$0xD000] =	vst v63  }
0x12: {  	_ =	swait.ge [sflag:s9], $0x2780  }
0x13: {  	[sflag:s9] =	ssyncset.done $0x0  }
0x14: {  	s17 =	simm.s32 $0x0;
	[sflag:s9] =	ssyncadd.s32 $0xFFFFD880  }
0x15: {  	[tilespmem:s12], [sflag:$0x1] =	stream.indirect.gather [hbm4b:s3+s11], $0x80, s17, s11, $0xb8;
	[tilespmem:$0xD000] =	vst v63  }
0x16: {  	s31 =	simm.s32 $0x2800  }
0x17: {  	[tilespmem:s13], [sflag:$0x2] =	stream.indirect.gather [hbm4b:s3+s11], $0x80, s31, s11, $0xb8;
	[tilespmem:$0xD000] =	vst v63  }
0x18: {  	_ =	swait.ge [sflag:s14], $0x4000  }
0x19: {  	[sflag:s14] =	ssyncset.done $0x0  }
0x1a: {  	[sflag:s14] =	ssyncadd.s32 $0xFFFFC000  }
0x1b: {  	[hbm4b:s7+s2] =	stream.linear.scatter [tilespmem:s12], [sflag:$0x3], $0x4000, $0x38;
	[tilespmem:$0xD000] =	vst v63  }
0x1c: {  	_ =	swait.ge [sflag:s9], $0x4000  }
0x1d: {  	[sflag:s9] =	ssyncset.done $0x0  }
0x1e: {  	[sflag:s9] =	ssyncadd.s32 $0xFFFFC000  }
0x1f: {  	_ =	swait.ge [sflag:s15], $0x4000  }
0x20: {  	[sflag:s15] =	ssyncset.done $0x0  }
0x21: {  	[sflag:s15] =	ssyncadd.s32 $0xFFFFC000  }
0x22: {  	[hbm4b:s8+s2] =	stream.linear.scatter [tilespmem:s13], [sflag:$0x3], $0x4000, $0x38;
	[tilespmem:$0xD000] =	vst v63  }
0x23: {  	s19 =	simm.s32 $0x200;
	s20 =	simm.s32 $0x400;
	_ =	swait.ge [sflag:s9], $0x4000  }
0x24: {  	s18 =	sadd.s32 $0x800, s7;
	s17 =	sadd.s32 $0x800, s8;
	[sflag:s9] =	ssyncset.done $0x0  }
.LBB2_2:
0x25: {  	s21 =	sshra.s32 s19, $0x2  }
0x26: {  	[sflag:s9] =	ssyncadd.s32 $0xFFFFC000;
	s19 =	smov.u32 s20;
	s22 =	sadd.s32 $0x200, s20  }
0x27: {  	[tilespmem:s12], [sflag:$0x1] =	stream.indirect.gather [hbm4b:s3+s11], $0x80, s21, s11, $0xb8;
	[tilespmem:$0xD000] =	vst v63  }
0x28: {  	p0 =	sne.s32 s20, $0x9C00;
	s20 =	sadd.s32 $0x2800, s21  }
0x29: {  	[tilespmem:s13], [sflag:$0x2] =	stream.indirect.gather [hbm4b:s3+s11], $0x80, s20, s11, $0xb8;
	[tilespmem:$0xD000] =	vst v63  }
0x2a: {  	_ =	swait.ge [sflag:s14], $0x4000  }
0x2b: {  	[sflag:s14] =	ssyncset.done $0x0  }
0x2c: {  	[sflag:s14] =	ssyncadd.s32 $0xFFFFC000  }
0x2d: {  	[hbm4b:s18+s2] =	stream.linear.scatter [tilespmem:s12], [sflag:$0x3], $0x4000, $0x38;
	[tilespmem:$0xD000] =	vst v63  }
0x2e: {  	_ =	swait.ge [sflag:s9], $0x4000  }
0x2f: {  	[sflag:s9] =	ssyncset.done $0x0  }
0x30: {  	[sflag:s9] =	ssyncadd.s32 $0xFFFFC000  }
0x31: {  	_ =	swait.ge [sflag:s15], $0x4000  }
.Ltmp0:
0x32: {  	[sflag:s15] =	ssyncset.done $0x0;
	(pc) =	sbr.rel @p0 .LBB2_2-.Ltmp0, $4  }
0x33: {  	[sflag:s15] =	ssyncadd.s32 $0xFFFFC000  }
0x34: {  	[hbm4b:s17+s2] =	stream.linear.scatter [tilespmem:s13], [sflag:$0x3], $0x4000, $0x38;
	[tilespmem:$0xD000] =	vst v63  }
0x35: {  	s20 =	smov.u32 s22;
	_ =	swait.ge [sflag:s9], $0x4000  }
0x36: {  	s18 =	sadd.s32 $0x800, s18;
	s17 =	sadd.s32 $0x800, s17;
	[sflag:s9] =	ssyncset.done $0x0  }
0x37: {  	s19 =	sshra.s32 s19, $0x2;
	[sflag:s9] =	ssyncadd.s32 $0xFFFFC000  }
0x38: {  	[tilespmem:s12], [sflag:$0x1] =	stream.indirect.gather [hbm4b:s3+s11], $0x80, s19, s11, $0xb8;
	[tilespmem:$0xD000] =	vst v63  }
0x39: {  	s19 =	sadd.s32 $0x2800, s19  }
0x3a: {  	[tilespmem:s13], [sflag:$0x2] =	stream.indirect.gather [hbm4b:s3+s11], $0x80, s19, s11, $0xb8;
	[tilespmem:$0xD000] =	vst v63  }
0x3b: {  	_ =	swait.ge [sflag:s14], $0x4000  }
0x3c: {  	[sflag:s14] =	ssyncset.done $0x0  }
0x3d: {  	[sflag:s14] =	ssyncadd.s32 $0xFFFFC000  }
0x3e: {  	[hbm4b:s18+s2] =	stream.linear.scatter [tilespmem:s12], [sflag:$0x3], $0x4000, $0x38;
	[tilespmem:$0xD000] =	vst v63  }
0x3f: {  	_ =	swait.ge [sflag:s9], $0x4000  }
0x40: {  	[sflag:s9] =	ssyncset.done $0x0  }
0x41: {  	[sflag:s9] =	ssyncadd.s32 $0xFFFFC000  }
0x42: {  	s16 =	sadd.s32 $0x1, s16;
	_ =	swait.ge [sflag:s15], $0x4000  }
0x43: {  	p0 =	sne.s32 s16, s6;
	[sflag:s15] =	ssyncset.done $0x0  }
.Ltmp1:
0x44: {  	[sflag:s15] =	ssyncadd.s32 $0xFFFFC000;
	(pc) =	sbr.rel @p0 .LBB2_1-.Ltmp1, $4  }
0x45: {  	[hbm4b:s17+s2] =	stream.linear.scatter [tilespmem:s13], [sflag:$0x3], $0x4000, $0x38;
	[tilespmem:$0xD000] =	vst v63  }
0x46: {  	_ =	swait.ge [sflag:s9], $0x4000  }
0x47: {  	[sflag:s9] =	ssyncset.done $0x0  }
0x48: {  	[sflag:s9] =	ssyncadd.s32 $0xFFFFC000  }
0x49: {  	_ =	sfence.sel $0x180000  }
0x4a: {  	[bflag:$0x0] =	sbarrier.arrive $0xFFFF  }
0x4b: {  	p0 =	sne.s32 s0, $0x0;
	_ =	strace $0x90000053  }
0x4c: {  	s0 =	sadd.s32 @!p0 $0x100000, s1;
	[bflag:$0x2] =	sbarrier.arrive $0xFFFF  }
0x4d: {  	[sflag:s0] =	ssyncadd.tile.s32 @!p0 $0x1;
	_ =	shalt  }
.Lfunc_end2:
_tile_overlayer_lowered:
.L_overlay_start_2:
0x4e: {  	(tag) =	ssettag $0x2  }
0x4f: {  	s0 =	rddreg [dreg:$0x0];
	s2 =	stileid.u32  }
0x50: {  	s1 =	rddreg [dreg:$0x1];
	p0 =	sne.s32 s2, $0x0  }
0x51: {  	s3 =	rddreg [dreg:$0x2];
	[bflag:$0x3] =	sbarrier.arrive $0xFFFF;
	s2 =	simm.s32 @!p0 $0x1C03  }
0x52: {  	[timem:s3], [sflag:s2] =	dma.local @!p0 [hbm:s0], s1  }
0x53: {  	s0 =	simm.s32 @!p0 $0x3  }
0x54: {  	_ =	swait.ge @!p0 [sflag:s0], s1  }
0x55: {  	s1 =	ssub.s32 @!p0 $0x0, s1;
	[sflag:s0] =	ssyncset.done @!p0 $0x0  }
0x56: {  	[sflag:s0] =	ssyncadd.s32 @!p0 s1  }
0x57: {  	[bflag:$0x3] =	sbarrier.arrive $0xFFFF  }
0x58: {  	_ =	shalt  }

// kernel: kernel.38.cloned.1.call-start
scs
__scs_entry_jumppad:
0x0: {  	(pc) =	sbr.rel $0x88, $3  }
0x1: {  	(tag) =	ssettag $0x0;
	lr =	simm.s32 $0x1  }
0x2: {  	[smem:$0x3F82] =	sst lr;
	_ =	strace $0xD0000000  }
0x3: {  	_ = 	snop  }
0x4: {  	_ = 	snop  }
0x5: {  	_ = 	snop  }
0x6: {  	_ = 	snop  }
0x7: {  	_ = 	snop  }
__scs_overlays_trampoline_lowered:
0x8: {  	[smem:$0x3F91] =	sst s0  }
0x9: {  	[smem:$0x3F92] =	sst s1  }
0xa: {  	[smem:$0x3F93] =	sst s2  }
0xb: {  	[smem:$0x3F94] =	sst s3  }
0xc: {  	[smem:$0x3F95] =	sst s4  }
0xd: {  	[smem:$0x3F96] =	sst s5  }
0xe: {  	[smem:$0x3F97] =	sst s6  }
0xf: {  	[smem:$0x3F98] =	sst s7  }
0x10: {  	[smem:$0x3F99] =	sst s8  }
0x11: {  	[smem:$0x3F9A] =	sst s9;
	s0 =	simm.s32 @!p0 $0x0  }
0x12: {  	s1 =	sld [smem:$0x3F80];
	s0 =	simm.s32 @p0 $0x1  }
0x13: {  	[smem:$0x3F9B] =	sst s0;
	s0 =	simm.s32 @!p1 $0x0  }
0x14: {  	s2 =	sld [smem:$0x3F7F];
	s0 =	simm.s32 @p1 $0x1  }
0x15: {  	[smem:$0x3F9C] =	sst s0;
	s0 =	simm.s32 @!p2 $0x0  }
0x16: {  	s3 =	sld [smem:$0x3FDB];
	s0 =	simm.s32 @p2 $0x1  }
0x17: {  	s4 =	simm.s32 $0x1BF5;
	[smem:$0x3F9E] =	sst s0  }
0x18: {  	s0 =	sld [smem:$0x3F81];
	_ =	swait.ge [sflag:s4], $0x0  }
0x19: {  	s7 =	sld [smem:$0x3F82]  }
0x1a: {  	s8 =	sadd.s32 $0xFFFFE003, lr  }
0x1b: {  	s9 =	sadd.s32 $0xFFFFFEF7, lr;
	s5 =	simm.s32 $0xFFFFFFFF;
	p2 =	slt.u32 s8, $0xFFFFF086  }
0x1c: {  	p1 =	slt.u32 s9, $0xF7A;
	s5 =	simm.s32 @!p2 $0x0  }
0x1d: {  	s5 =	simm.s32 @p1 $0x1;
	p0 =	seq.s32 s7, s2  }
0x1e: {  	s7 =	smul.u32 @!p0 $0xF7A, s2;
	p2 =	seq.s32 @!p0 s5, $0x0  }
0x1f: {  	s9 =	smul.u32 $0xF7A, s1;
	s8 =	simm.s32 @!p0 $0x1BF5;
	p2 =	por !p2, p0  }
0x20: {  	[sflag:s8] =	ssyncset.s32 @!p0 $0xFFFFF086;
	s6 =	sadd.s32 @!p0 s3, s7;
	s7 =	simm.s32 @!p0 $0x108  }
0x21: {  	s3 =	sadd.s32 s3, s9;
	s6 =	sadd.s32 @!p0 $0x88, s6;
	s7 =	simm.s32 @p2 $0x1082  }
0x22: {  	[simem:s7], [sflag:s8] =	dma.local @!p0 [hbm:s6], $0xF7A  }
0x23: {  	s9 =	sor.u32 $0xD0000000, s2;
	s6 =	simm.s32 $0x108;
	_ =	swait.ge @!p0 [sflag:s8], $0x0  }
0x24: {  	s3 =	sadd.s32 $0x88, s3;
	s6 =	simm.s32 @!p1 $0x1082;
	[sflag:s4] =	ssyncset.s32 $0xFFFFF086  }
0x25: {  	[simem:s6], [sflag:s4] =	dma.local [hbm:s3], $0xF7A  }
0x26: {  	[smem:$0x3F82] =	sst s1;
	(tag) =	ssettag s2;
	_ =	strace s9  }
0x27: {  	s1 =	sld [smem:$0x3F92]  }
0x28: {  	s2 =	sld [smem:$0x3F93]  }
0x29: {  	s4 =	sld [smem:$0x3F95]  }
0x2a: {  	p0 =	seq.s32 s5, $0x0;
	s5 =	sld [smem:$0x3F96]  }
0x2b: {  	s6 =	sld [smem:$0x3F97]  }
0x2c: {  	s7 =	sld [smem:$0x3F98]  }
0x2d: {  	s3 =	simm.s32 $0x108;
	s8 =	sld [smem:$0x3F99]  }
0x2e: {  	s3 =	simm.s32 @!p0 $0x1082;
	s9 =	sld [smem:$0x3F9A]  }
0x2f: {  	lr =	sadd.s32 s0, s3;
	s0 =	sld [smem:$0x3F91]  }
0x30: {  	s3 =	sld [smem:$0x3F94]  }
0x31: {  	[smem:$0x3F9D] =	sst s10  }
0x32: {  	s10 =	sld [smem:$0x3F9B];
	_ =	sdelay $0x3  }
0x33: {  	p0 =	seq.s32 s10, $0x1;
	s10 =	sld [smem:$0x3F9D];
	_ =	sdelay $0x3  }
0x34: {  	[smem:$0x3F9D] =	sst s10  }
0x35: {  	s10 =	sld [smem:$0x3F9C];
	_ =	sdelay $0x3  }
0x36: {  	p1 =	seq.s32 s10, $0x1;
	s10 =	sld [smem:$0x3F9D];
	_ =	sdelay $0x3  }
0x37: {  	[smem:$0x3F9D] =	sst s10  }
0x38: {  	s10 =	sld [smem:$0x3F9E]  }
0x39: {  	_ = 	snop;
	(pc) =	sbr.ind lr, $3  }
0x3a: {  	_ = 	snop  }
0x3b: {  	_ = 	snop  }
0x3c: {  	p2 =	seq.s32 s10, $0x1;
	s10 =	sld [smem:$0x3F9D]  }
0x3d: {  	_ =	shalt  }
0x3e: {  	_ =	shalt  }
0x3f: {  	_ =	shalt  }
0x40: {  	_ =	shalt  }
0x41: {  	_ =	shalt  }
0x42: {  	_ =	shalt  }
0x43: {  	_ =	shalt  }
0x44: {  	_ =	shalt  }
0x45: {  	_ =	shalt  }
0x46: {  	_ =	shalt  }
0x47: {  	_ =	shalt  }
0x48: {  	_ =	shalt  }
0x49: {  	_ =	shalt  }
0x4a: {  	_ =	shalt  }
0x4b: {  	_ =	shalt  }
0x4c: {  	_ =	shalt  }
0x4d: {  	_ =	shalt  }
0x4e: {  	_ =	shalt  }
0x4f: {  	_ =	shalt  }
0x50: {  	_ =	shalt  }
0x51: {  	_ =	shalt  }
0x52: {  	_ =	shalt  }
0x53: {  	_ =	shalt  }
0x54: {  	_ =	shalt  }
0x55: {  	_ =	shalt  }
0x56: {  	_ =	shalt  }
0x57: {  	_ =	shalt  }
0x58: {  	_ =	shalt  }
0x59: {  	_ =	shalt  }
0x5a: {  	_ =	shalt  }
0x5b: {  	_ =	shalt  }
0x5c: {  	_ =	shalt  }
0x5d: {  	_ =	shalt  }
0x5e: {  	_ =	shalt  }
0x5f: {  	_ =	shalt  }
0x60: {  	_ =	shalt  }
0x61: {  	_ =	shalt  }
0x62: {  	_ =	shalt  }
0x63: {  	_ =	shalt  }
0x64: {  	_ =	shalt  }
0x65: {  	_ =	shalt  }
0x66: {  	_ =	shalt  }
0x67: {  	_ =	shalt  }
0x68: {  	_ =	shalt  }
0x69: {  	_ =	shalt  }
0x6a: {  	_ =	shalt  }
0x6b: {  	_ =	shalt  }
0x6c: {  	_ =	shalt  }
0x6d: {  	_ =	shalt  }
0x6e: {  	_ =	shalt  }
0x6f: {  	_ =	shalt  }
0x70: {  	_ =	shalt  }
0x71: {  	_ =	shalt  }
0x72: {  	_ =	shalt  }
0x73: {  	_ =	shalt  }
0x74: {  	_ =	shalt  }
0x75: {  	_ =	shalt  }
0x76: {  	_ =	shalt  }
0x77: {  	_ =	shalt  }
0x78: {  	_ =	shalt  }
0x79: {  	_ =	shalt  }
0x7a: {  	_ =	shalt  }
0x7b: {  	_ =	shalt  }
0x7c: {  	_ =	shalt  }
0x7d: {  	_ =	shalt  }
0x7e: {  	_ =	shalt  }
0x7f: {  	_ =	shalt  }
0x80: {  	_ =	shalt  }
0x81: {  	_ =	shalt  }
0x82: {  	_ =	shalt  }
0x83: {  	_ =	shalt  }
0x84: {  	_ =	shalt  }
0x85: {  	_ =	shalt  }
0x86: {  	_ =	shalt  }
0x87: {  	_ =	shalt  }
.Lfunc_end0:
.L_simem_size_0:
called_computation.5_lowered:
.L_overlay_start_0:
0x88: {  	s2 =	sld [smem:$0x3FD9]  }
0x89: {  	s3 =	sld [smem:$0x3FFE];
	_ =	sdelay $0x1  }
0x8a: {  	s1 =	srdreg.scid  }
0x8b: {  	s0 =	sand.u32 $0x1, s1  }
0x8c: {  	s16 =	sshll.u32 s0, $0xA;
	s2 =	sadd.s32 s3, s2  }
0x8d: {  	s2 =	sadd.s32 s2, s16  }
0x8e: {  	[smem:$0x3FA9] =	sst s2  }
0x8f: {  	_ = 	snop  }
0x90: {  	(tm) =	ssettm $0x1  }
0x91: {  	s17 =	sld [smem:$0x3FFB];
	_ =	sdelay $0x3  }
0x92: {  	_ =	strace s17  }
0x93: {  	s2 =	sld [smem:$0x3FFC];
	_ =	sdelay $0x3  }
0x94: {  	_ =	strace s2  }
0x95: {  	s2 =	sld [smem:$0x3FFD];
	_ =	sdelay $0x3  }
0x96: {  	_ =	strace s2  }
0x97: {  	_ =	strace $0x8FFFFFFF  }
0x98: {  	s18 =	sld [smem:$0x3FDB];
	_ =	sdelay $0x1  }
0x99: {  	s19 =	simm.s32 $_scs_section_size  }
0x9a: {  	s4 =	simm.s32 $_size__tile_overlayer_lowered;
	s5 =	simm.s32 $_tile_overlayer_lowered  }
0x9b: {  	s22 =	simm.s32 $0x1BFF;
	s21 =	sshll.u32 s5, $0x1;
	s2 =	sadd.s32 s19, s18  }
0x9c: {  	s6 =	simm.s32 $0x0;
	s20 =	sshll.u32 s4, $0x1;
	s4 =	sadd.s32 s21, s2  }
0x9d: {  	[timem:s6], [sflag:s22] =	dma.local [hbm:s4], s20  }
0x9e: {  	_ =	swait.ge [sflag:s22], s20  }
0x9f: {  	s3 =	ssub.s32 $0x0, s20;
	[sflag:s22] =	ssyncset.done $0x0  }
0xa0: {  	[sflag:s22] =	ssyncadd.s32 s3;
	_ =	sdelay $0x1  }
0xa1: {  	s23 =	simm.s32 $0x1B8B  }
0xa2: {  	_ =	swait.ge [sflag:s23], $0x1  }
0xa3: {  	[sflag:s23] =	ssyncset.done $0x0  }
0xa4: {  	s25 =	simm.s32 $0x1B8E;
	s24 =	sld [smem:$0x3FFE];
	[sflag:s23] =	ssyncadd.s32 $0xFFFFFFFF  }
0xa5: {  	s26 =	simm.s32 $execute0_lowered;
	[smem:$0x3FD2] =	sst s25  }
0xa6: {  	s4 =	sshll.u32 s26, $0x1;
	_ =	strace $0x80000055;
	[dreg:$0x1] =	wrdreg $0xFFFFFFFF  }
0xa7: {  	s28 =	simm.s32 $_size_execute0_lowered;
	s2 =	sadd.s32 s2, s4;
	[dreg:$0x0] =	wrdreg $0x0  }
0xa8: {  	s4 =	sshll.u32 s28, $0x1;
	[dreg:$0x2] =	wrdreg s2  }
0xa9: {  	[dreg:$0x3] =	wrdreg s4  }
0xaa: {  	[dreg:$0x4] =	wrdreg $0xC0  }
0xab: {  	_ =	task [dreg:s6], $0x5FFFF  }
0xac: {  	[dreg:$0x1] =	wrdreg $0xFFFFFFFF  }
0xad: {  	[dreg:$0x0] =	wrdreg $0x60  }
0xae: {  	[dreg:$0x2] =	wrdreg s24  }
0xaf: {  	[dreg:$0x3] =	wrdreg $0x68000  }
0xb0: {  	[dreg:$0x4] =	wrdreg $0x9  }
0xb1: {  	_ =	task.clear_ibuf [dreg:s6], $0x5FFFF;
	_ =	strace $0x90000055  }
0xb2: {  	s29 =	simm.s32 $0x9;
	_ =	strace $0x80000057  }
0xb3: {  	_ =	swait.ge [sflag:s29], $0x1  }
0xb4: {  	[sflag:s29] =	ssyncadd.s32 $0xFFFFFFFF  }
0xb5: {  	_ =	strace $0x90000057  }
0xb6: {  	_ =	sfence  }
0xb7: {  	s30 =	sld [smem:$0x0];
	_ =	sdelay $0x2  }
0xb8: {  	s31 =	sshll.u32 s1, $0xD;
	s1 =	sshrl.u32 s1, $0x2  }
0xb9: {  	s3 =	sand.u32 $0x4000, s31;
	s1 =	sadd.s32 s1, s30  }
0xba: {  	s0 =	sor.u32 s3, s0;
	s1 =	sshll.u32 s1, $0x11  }
0xbb: {  	s0 =	sor.u32 s1, s0  }
0xbc: {  	s0 =	sadd.s32 $0x8F2B, s0  }
0xbd: {  	[sflag:s0] =	ssyncadd.remote.s32 $0x1  }
0xbe: {  	_ =	sfence.sel $0xFFFF  }
0xbf: {  	[dreg:$0x0] =	wrdreg $0xFFFFFFFF;
	(pc) =	sbr.abs _section_cstart, $3  }
0xc0: {  	[dreg:$0x1] =	wrdreg $0xFFFFFFFF  }
0xc1: {  	_ =	task.clear_ibuf [dreg:s6], $0x2FFFF;
	_ =	strace $0x9FFFFFFF  }
0xc2: {  	(tm) =	ssettm $0x7FFFFFFF  }
0xc3: {  	_ =	shalt  }
tec
execute0_lowered:
.L_overlay_start_1:
0x0: {  	(tag) =	ssettag $0x1  }
0x1: {  	s4 =	rddreg [dreg:$0x0]  }
0x2: {  	s1 =	rddreg [dreg:$0x1];
	s14 =	stileid.u32  }
0x3: {  	s2 =	srdreg.scid;
	s0 =	rddreg [dreg:$0x2];
	s16 =	simm.s32 $0x0  }
0x4: {  	s5 =	sand.u32 $0x1, s2;
	s3 =	sshll.u32 s14, $0x1;
	s6 =	smul.u32 $0x4F000, s14  }
0x5: {  	s2 =	simm.s32 $0x0;
	s10 =	smul.u32 $0x13800, s14;
	s11 =	sadd.s32 $0xAA5A00, s4  }
0x6: {  	s12 =	smul.u32 $0x4E000, s14;
	s13 =	sadd.s32 $0x124800, s1;
	p0 =	sne.s32 s14, $0x0  }
0x7: {  	p1 =	seq.s32 s14, $0xF;
	s3 =	sor.u32 s5, s3;
	s25 =	smul.u32 $0x138800, s5  }
0x8: {  	[smem:$0x7FF] =	sst s2;
	s9 =	ssub.s32 $0x2, s5;
	s30 =	smul.u32 $0x27800, s5  }
0x9: {  	s13 =	sshrl.u32 @p1 s13, $0x3;
	s14 =	sshll.u32 @!p1 s14, $0x6;
	s3 =	smul.u32 $0x500, s3  }
0xa: {  	_ =	strace $0x80000056;
	s7 =	sadd.s32 s6, s4;
	s26 =	sshrl.u32 s9, $0x1  }
0xb: {  	s29 =	sshrl.u32 s12, $0x2;
	s12 =	simm.s32 $0x80;
	s14 =	sor.u32 @!p1 $0x1C01, s14  }
0xc: {  	s9 =	ssub.s32 s9, s26;
	s10 =	sadd.s32 s10, s25;
	s6 =	sshrl.u32 s25, $0x3  }
0xd: {  	s15 =	sadd.s32 s29, s1;
	s31 =	sadd.s32 s30, s7;
	s8 =	sadd.s32 s3, s4  }
0xe: {  	s3 =	sadd.s32 $0xA2FE00, s4;
	s28 =	sshrl.u32 s10, $0x3;
	s6 =	sadd.s32 s11, s6  }
0xf: {  	s7 =	smax.u32 s9, $0x1;
	s9 =	sshrl.u32 @!p0 s1, $0x3;
	s10 =	simm.s32 $0x1  }
0x10: {  	s15 =	sshrl.u32 @!p1 s15, $0x3;
	s4 =	sadd.s32 $0xB400, s8;
	s5 =	sadd.s32 s11, s28  }
0x11: {  	s6 =	sadd.s32 $0x24900, s6;
	s8 =	sadd.s32 $0x1406600, s31;
	s11 =	simm.s32 $0x2800  }
.LBB2_1:
0x12: {  	s17 =	simm.s32 @!p0 $0x1C01  }
0x13: {  	[spmem:s9], [sflag:s17] =	dma.local @!p0 [hbm:s3], $0x27100  }
0x14: {  	s17 =	simm.s32 @!p0 $0x1  }
0x15: {  	_ =	swait.ge @!p0 [sflag:s17], $0x27100  }
0x16: {  	[sflag:s17] =	ssyncset.done @!p0 $0x0  }
0x17: {  	[sflag:s17] =	ssyncadd.s32 @!p0 $0xFFFD8F00  }
0x18: {  	[bflag:$0x0] =	sbarrier.arrive $0xFFFF  }
0x19: {  	[tilespmem:s2], [sflag:$0x1] =	stream.linear.gather [hbm4b:s4+s2], $0x2780, $0x38;
	[tilespmem:$0x1A080] =	vst v63  }
0x1a: {  	_ =	swait.ge [sflag:s10], $0x2780  }
0x1b: {  	[sflag:s10] =	ssyncset.done $0x0  }
0x1c: {  	[sflag:s10] =	ssyncadd.s32 $0xFFFFD880  }
0x1d: {  	[tilespmem:s11], [sflag:$0x1] =	stream.linear.gather [hbm4b:s8+s2], $0x4000, $0x38;
	[tilespmem:$0x1A080] =	vst v63  }
0x1e: {  	_ =	swait.ge [sflag:s10], $0x4000  }
0x1f: {  	[sflag:s10] =	ssyncset.done $0x0  }
0x20: {  	s31 =	simm.s32 $0x0;
	[sflag:s10] =	ssyncadd.s32 $0xFFFFC000  }
0x21: {  	[spmem:s1] =	stream.indirect.scatter.add.f32 [tilespmem:s11], [sflag:$0x1], $0x80, s31, s12, $0xb8;
	[tilespmem:$0x1A080] =	vst v63  }
0x22: {  	_ =	swait.ge [sflag:s10], $0x4000  }
0x23: {  	s18 =	smov.u32 s8;
	s17 =	simm.s32 $0x200;
	[sflag:s10] =	ssyncset.done $0x0  }
.LBB2_2:
0x24: {  	p2 =	sne.s32 s17, $0x9C00;
	[sflag:s10] =	ssyncadd.s32 $0xFFFFC000;
	s18 =	sadd.s32 $0x800, s18  }
0x25: {  	[tilespmem:s11], [sflag:$0x1] =	stream.linear.gather [hbm4b:s18+s2], $0x4000, $0x38;
	[tilespmem:$0x1A080] =	vst v63  }
0x26: {  	s19 =	smov.u32 s17;
	s17 =	sadd.s32 $0x200, s17;
	_ =	swait.ge [sflag:s10], $0x4000  }
.Ltmp0:
0x27: {  	[sflag:s10] =	ssyncset.done $0x0;
	(pc) =	sbr.rel @p2 .LBB2_2-.Ltmp0, $4  }
0x28: {  	s19 =	sshra.s32 s19, $0x2;
	[sflag:s10] =	ssyncadd.s32 $0xFFFFC000  }
0x29: {  	[spmem:s1] =	stream.indirect.scatter.add.f32 [tilespmem:s11], [sflag:$0x1], $0x80, s19, s12, $0xb8;
	[tilespmem:$0x1A080] =	vst v63  }
0x2a: {  	_ =	swait.ge [sflag:s10], $0x4000  }
0x2b: {  	[sflag:s10] =	ssyncset.done $0x0  }
0x2c: {  	[sflag:s10] =	ssyncadd.s32 $0xFFFFC000  }
0x2d: {  	s17 =	simm.s32 @p1 $0x1FC1;
	[bflag:$0x0] =	sbarrier.arrive $0xFFFF  }
0x2e: {  	[hbm:s6], [sflag:s17] =	dma.local @p1 [spmem:s13], $0x2800  }
0x2f: {  	s17 =	simm.s32 @p1 $0x1  }
0x30: {  	s16 =	sadd.s32 $0x1, s16;
	_ =	swait.ge @p1 [sflag:s17], $0x2800  }
0x31: {  	p2 =	sne.s32 s16, s7;
	[sflag:s17] =	ssyncset.done @p1 $0x0  }
.Ltmp1:
0x32: {  	[sflag:s17] =	ssyncadd.s32 @p1 $0xFFFFD800;
	s17 =	simm.s32 @!p1 $0x1;
	(pc) =	sbr.rel @p2 .LBB2_1-.Ltmp1, $4  }
0x33: {  	[hbm:s5], [sflag:s14] =	dma.local @!p1 [spmem:s15], $0x2700  }
0x34: {  	_ =	swait.ge @!p1 [sflag:s17], $0x2700  }
0x35: {  	[sflag:s17] =	ssyncset.done @!p1 $0x0  }
0x36: {  	[sflag:s17] =	ssyncadd.s32 @!p1 $0xFFFFD900  }
0x37: {  	_ =	sfence.sel $0x180000  }
0x38: {  	[bflag:$0x0] =	sbarrier.arrive $0xFFFF  }
0x39: {  	_ =	strace $0x90000056  }
0x3a: {  	s0 =	sadd.s32 @!p0 $0x100000, s0;
	[bflag:$0x2] =	sbarrier.arrive $0xFFFF  }
0x3b: {  	[sflag:s0] =	ssyncadd.tile.s32 @!p0 $0x1;
	_ =	shalt  }
.Lfunc_end2:
_tile_overlayer_lowered:
.L_overlay_start_2:
0x3c: {  	(tag) =	ssettag $0x2  }
0x3d: {  	s0 =	rddreg [dreg:$0x0];
	s2 =	stileid.u32  }
0x3e: {  	s1 =	rddreg [dreg:$0x1];
	p0 =	sne.s32 s2, $0x0  }
0x3f: {  	s3 =	rddreg [dreg:$0x2];
	[bflag:$0x3] =	sbarrier.arrive $0xFFFF;
	s2 =	simm.s32 @!p0 $0x1C01  }
0x40: {  	[timem:s3], [sflag:s2] =	dma.local @!p0 [hbm:s0], s1  }
0x41: {  	s0 =	simm.s32 @!p0 $0x1  }
0x42: {  	_ =	swait.ge @!p0 [sflag:s0], s1  }
0x43: {  	s1 =	ssub.s32 @!p0 $0x0, s1;
	[sflag:s0] =	ssyncset.done @!p0 $0x0  }
0x44: {  	[sflag:s0] =	ssyncadd.s32 @!p0 s1  }
0x45: {  	[bflag:$0x3] =	sbarrier.arrive $0xFFFF  }
0x46: {  	_ =	shalt  }

</sc_bundles>
